<compile_context>
chip_gen: v7x
topology: tpu7x:2x2x1
jax: 0.10.2.dev20260603
libtpu: 0.0.44.dev20260713+nightly
codegen_flags: <defaults>
</compile_context>

<pallas_src>
import functools

import jax
import jax.numpy as jnp
from jax import lax
from jax.experimental import pallas as pl
from jax.experimental.pallas import tpu as pltpu
from jax.experimental.pallas import tpu_sc as plsc

_NC = 2
_NS = 16
_NW = _NC * _NS
_H = 8
_HD = 16
_BSLOT = 8



def _qkv_body(x_ref, wq_ref, bq_ref, wk_ref, bk_ref, wv_ref, bv_ref,
              q_ref, k_ref, v_ref):
    xb = x_ref[...]
    q_ref[...] = jnp.dot(xb, wq_ref[...], preferred_element_type=jnp.float32) + bq_ref[...]
    k_ref[...] = jnp.dot(xb, wk_ref[...], preferred_element_type=jnp.float32) + bk_ref[...]
    v_ref[...] = jnp.dot(xb, wv_ref[...], preferred_element_type=jnp.float32) + bv_ref[...]


def _qkv(x, WQ, bQ, WK, bK, WV, bV, block_rows):
    n, d = x.shape
    grid = (n // block_rows,)
    row_spec = pl.BlockSpec((block_rows, d), lambda i: (i, 0))
    w_spec = pl.BlockSpec((d, d), lambda i: (0, 0))
    b_spec = pl.BlockSpec((1, d), lambda i: (0, 0))
    out = jax.ShapeDtypeStruct((n, d), jnp.float32)
    return pl.pallas_call(
        _qkv_body,
        grid=grid,
        in_specs=[row_spec, w_spec, b_spec, w_spec, b_spec, w_spec, b_spec],
        out_specs=[row_spec, row_spec, row_spec],
        out_shape=[out, out, out],
    )(x, WQ, bQ.reshape(1, d), WK, bK.reshape(1, d), WV, bV.reshape(1, d))



def _gather_body(n_edges, chunk, qx, kx, vx, src, dst,
                 qs_out, kd_out, vd_out,
                 src_v, dst_v, qb, kb, vb, sem_q, sem_k, sem_v):
    c = lax.axis_index("c")
    s = lax.axis_index("s")
    w = c * _NS + s
    epw = n_edges // _NW
    n_chunks = epw // chunk

    def _chunk_body(ci, _):
        base = w * epw + ci * chunk
        pltpu.sync_copy(src.at[pl.ds(base, chunk)], src_v)
        pltpu.sync_copy(dst.at[pl.ds(base, chunk)], dst_v)
        cp_q = pltpu.async_copy(qx.at[src_v], qb, sem_q)
        cp_k = pltpu.async_copy(kx.at[dst_v], kb, sem_k)
        cp_v = pltpu.async_copy(vx.at[dst_v], vb, sem_v)
        cp_q.wait()
        cp_k.wait()
        cp_v.wait()
        pltpu.sync_copy(qb, qs_out.at[pl.ds(base, chunk)])
        pltpu.sync_copy(kb, kd_out.at[pl.ds(base, chunk)])
        pltpu.sync_copy(vb, vd_out.at[pl.ds(base, chunk)])
        return 0

    lax.fori_loop(0, n_chunks, _chunk_body, 0)


def _gather_phase(qx, kx, vx, src, dst, chunk=200):
    n, d = qx.shape
    e = src.shape[0]
    mesh = plsc.VectorSubcoreMesh(core_axis_name="c", subcore_axis_name="s")
    out = jax.ShapeDtypeStruct((e, d), jnp.float32)
    kfn = pl.kernel(
        functools.partial(_gather_body, e, chunk),
        out_type=(out, out, out),
        mesh=mesh,
        scratch_types=(
            pltpu.VMEM((chunk,), jnp.int32),
            pltpu.VMEM((chunk,), jnp.int32),
            pltpu.VMEM((chunk, d), jnp.float32),
            pltpu.VMEM((chunk, d), jnp.float32),
            pltpu.VMEM((chunk, d), jnp.float32),
            pltpu.SemaphoreType.DMA,
            pltpu.SemaphoreType.DMA,
            pltpu.SemaphoreType.DMA,
        ),
    )
    return kfn(qx, kx, vx, src, dst)



def _edge_math_body(qs_ref, kd_ref, vd_ref, w_ref, den_ref):
    p = qs_ref[...] * kd_ref[...]
    d = p.shape[-1]
    rows = lax.broadcasted_iota(jnp.int32, (d, d), 0)
    cols = lax.broadcasted_iota(jnp.int32, (d, d), 1)
    rep = (rows // _HD == cols // _HD).astype(jnp.float32)
    logits = jnp.dot(p, rep, preferred_element_type=jnp.float32)
    wrep = jnp.exp(logits * jnp.float32(0.25))
    w_ref[...] = wrep * vd_ref[...]
    rows2 = lax.broadcasted_iota(jnp.int32, (d, _HD), 0)
    cols2 = lax.broadcasted_iota(jnp.int32, (d, _HD), 1)
    sel = ((rows2 // _HD == cols2) & (cols2 < _H)).astype(jnp.float32) * jnp.float32(1.0 / _HD)
    den_ref[...] = jnp.dot(wrep, sel, preferred_element_type=jnp.float32)


def _edge_math(qs, kd, vd, block_rows):
    e, d = qs.shape
    grid = (e // block_rows,)
    row_spec = pl.BlockSpec((block_rows, d), lambda i: (i, 0))
    den_spec = pl.BlockSpec((block_rows, _HD), lambda i: (i, 0))
    return pl.pallas_call(
        _edge_math_body,
        grid=grid,
        in_specs=[row_spec, row_spec, row_spec],
        out_specs=[row_spec, den_spec],
        out_shape=[jax.ShapeDtypeStruct((e, d), jnp.float32),
                   jax.ShapeDtypeStruct((e, _HD), jnp.float32)],
    )(qs, kd, vd)



def _seg_body(n_nodes, n_edges, chunk, wrows, drows, srcrep, tgt,
              num_out, den_out, bnum_out, bden_out, bidx_out,
              tgt_v, wb, db, srb, sbuf, sdbuf, bbuf, bdbuf, bibuf,
              sem_t, sem_r, sem_w, sem_d, sem_n, sem_dn):
    c = lax.axis_index("c")
    s = lax.axis_index("s")
    w = c * _NS + s
    epw = n_edges // _NW
    n_chunks = epw // chunk
    npad = n_nodes + 8
    lane = jnp.arange(_HD, dtype=jnp.int32)
    zero_row = jnp.zeros((_HD,), jnp.float32)

    def _zero_bufs(i, _):
        for j in range(_H):
            wb[i, pl.ds(j * _HD, _HD)] = zero_row
            sdbuf[i, pl.ds(j * _HD, _HD)] = zero_row
        db[i, :] = zero_row
        return 0

    lax.fori_loop(0, chunk, _zero_bufs, 0)

    rz = (npad // (8 * _NS)) * 8
    rem = npad - rz * _NS
    row0 = c * npad + s * rz

    def _zero_out(base, nrows):
        off = 0
        while off < nrows:
            step = min(chunk, nrows - off)
            pltpu.sync_copy(wb.at[pl.ds(0, step)], num_out.at[pl.ds(base + off, step)])
            pltpu.sync_copy(sdbuf.at[pl.ds(0, step)], den_out.at[pl.ds(base + off, step)])
            off += step

    _zero_out(row0, rz)

    @pl.when(s == _NS - 1)
    def _():
        _zero_out(c * npad + rz * _NS, rem)

    plsc.subcore_barrier()

    def _chunk_body(ci, carry):
        curv, accs, dacc = carry
        base = w * epw + ci * chunk
        cp_s = pltpu.async_copy(srcrep.at[pl.ds(base, chunk)], srb, sem_r)
        cp_w = pltpu.async_copy(wrows.at[pl.ds(base, chunk)], wb, sem_w)
        cp_d = pltpu.async_copy(drows.at[pl.ds(base, chunk)], db, sem_d)

        @pl.when(ci > 0)
        def _():
            pltpu.make_async_copy(wrows.at[pl.ds(0, chunk)], sbuf, sem_n).wait()
            pltpu.make_async_copy(wrows.at[pl.ds(0, chunk)], sdbuf, sem_dn).wait()

        cp_t = pltpu.async_copy(tgt.at[pl.ds(base, chunk)], tgt_v, sem_t)
        cp_s.wait()
        cp_w.wait()
        cp_d.wait()

        def _edge(e, ecarry):
            curv, accs, dacc = ecarry
            sv = srb[e, :]
            ch = sv != curv
            new_accs = []
            for h in range(_H):
                wv = wb[e, pl.ds(h * _HD, _HD)]
                na = jnp.where(ch, wv, accs[h] + wv)
                sbuf[e, pl.ds(h * _HD, _HD)] = na
                new_accs.append(na)
            dv = db[e, :]
            dacc = jnp.where(ch, dv, dacc + dv)
            sdbuf[e, pl.ds(0, _HD)] = dacc
            return sv, tuple(new_accs), dacc

        curv, accs, dacc = lax.fori_loop(0, chunk, _edge, (curv, accs, dacc))

        cp_t.wait()
        pltpu.async_copy(sbuf, num_out.at[tgt_v], sem_n)
        pltpu.async_copy(sdbuf, den_out.at[tgt_v], sem_dn)
        return curv, accs, dacc

    acc0 = tuple(jnp.zeros((_HD,), jnp.float32) for _ in range(_H))
    curv, accs, dacc = lax.fori_loop(
        0, n_chunks, _chunk_body,
        (jnp.full((_HD,), -1, jnp.int32), acc0, jnp.zeros((_HD,), jnp.float32)))

    pltpu.make_async_copy(wrows.at[pl.ds(0, chunk)], sbuf, sem_n).wait()
    pltpu.make_async_copy(wrows.at[pl.ds(0, chunk)], sdbuf, sem_dn).wait()

    for h in range(_H):
        bbuf[1, pl.ds(h * _HD, _HD)] = accs[h]
        bbuf[0, pl.ds(h * _HD, _HD)] = zero_row
    bdbuf[1, :] = dacc
    bdbuf[0, :] = zero_row
    bibuf[...] = jnp.where(lane == 1, curv, jnp.full((_HD,), -1, jnp.int32))

    pltpu.sync_copy(bbuf, bnum_out.at[pl.ds(w * _BSLOT, _BSLOT)])
    pltpu.sync_copy(bdbuf, bden_out.at[pl.ds(w * _BSLOT, _BSLOT)])
    pltpu.sync_copy(bibuf.at[pl.ds(0, _BSLOT)], bidx_out.at[pl.ds(w * _BSLOT, _BSLOT)])


def _seg_phase(wrows, drows, srcrep, tgt, n_nodes, chunk=200):
    e, d = wrows.shape
    npad = n_nodes + 8
    mesh = plsc.VectorSubcoreMesh(core_axis_name="c", subcore_axis_name="s")
    kfn = pl.kernel(
        functools.partial(_seg_body, n_nodes, e, chunk),
        out_type=(
            jax.ShapeDtypeStruct((_NC * npad, d), jnp.float32),
            jax.ShapeDtypeStruct((_NC * npad, d), jnp.float32),
            jax.ShapeDtypeStruct((_NW * _BSLOT, d), jnp.float32),
            jax.ShapeDtypeStruct((_NW * _BSLOT, _HD), jnp.float32),
            jax.ShapeDtypeStruct((_NW * _BSLOT,), jnp.int32),
        ),
        mesh=mesh,
        scratch_types=(
            pltpu.VMEM((chunk,), jnp.int32),
            pltpu.VMEM((chunk, d), jnp.float32),
            pltpu.VMEM((chunk, _HD), jnp.float32),
            pltpu.VMEM((chunk, _HD), jnp.int32),
            pltpu.VMEM((chunk, d), jnp.float32),
            pltpu.VMEM((chunk, d), jnp.float32),
            pltpu.VMEM((_BSLOT, d), jnp.float32),
            pltpu.VMEM((_BSLOT, _HD), jnp.float32),
            pltpu.VMEM((_HD,), jnp.int32),
            pltpu.SemaphoreType.DMA,
            pltpu.SemaphoreType.DMA,
            pltpu.SemaphoreType.DMA,
            pltpu.SemaphoreType.DMA,
            pltpu.SemaphoreType.DMA,
            pltpu.SemaphoreType.DMA,
        ),
    )
    return kfn(wrows, drows, srcrep, tgt)



def _merge_body(num_ref, den_ref, bnum_ref, bden_ref, bidx_ref,
                onum_ref, oden_ref):
    onum_ref[...] = num_ref[0] + num_ref[1]
    oden_ref[...] = den_ref[0] + den_ref[1]

    def _apply(i, _):
        idx = bidx_ref[i]

        @pl.when(idx >= 0)
        def _():
            onum_ref[pl.ds(idx, 1), :] = onum_ref[pl.ds(idx, 1), :] + bnum_ref[pl.ds(i, 1), :]
            oden_ref[pl.ds(idx, 1), :] = oden_ref[pl.ds(idx, 1), :] + bden_ref[pl.ds(i, 1), :]

        return 0

    lax.fori_loop(0, _NW * _BSLOT, _apply, 0)


def _merge_phase(num2, den2, bnum, bden, bidx, n_nodes):
    d = num2.shape[-1]
    nb = _NW * _BSLOT
    return pl.pallas_call(
        _merge_body,
        in_specs=[
            pl.BlockSpec((_NC, n_nodes, d), lambda: (0, 0, 0)),
            pl.BlockSpec((_NC, n_nodes, _HD), lambda: (0, 0, 0)),
            pl.BlockSpec((nb, d), lambda: (0, 0)),
            pl.BlockSpec((nb, _HD), lambda: (0, 0)),
            pl.BlockSpec(memory_space=pltpu.SMEM),
        ],
        out_specs=[pl.BlockSpec((n_nodes, d), lambda: (0, 0)),
                   pl.BlockSpec((n_nodes, _HD), lambda: (0, 0))],
        out_shape=[jax.ShapeDtypeStruct((n_nodes, d), jnp.float32),
                   jax.ShapeDtypeStruct((n_nodes, _HD), jnp.float32)],
    )(num2, den2, bnum, bden, bidx)



def _out_body(num_ref, den_ref, wout_ref, bout_ref,
              ln1w_ref, ln1b_ref, ln2w_ref, ln2b_ref, o_ref):
    nb = num_ref[...]
    db = den_ref[...]
    d = nb.shape[-1]
    rows = lax.broadcasted_iota(jnp.int32, (_HD, d), 0)
    cols = lax.broadcasted_iota(jnp.int32, (_HD, d), 1)
    rep_m = (cols // _HD == rows).astype(jnp.float32)
    rep = jnp.dot(db, rep_m, preferred_element_type=jnp.float32)
    attn = nb / (rep + jnp.float32(1e-16))
    mu = jnp.mean(attn, axis=1, keepdims=True)
    xc = attn - mu
    var = jnp.mean(xc * xc, axis=1, keepdims=True)
    ln1 = xc / jnp.sqrt(var + jnp.float32(1e-5)) * ln1w_ref[...] + ln1b_ref[...]
    o = jnp.dot(ln1, wout_ref[...], preferred_element_type=jnp.float32) + bout_ref[...]
    mu2 = jnp.mean(o, axis=1, keepdims=True)
    oc = o - mu2
    var2 = jnp.mean(oc * oc, axis=1, keepdims=True)
    o_ref[...] = oc / jnp.sqrt(var2 + jnp.float32(1e-5)) * ln2w_ref[...] + ln2b_ref[...]


def _out_phase(num, den, Wout, bout, ln1_w, ln1_b, ln2_w, ln2_b, block_rows):
    n, d = num.shape
    grid = (n // block_rows,)
    num_spec = pl.BlockSpec((block_rows, d), lambda i: (i, 0))
    den_spec = pl.BlockSpec((block_rows, _HD), lambda i: (i, 0))
    w_spec = pl.BlockSpec((d, d), lambda i: (0, 0))
    vec_spec = pl.BlockSpec((1, d), lambda i: (0, 0))
    return pl.pallas_call(
        _out_body,
        grid=grid,
        in_specs=[num_spec, den_spec, w_spec, vec_spec, vec_spec, vec_spec,
                  vec_spec, vec_spec],
        out_specs=pl.BlockSpec((block_rows, d), lambda i: (i, 0)),
        out_shape=jax.ShapeDtypeStruct((n, d), jnp.float32),
    )(num, den, Wout, bout.reshape(1, d), ln1_w.reshape(1, d),
      ln1_b.reshape(1, d), ln2_w.reshape(1, d), ln2_b.reshape(1, d))



def kernel(x, edge_index, WQ, bQ, WK, bK, WV, bV, Wout, bout,
           ln1_w, ln1_b, ln2_w, ln2_b):
    src = edge_index[0, :].astype(jnp.int32)
    dst = edge_index[1, :].astype(jnp.int32)
    n = x.shape[0]
    order = jnp.argsort(src)
    src_s = src[order]
    dst_s = dst[order]
    e = src_s.shape[0]
    npad = n + 8
    epw = e // _NW
    eidx = jnp.arange(e, dtype=jnp.int32)
    core_of_edge = (eidx // epw) // _NS
    dump = core_of_edge * npad + n
    seg_last = jnp.concatenate([src_s[1:] != src_s[:-1],
                                jnp.ones((1,), bool)])
    tile_last = (eidx % epw) == (epw - 1)
    tgt = jnp.where(tile_last | ~seg_last, dump, core_of_edge * npad + src_s)
    srcrep = jnp.broadcast_to(src_s[:, None], (e, _HD))
    qx, kx, vx = _qkv(x, WQ, bQ, WK, bK, WV, bV, block_rows=1000)
    qs, kd, vd = _gather_phase(qx, kx, vx, src_s, dst_s)
    wrows, drows = _edge_math(qs, kd, vd, block_rows=4000)
    pnum, pden, bnum, bden, bidx = _seg_phase(wrows, drows, srcrep, tgt, n)
    num2 = pnum.reshape(_NC, npad, -1)[:, :n]
    den2 = pden.reshape(_NC, npad, -1)[:, :n, :_HD]
    num, den = _merge_phase(num2, den2, bnum, bden, bidx, n)
    return _out_phase(num, den, Wout, bout, ln1_w, ln1_b, ln2_w, ln2_b,
                      block_rows=1000)

# --- scband reference (transcript-rebuilt; emitter-appended) ---
"""Pipeline reference for scband-naive-khop-graph-attention-8143257994118 (READ-ONLY COPY).

The authoritative reference and input builder live on the scoring server;
editing this copy changes nothing except your own understanding.
"""

import jax, jax.numpy as jnp
import numpy as np

N = 10000
E = 320000
D = 128
H = 8
HEAD_DIM = D // H
EPS = 1e-5


def _layer_norm(x, w, b):
    mu = jnp.mean(x, axis=-1, keepdims=True)
    var = jnp.mean((x - mu) ** 2, axis=-1, keepdims=True)
    return (x - mu) / jnp.sqrt(var + EPS) * w + b


def setup_inputs(seed: int = 0) -> dict:
    key = jax.random.key(seed)
    ks = jax.random.split(key, 16)
    x = jax.random.normal(ks[0], (N, D), dtype=jnp.float32)
    edge_index = jax.random.randint(ks[1], (2, E), 0, N, dtype=jnp.int64)
    s = 1.0 / np.sqrt(D)
    WQ = jax.random.uniform(ks[2], (D, D), jnp.float32, -s, s)
    bQ = jax.random.uniform(ks[3], (D,), jnp.float32, -s, s)
    WK = jax.random.uniform(ks[4], (D, D), jnp.float32, -s, s)
    bK = jax.random.uniform(ks[5], (D,), jnp.float32, -s, s)
    WV = jax.random.uniform(ks[6], (D, D), jnp.float32, -s, s)
    bV = jax.random.uniform(ks[7], (D,), jnp.float32, -s, s)
    Wout = jax.random.uniform(ks[8], (D, D), jnp.float32, -s, s)
    bout = jax.random.uniform(ks[9], (D,), jnp.float32, -s, s)
    ln1_w = jnp.ones((D,), jnp.float32)
    ln1_b = jnp.zeros((D,), jnp.float32)
    ln2_w = jnp.ones((D,), jnp.float32)
    ln2_b = jnp.zeros((D,), jnp.float32)
    return {"x": x, "edge_index": edge_index, "WQ": WQ, "bQ": bQ, "WK": WK, "bK": bK,
            "WV": WV, "bV": bV, "Wout": Wout, "bout": bout,
            "ln1_w": ln1_w, "ln1_b": ln1_b, "ln2_w": ln2_w, "ln2_b": ln2_b}


def reference(x, edge_index, WQ, bQ, WK, bK, WV, bV, Wout, bout, ln1_w, ln1_b, ln2_w, ln2_b):
    # Linear weights stored as [in, out] (transposed vs torch nn.Linear)
    src_idx = edge_index[0, :]
    dst_idx = edge_index[1, :]
    QX = x @ WQ + bQ
    KX = x @ WK + bK
    VX = x @ WV + bV
    QX_src = QX[src_idx, :].reshape(E, H, HEAD_DIM)
    KX_dst = KX[dst_idx, :].reshape(E, H, HEAD_DIM)
    VX_dst = VX[dst_idx, :].reshape(E, H, HEAD_DIM)
    logits = (QX_src * KX_dst).sum(axis=-1) / (HEAD_DIM ** 0.5)  # [E, H]
    seg_max = jax.ops.segment_max(logits, src_idx, num_segments=N)  # [N, H]
    shifted = logits - seg_max[src_idx]
    ex = jnp.exp(shifted)
    denom = jax.ops.segment_sum(ex, src_idx, num_segments=N)
    attn = ex / (denom[src_idx] + 1e-16)  # [E, H]
    weighted = (attn[:, :, None] * VX_dst).reshape(E, D)
    attn_out = jax.ops.segment_sum(weighted, src_idx, num_segments=N)  # [N, D]
    attn_out = _layer_norm(attn_out, ln1_w, ln1_b)
    # dropout p=0.0 -> identity
    out = attn_out @ Wout + bout
    out = _layer_norm(out, ln2_w, ln2_b)
    return out

if __name__ == "__main__":
    import jax
    _d = setup_inputs()
    print(jax.jit(kernel)(*tuple(_d.values())))

</pallas_src>

<mosaic_0001>
#map = affine_map<(d0, d1) -> (0, 0)>
#map1 = affine_map<(d0, d1) -> (0)>
module attributes {stable_mosaic.version = 14 : i64} {
  func.func @_seg_body(%arg0: i32, %arg1: i32, %arg2: memref<320000x128xf32, #tpu.memory_space<hbm>>, %arg3: memref<320000x16xf32, #tpu.memory_space<hbm>>, %arg4: memref<320000x16xi32, #tpu.memory_space<hbm>>, %arg5: memref<320000xi32, #tpu.memory_space<hbm>>, %arg6: memref<20016x128xf32, #tpu.memory_space<hbm>>, %arg7: memref<20016x128xf32, #tpu.memory_space<hbm>>, %arg8: memref<256x128xf32, #tpu.memory_space<hbm>>, %arg9: memref<256x16xf32, #tpu.memory_space<hbm>>, %arg10: memref<256xi32, #tpu.memory_space<hbm>>, %arg11: memref<200xi32, #tpu.memory_space<vmem>>, %arg12: memref<200x128xf32, #tpu.memory_space<vmem>>, %arg13: memref<200x16xf32, #tpu.memory_space<vmem>>, %arg14: memref<200x16xi32, #tpu.memory_space<vmem>>, %arg15: memref<200x128xf32, #tpu.memory_space<vmem>>, %arg16: memref<200x128xf32, #tpu.memory_space<vmem>>, %arg17: memref<8x128xf32, #tpu.memory_space<vmem>>, %arg18: memref<8x16xf32, #tpu.memory_space<vmem>>, %arg19: memref<16xi32, #tpu.memory_space<vmem>>, %arg20: memref<!tpu.dma_semaphore, #tpu.memory_space<semaphore_mem>>, %arg21: memref<!tpu.dma_semaphore, #tpu.memory_space<semaphore_mem>>, %arg22: memref<!tpu.dma_semaphore, #tpu.memory_space<semaphore_mem>>, %arg23: memref<!tpu.dma_semaphore, #tpu.memory_space<semaphore_mem>>, %arg24: memref<!tpu.dma_semaphore, #tpu.memory_space<semaphore_mem>>, %arg25: memref<!tpu.dma_semaphore, #tpu.memory_space<semaphore_mem>>) attributes {dimension_semantics = [#tpu.dimension_semantics<core_parallel>, #tpu.dimension_semantics<subcore_parallel>], iteration_bounds = array<i64: 2, 16>, scalar_prefetch = 0 : i64, scratch_operands = 15 : i64, tpu.core_type = #tpu.core_type<sc_vector_subcore>, window_params = [{transform_indices = #map}, {transform_indices = #map}, {transform_indices = #map}, {transform_indices = #map1}, {transform_indices = #map}, {transform_indices = #map}, {transform_indices = #map}, {transform_indices = #map}, {transform_indices = #map1}]} {
    %mul3A = arith.constant 16 : i32
    %mul3A_0 = arith.muli %arg0, %mul3A : i32
    %add3A = arith.addi %mul3A_0, %arg1 : i32
    %iota3A = tpu.iota {dimensions = array<i32: 0>} : vector<16xi32>
    %broadcast_in_dim3A = arith.constant 0.000000e+00 : f32
    %broadcast_in_dim3A_1 = vector.broadcast %broadcast_in_dim3A : f32 to vector<16xf32>
    %scan3A = arith.constant 0 : i32
    %scan3A_2 = arith.constant 0 : i32
    %scan3A_3 = arith.constant 200 : i32
    %scan3A_4 = arith.addi %scan3A_2, %scan3A_3 : i32
    %scan3A_5 = arith.constant 1 : i32
    %scan3A_6 = scf.for %scan3A_190 = %scan3A_2 to %scan3A_4 step %scan3A_5 iter_args(%scan3A_191 = %scan3A) -> (i32)  : i32 {
      %swap3A_192 = arith.index_cast %scan3A_190 : i32 to index
      %swap3A_193 = arith.constant 0 : index
      %swap3A_194 = tpu.vector_load %arg12[%swap3A_192, %swap3A_193] {strides = array<i32>} : memref<200x128xf32, #tpu.memory_space<vmem>>, vector<1x16xf32>,
      %swap3A_195 = vector.shape_cast %swap3A_194 : vector<1x16xf32> to vector<16xf32>
      %swap3A_196 = vector.shape_cast %broadcast_in_dim3A_1 : vector<16xf32> to vector<1x16xf32>
      tpu.vector_store %arg12[%swap3A_192, %swap3A_193], %swap3A_196 {strides = array<i32>} : memref<200x128xf32, #tpu.memory_space<vmem>>, vector<1x16xf32>,
      %swap3A_197 = arith.index_cast %scan3A_190 : i32 to index
      %swap3A_198 = arith.constant 0 : index
      %swap3A_199 = tpu.vector_load %arg16[%swap3A_197, %swap3A_198] {strides = array<i32>} : memref<200x128xf32, #tpu.memory_space<vmem>>, vector<1x16xf32>,
      %swap3A_200 = vector.shape_cast %swap3A_199 : vector<1x16xf32> to vector<16xf32>
      %swap3A_201 = vector.shape_cast %broadcast_in_dim3A_1 : vector<16xf32> to vector<1x16xf32>
      tpu.vector_store %arg16[%swap3A_197, %swap3A_198], %swap3A_201 {strides = array<i32>} : memref<200x128xf32, #tpu.memory_space<vmem>>, vector<1x16xf32>,
      %swap3A_202 = arith.index_cast %scan3A_190 : i32 to index
      %swap3A_203 = arith.constant 16 : index
      %swap3A_204 = tpu.vector_load %arg12[%swap3A_202, %swap3A_203] {strides = array<i32>} : memref<200x128xf32, #tpu.memory_space<vmem>>, vector<1x16xf32>,
      %swap3A_205 = vector.shape_cast %swap3A_204 : vector<1x16xf32> to vector<16xf32>
      %swap3A_206 = vector.shape_cast %broadcast_in_dim3A_1 : vector<16xf32> to vector<1x16xf32>
      tpu.vector_store %arg12[%swap3A_202, %swap3A_203], %swap3A_206 {strides = array<i32>} : memref<200x128xf32, #tpu.memory_space<vmem>>, vector<1x16xf32>,
      %swap3A_207 = arith.index_cast %scan3A_190 : i32 to index
      %swap3A_208 = arith.constant 16 : index
      %swap3A_209 = tpu.vector_load %arg16[%swap3A_207, %swap3A_208] {strides = array<i32>} : memref<200x128xf32, #tpu.memory_space<vmem>>, vector<1x16xf32>,
      %swap3A_210 = vector.shape_cast %swap3A_209 : vector<1x16xf32> to vector<16xf32>
      %swap3A_211 = vector.shape_cast %broadcast_in_dim3A_1 : vector<16xf32> to vector<1x16xf32>
      tpu.vector_store %arg16[%swap3A_207, %swap3A_208], %swap3A_211 {strides = array<i32>} : memref<200x128xf32, #tpu.memory_space<vmem>>, vector<1x16xf32>,
      %swap3A_212 = arith.index_cast %scan3A_190 : i32 to index
      %swap3A_213 = arith.constant 32 : index
      %swap3A_214 = tpu.vector_load %arg12[%swap3A_212, %swap3A_213] {strides = array<i32>} : memref<200x128xf32, #tpu.memory_space<vmem>>, vector<1x16xf32>,
      %swap3A_215 = vector.shape_cast %swap3A_214 : vector<1x16xf32> to vector<16xf32>
      %swap3A_216 = vector.shape_cast %broadcast_in_dim3A_1 : vector<16xf32> to vector<1x16xf32>
      tpu.vector_store %arg12[%swap3A_212, %swap3A_213], %swap3A_216 {strides = array<i32>} : memref<200x128xf32, #tpu.memory_space<vmem>>, vector<1x16xf32>,
      %swap3A_217 = arith.index_cast %scan3A_190 : i32 to index
      %swap3A_218 = arith.constant 32 : index
      %swap3A_219 = tpu.vector_load %arg16[%swap3A_217, %swap3A_218] {strides = array<i32>} : memref<200x128xf32, #tpu.memory_space<vmem>>, vector<1x16xf32>,
      %swap3A_220 = vector.shape_cast %swap3A_219 : vector<1x16xf32> to vector<16xf32>
      %swap3A_221 = vector.shape_cast %broadcast_in_dim3A_1 : vector<16xf32> to vector<1x16xf32>
      tpu.vector_store %arg16[%swap3A_217, %swap3A_218], %swap3A_221 {strides = array<i32>} : memref<200x128xf32, #tpu.memory_space<vmem>>, vector<1x16xf32>,
      %swap3A_222 = arith.index_cast %scan3A_190 : i32 to index
      %swap3A_223 = arith.constant 48 : index
      %swap3A_224 = tpu.vector_load %arg12[%swap3A_222, %swap3A_223] {strides = array<i32>} : memref<200x128xf32, #tpu.memory_space<vmem>>, vector<1x16xf32>,
      %swap3A_225 = vector.shape_cast %swap3A_224 : vector<1x16xf32> to vector<16xf32>
      %swap3A_226 = vector.shape_cast %broadcast_in_dim3A_1 : vector<16xf32> to vector<1x16xf32>
      tpu.vector_store %arg12[%swap3A_222, %swap3A_223], %swap3A_226 {strides = array<i32>} : memref<200x128xf32, #tpu.memory_space<vmem>>, vector<1x16xf32>,
      %swap3A_227 = arith.index_cast %scan3A_190 : i32 to index
      %swap3A_228 = arith.constant 48 : index
      %swap3A_229 = tpu.vector_load %arg16[%swap3A_227, %swap3A_228] {strides = array<i32>} : memref<200x128xf32, #tpu.memory_space<vmem>>, vector<1x16xf32>,
      %swap3A_230 = vector.shape_cast %swap3A_229 : vector<1x16xf32> to vector<16xf32>
      %swap3A_231 = vector.shape_cast %broadcast_in_dim3A_1 : vector<16xf32> to vector<1x16xf32>
      tpu.vector_store %arg16[%swap3A_227, %swap3A_228], %swap3A_231 {strides = array<i32>} : memref<200x128xf32, #tpu.memory_space<vmem>>, vector<1x16xf32>,
      %swap3A_232 = arith.index_cast %scan3A_190 : i32 to index
      %swap3A_233 = arith.constant 64 : index
      %swap3A_234 = tpu.vector_load %arg12[%swap3A_232, %swap3A_233] {strides = array<i32>} : memref<200x128xf32, #tpu.memory_space<vmem>>, vector<1x16xf32>,
      %swap3A_235 = vector.shape_cast %swap3A_234 : vector<1x16xf32> to vector<16xf32>
      %swap3A_236 = vector.shape_cast %broadcast_in_dim3A_1 : vector<16xf32> to vector<1x16xf32>
      tpu.vector_store %arg12[%swap3A_232, %swap3A_233], %swap3A_236 {strides = array<i32>} : memref<200x128xf32, #tpu.memory_space<vmem>>, vector<1x16xf32>,
      %swap3A_237 = arith.index_cast %scan3A_190 : i32 to index
      %swap3A_238 = arith.constant 64 : index
      %swap3A_239 = tpu.vector_load %arg16[%swap3A_237, %swap3A_238] {strides = array<i32>} : memref<200x128xf32, #tpu.memory_space<vmem>>, vector<1x16xf32>,
      %swap3A_240 = vector.shape_cast %swap3A_239 : vector<1x16xf32> to vector<16xf32>
      %swap3A_241 = vector.shape_cast %broadcast_in_dim3A_1 : vector<16xf32> to vector<1x16xf32>
      tpu.vector_store %arg16[%swap3A_237, %swap3A_238], %swap3A_241 {strides = array<i32>} : memref<200x128xf32, #tpu.memory_space<vmem>>, vector<1x16xf32>,
      %swap3A_242 = arith.index_cast %scan3A_190 : i32 to index
      %swap3A_243 = arith.constant 80 : index
      %swap3A_244 = tpu.vector_load %arg12[%swap3A_242, %swap3A_243] {strides = array<i32>} : memref<200x128xf32, #tpu.memory_space<vmem>>, vector<1x16xf32>,
      %swap3A_245 = vector.shape_cast %swap3A_244 : vector<1x16xf32> to vector<16xf32>
      %swap3A_246 = vector.shape_cast %broadcast_in_dim3A_1 : vector<16xf32> to vector<1x16xf32>
      tpu.vector_store %arg12[%swap3A_242, %swap3A_243], %swap3A_246 {strides = array<i32>} : memref<200x128xf32, #tpu.memory_space<vmem>>, vector<1x16xf32>,
      %swap3A_247 = arith.index_cast %scan3A_190 : i32 to index
      %swap3A_248 = arith.constant 80 : index
      %swap3A_249 = tpu.vector_load %arg16[%swap3A_247, %swap3A_248] {strides = array<i32>} : memref<200x128xf32, #tpu.memory_space<vmem>>, vector<1x16xf32>,
      %swap3A_250 = vector.shape_cast %swap3A_249 : vector<1x16xf32> to vector<16xf32>
      %swap3A_251 = vector.shape_cast %broadcast_in_dim3A_1 : vector<16xf32> to vector<1x16xf32>
      tpu.vector_store %arg16[%swap3A_247, %swap3A_248], %swap3A_251 {strides = array<i32>} : memref<200x128xf32, #tpu.memory_space<vmem>>, vector<1x16xf32>,
      %swap3A_252 = arith.index_cast %scan3A_190 : i32 to index
      %swap3A_253 = arith.constant 96 : index
      %swap3A_254 = tpu.vector_load %arg12[%swap3A_252, %swap3A_253] {strides = array<i32>} : memref<200x128xf32, #tpu.memory_space<vmem>>, vector<1x16xf32>,
      %swap3A_255 = vector.shape_cast %swap3A_254 : vector<1x16xf32> to vector<16xf32>
      %swap3A_256 = vector.shape_cast %broadcast_in_dim3A_1 : vector<16xf32> to vector<1x16xf32>
      tpu.vector_store %arg12[%swap3A_252, %swap3A_253], %swap3A_256 {strides = array<i32>} : memref<200x128xf32, #tpu.memory_space<vmem>>, vector<1x16xf32>,
      %swap3A_257 = arith.index_cast %scan3A_190 : i32 to index
      %swap3A_258 = arith.constant 96 : index
      %swap3A_259 = tpu.vector_load %arg16[%swap3A_257, %swap3A_258] {strides = array<i32>} : memref<200x128xf32, #tpu.memory_space<vmem>>, vector<1x16xf32>,
      %swap3A_260 = vector.shape_cast %swap3A_259 : vector<1x16xf32> to vector<16xf32>
      %swap3A_261 = vector.shape_cast %broadcast_in_dim3A_1 : vector<16xf32> to vector<1x16xf32>
      tpu.vector_store %arg16[%swap3A_257, %swap3A_258], %swap3A_261 {strides = array<i32>} : memref<200x128xf32, #tpu.memory_space<vmem>>, vector<1x16xf32>,
      %swap3A_262 = arith.index_cast %scan3A_190 : i32 to index
      %swap3A_263 = arith.constant 112 : index
      %swap3A_264 = tpu.vector_load %arg12[%swap3A_262, %swap3A_263] {strides = array<i32>} : memref<200x128xf32, #tpu.memory_space<vmem>>, vector<1x16xf32>,
      %swap3A_265 = vector.shape_cast %swap3A_264 : vector<1x16xf32> to vector<16xf32>
      %swap3A_266 = vector.shape_cast %broadcast_in_dim3A_1 : vector<16xf32> to vector<1x16xf32>
      tpu.vector_store %arg12[%swap3A_262, %swap3A_263], %swap3A_266 {strides = array<i32>} : memref<200x128xf32, #tpu.memory_space<vmem>>, vector<1x16xf32>,
      %swap3A_267 = arith.index_cast %scan3A_190 : i32 to index
      %swap3A_268 = arith.constant 112 : index
      %swap3A_269 = tpu.vector_load %arg16[%swap3A_267, %swap3A_268] {strides = array<i32>} : memref<200x128xf32, #tpu.memory_space<vmem>>, vector<1x16xf32>,
      %swap3A_270 = vector.shape_cast %swap3A_269 : vector<1x16xf32> to vector<16xf32>
      %swap3A_271 = vector.shape_cast %broadcast_in_dim3A_1 : vector<16xf32> to vector<1x16xf32>
      tpu.vector_store %arg16[%swap3A_267, %swap3A_268], %swap3A_271 {strides = array<i32>} : memref<200x128xf32, #tpu.memory_space<vmem>>, vector<1x16xf32>,
      %swap3A_272 = arith.index_cast %scan3A_190 : i32 to index
      %swap3A_273 = arith.constant 0 : index
      %swap3A_274 = tpu.vector_load %arg13[%swap3A_272, %swap3A_273] {strides = array<i32>} : memref<200x16xf32, #tpu.memory_space<vmem>>, vector<1x16xf32>,
      %swap3A_275 = vector.shape_cast %swap3A_274 : vector<1x16xf32> to vector<16xf32>
      %swap3A_276 = vector.shape_cast %broadcast_in_dim3A_1 : vector<16xf32> to vector<1x16xf32>
      tpu.vector_store %arg13[%swap3A_272, %swap3A_273], %swap3A_276 {strides = array<i32>} : memref<200x16xf32, #tpu.memory_space<vmem>>, vector<1x16xf32>,
      %scan3A_277 = arith.constant 0 : i32
      scf.yield %scan3A_277 : i32
    }
    %scan3A_7 = arith.constant 200 : i32
    %mul3A_8 = arith.constant 10008 : i32
    %mul3A_9 = arith.muli %arg0, %mul3A_8 : i32
    %mul3A_10 = arith.constant 624 : i32
    %mul3A_11 = arith.muli %arg1, %mul3A_10 : i32
    %add3A_12 = arith.addi %mul3A_9, %mul3A_11 : i32
    %add3A_13 = arith.constant 0 : i32
    %add3A_14 = arith.addi %add3A_12, %add3A_13 : i32
    "tpu.region"() ({
      %run_scoped3A = tpu.sem_alloc : memref<!tpu.dma_semaphore, #tpu.memory_space<semaphore_mem>>
      %dma_start3A = arith.constant 0 : i32
      %dma_start3A_190 = arith.constant 0 : i32
      %dma_start3A_191 = tpu.memref_slice %arg12[%dma_start3A, %dma_start3A_190] : memref<200x128xf32, #tpu.memory_space<vmem>> -> memref<200x128xf32, #tpu.memory_space<vmem>>
      %dma_start3A_192 = arith.constant 0 : i32
      %dma_start3A_193 = tpu.memref_slice %arg6[%add3A_14, %dma_start3A_192] : memref<20016x128xf32, #tpu.memory_space<hbm>> -> memref<200x128xf32, #tpu.memory_space<hbm>>
      %dma_start3A_194 = arith.constant 0 : i32
      %dma_start3A_195 = tpu.memref_slice %arg6[%add3A_14, %dma_start3A_194] : memref<20016x128xf32, #tpu.memory_space<hbm>> -> memref<200x128xf32, #tpu.memory_space<hbm>>
      %dma_start3A_196 = arith.constant 0 : i32
      %dma_start3A_197 = arith.constant 0 : i32
      %dma_start3A_198 = tpu.memref_slice %arg12[%dma_start3A_196, %dma_start3A_197] : memref<200x128xf32, #tpu.memory_space<vmem>> -> memref<200x128xf32, #tpu.memory_space<vmem>>
      tpu.enqueue_dma source(%dma_start3A_198 : memref<200x128xf32, #tpu.memory_space<vmem>>) target(%dma_start3A_195 : memref<200x128xf32, #tpu.memory_space<hbm>>) target_semaphore(%run_scoped3A : memref<!tpu.dma_semaphore, #tpu.memory_space<semaphore_mem>>)
      %dma_wait3A_199 = arith.constant 0 : i32
      %dma_wait3A_200 = arith.constant 0 : i32
      %dma_wait3A_201 = tpu.memref_slice %arg12[%dma_wait3A_199, %dma_wait3A_200] : memref<200x128xf32, #tpu.memory_space<vmem>> -> memref<200x128xf32, #tpu.memory_space<vmem>>
      %dma_wait3A_202 = arith.constant 0 : i32
      %dma_wait3A_203 = tpu.memref_slice %arg6[%add3A_14, %dma_wait3A_202] : memref<20016x128xf32, #tpu.memory_space<hbm>> -> memref<200x128xf32, #tpu.memory_space<hbm>>
      %dma_wait3A_204 = arith.constant 0 : i32
      %dma_wait3A_205 = tpu.memref_slice %arg6[%add3A_14, %dma_wait3A_204] : memref<20016x128xf32, #tpu.memory_space<hbm>> -> memref<200x128xf32, #tpu.memory_space<hbm>>
      %dma_wait3A_206 = arith.constant 0 : i32
      %dma_wait3A_207 = arith.constant 0 : i32
      %dma_wait3A_208 = tpu.memref_slice %arg12[%dma_wait3A_206, %dma_wait3A_207] : memref<200x128xf32, #tpu.memory_space<vmem>> -> memref<200x128xf32, #tpu.memory_space<vmem>>
      tpu.wait_dma2 semaphore(%run_scoped3A : memref<!tpu.dma_semaphore, #tpu.memory_space<semaphore_mem>>) src(%dma_wait3A_208 : memref<200x128xf32, #tpu.memory_space<vmem>>) dst(%dma_wait3A_205 : memref<200x128xf32, #tpu.memory_space<hbm>>)
      tpu.yield
    }) : () -> ()
    %add3A_15 = arith.constant 0 : i32
    %add3A_16 = arith.addi %add3A_12, %add3A_15 : i32
    "tpu.region"() ({
      %run_scoped3A = tpu.sem_alloc : memref<!tpu.dma_semaphore, #tpu.memory_space<semaphore_mem>>
      %dma_start3A = arith.constant 0 : i32
      %dma_start3A_190 = arith.constant 0 : i32
      %dma_start3A_191 = tpu.memref_slice %arg16[%dma_start3A, %dma_start3A_190] : memref<200x128xf32, #tpu.memory_space<vmem>> -> memref<200x128xf32, #tpu.memory_space<vmem>>
      %dma_start3A_192 = arith.constant 0 : i32
      %dma_start3A_193 = tpu.memref_slice %arg7[%add3A_16, %dma_start3A_192] : memref<20016x128xf32, #tpu.memory_space<hbm>> -> memref<200x128xf32, #tpu.memory_space<hbm>>
      %dma_start3A_194 = arith.constant 0 : i32
      %dma_start3A_195 = tpu.memref_slice %arg7[%add3A_16, %dma_start3A_194] : memref<20016x128xf32, #tpu.memory_space<hbm>> -> memref<200x128xf32, #tpu.memory_space<hbm>>
      %dma_start3A_196 = arith.constant 0 : i32
      %dma_start3A_197 = arith.constant 0 : i32
      %dma_start3A_198 = tpu.memref_slice %arg16[%dma_start3A_196, %dma_start3A_197] : memref<200x128xf32, #tpu.memory_space<vmem>> -> memref<200x128xf32, #tpu.memory_space<vmem>>
      tpu.enqueue_dma source(%dma_start3A_198 : memref<200x128xf32, #tpu.memory_space<vmem>>) target(%dma_start3A_195 : memref<200x128xf32, #tpu.memory_space<hbm>>) target_semaphore(%run_scoped3A : memref<!tpu.dma_semaphore, #tpu.memory_space<semaphore_mem>>)
      %dma_wait3A_199 = arith.constant 0 : i32
      %dma_wait3A_200 = arith.constant 0 : i32
      %dma_wait3A_201 = tpu.memref_slice %arg16[%dma_wait3A_199, %dma_wait3A_200] : memref<200x128xf32, #tpu.memory_space<vmem>> -> memref<200x128xf32, #tpu.memory_space<vmem>>
      %dma_wait3A_202 = arith.constant 0 : i32
      %dma_wait3A_203 = tpu.memref_slice %arg7[%add3A_16, %dma_wait3A_202] : memref<20016x128xf32, #tpu.memory_space<hbm>> -> memref<200x128xf32, #tpu.memory_space<hbm>>
      %dma_wait3A_204 = arith.constant 0 : i32
      %dma_wait3A_205 = tpu.memref_slice %arg7[%add3A_16, %dma_wait3A_204] : memref<20016x128xf32, #tpu.memory_space<hbm>> -> memref<200x128xf32, #tpu.memory_space<hbm>>
      %dma_wait3A_206 = arith.constant 0 : i32
      %dma_wait3A_207 = arith.constant 0 : i32
      %dma_wait3A_208 = tpu.memref_slice %arg16[%dma_wait3A_206, %dma_wait3A_207] : memref<200x128xf32, #tpu.memory_space<vmem>> -> memref<200x128xf32, #tpu.memory_space<vmem>>
      tpu.wait_dma2 semaphore(%run_scoped3A : memref<!tpu.dma_semaphore, #tpu.memory_space<semaphore_mem>>) src(%dma_wait3A_208 : memref<200x128xf32, #tpu.memory_space<vmem>>) dst(%dma_wait3A_205 : memref<200x128xf32, #tpu.memory_space<hbm>>)
      tpu.yield
    }) : () -> ()
    %add3A_17 = arith.constant 200 : i32
    %add3A_18 = arith.addi %add3A_12, %add3A_17 : i32
    "tpu.region"() ({
      %run_scoped3A = tpu.sem_alloc : memref<!tpu.dma_semaphore, #tpu.memory_space<semaphore_mem>>
      %dma_start3A = arith.constant 0 : i32
      %dma_start3A_190 = arith.constant 0 : i32
      %dma_start3A_191 = tpu.memref_slice %arg12[%dma_start3A, %dma_start3A_190] : memref<200x128xf32, #tpu.memory_space<vmem>> -> memref<200x128xf32, #tpu.memory_space<vmem>>
      %dma_start3A_192 = arith.constant 0 : i32
      %dma_start3A_193 = tpu.memref_slice %arg6[%add3A_18, %dma_start3A_192] : memref<20016x128xf32, #tpu.memory_space<hbm>> -> memref<200x128xf32, #tpu.memory_space<hbm>>
      %dma_start3A_194 = arith.constant 0 : i32
      %dma_start3A_195 = tpu.memref_slice %arg6[%add3A_18, %dma_start3A_194] : memref<20016x128xf32, #tpu.memory_space<hbm>> -> memref<200x128xf32, #tpu.memory_space<hbm>>
      %dma_start3A_196 = arith.constant 0 : i32
      %dma_start3A_197 = arith.constant 0 : i32
      %dma_start3A_198 = tpu.memref_slice %arg12[%dma_start3A_196, %dma_start3A_197] : memref<200x128xf32, #tpu.memory_space<vmem>> -> memref<200x128xf32, #tpu.memory_space<vmem>>
      tpu.enqueue_dma source(%dma_start3A_198 : memref<200x128xf32, #tpu.memory_space<vmem>>) target(%dma_start3A_195 : memref<200x128xf32, #tpu.memory_space<hbm>>) target_semaphore(%run_scoped3A : memref<!tpu.dma_semaphore, #tpu.memory_space<semaphore_mem>>)
      %dma_wait3A_199 = arith.constant 0 : i32
      %dma_wait3A_200 = arith.constant 0 : i32
      %dma_wait3A_201 = tpu.memref_slice %arg12[%dma_wait3A_199, %dma_wait3A_200] : memref<200x128xf32, #tpu.memory_space<vmem>> -> memref<200x128xf32, #tpu.memory_space<vmem>>
      %dma_wait3A_202 = arith.constant 0 : i32
      %dma_wait3A_203 = tpu.memref_slice %arg6[%add3A_18, %dma_wait3A_202] : memref<20016x128xf32, #tpu.memory_space<hbm>> -> memref<200x128xf32, #tpu.memory_space<hbm>>
      %dma_wait3A_204 = arith.constant 0 : i32
      %dma_wait3A_205 = tpu.memref_slice %arg6[%add3A_18, %dma_wait3A_204] : memref<20016x128xf32, #tpu.memory_space<hbm>> -> memref<200x128xf32, #tpu.memory_space<hbm>>
      %dma_wait3A_206 = arith.constant 0 : i32
      %dma_wait3A_207 = arith.constant 0 : i32
      %dma_wait3A_208 = tpu.memref_slice %arg12[%dma_wait3A_206, %dma_wait3A_207] : memref<200x128xf32, #tpu.memory_space<vmem>> -> memref<200x128xf32, #tpu.memory_space<vmem>>
      tpu.wait_dma2 semaphore(%run_scoped3A : memref<!tpu.dma_semaphore, #tpu.memory_space<semaphore_mem>>) src(%dma_wait3A_208 : memref<200x128xf32, #tpu.memory_space<vmem>>) dst(%dma_wait3A_205 : memref<200x128xf32, #tpu.memory_space<hbm>>)
      tpu.yield
    }) : () -> ()
    %add3A_19 = arith.constant 200 : i32
    %add3A_20 = arith.addi %add3A_12, %add3A_19 : i32
    "tpu.region"() ({
      %run_scoped3A = tpu.sem_alloc : memref<!tpu.dma_semaphore, #tpu.memory_space<semaphore_mem>>
      %dma_start3A = arith.constant 0 : i32
      %dma_start3A_190 = arith.constant 0 : i32
      %dma_start3A_191 = tpu.memref_slice %arg16[%dma_start3A, %dma_start3A_190] : memref<200x128xf32, #tpu.memory_space<vmem>> -> memref<200x128xf32, #tpu.memory_space<vmem>>
      %dma_start3A_192 = arith.constant 0 : i32
      %dma_start3A_193 = tpu.memref_slice %arg7[%add3A_20, %dma_start3A_192] : memref<20016x128xf32, #tpu.memory_space<hbm>> -> memref<200x128xf32, #tpu.memory_space<hbm>>
      %dma_start3A_194 = arith.constant 0 : i32
      %dma_start3A_195 = tpu.memref_slice %arg7[%add3A_20, %dma_start3A_194] : memref<20016x128xf32, #tpu.memory_space<hbm>> -> memref<200x128xf32, #tpu.memory_space<hbm>>
      %dma_start3A_196 = arith.constant 0 : i32
      %dma_start3A_197 = arith.constant 0 : i32
      %dma_start3A_198 = tpu.memref_slice %arg16[%dma_start3A_196, %dma_start3A_197] : memref<200x128xf32, #tpu.memory_space<vmem>> -> memref<200x128xf32, #tpu.memory_space<vmem>>
      tpu.enqueue_dma source(%dma_start3A_198 : memref<200x128xf32, #tpu.memory_space<vmem>>) target(%dma_start3A_195 : memref<200x128xf32, #tpu.memory_space<hbm>>) target_semaphore(%run_scoped3A : memref<!tpu.dma_semaphore, #tpu.memory_space<semaphore_mem>>)
      %dma_wait3A_199 = arith.constant 0 : i32
      %dma_wait3A_200 = arith.constant 0 : i32
      %dma_wait3A_201 = tpu.memref_slice %arg16[%dma_wait3A_199, %dma_wait3A_200] : memref<200x128xf32, #tpu.memory_space<vmem>> -> memref<200x128xf32, #tpu.memory_space<vmem>>
      %dma_wait3A_202 = arith.constant 0 : i32
      %dma_wait3A_203 = tpu.memref_slice %arg7[%add3A_20, %dma_wait3A_202] : memref<20016x128xf32, #tpu.memory_space<hbm>> -> memref<200x128xf32, #tpu.memory_space<hbm>>
      %dma_wait3A_204 = arith.constant 0 : i32
      %dma_wait3A_205 = tpu.memref_slice %arg7[%add3A_20, %dma_wait3A_204] : memref<20016x128xf32, #tpu.memory_space<hbm>> -> memref<200x128xf32, #tpu.memory_space<hbm>>
      %dma_wait3A_206 = arith.constant 0 : i32
      %dma_wait3A_207 = arith.constant 0 : i32
      %dma_wait3A_208 = tpu.memref_slice %arg16[%dma_wait3A_206, %dma_wait3A_207] : memref<200x128xf32, #tpu.memory_space<vmem>> -> memref<200x128xf32, #tpu.memory_space<vmem>>
      tpu.wait_dma2 semaphore(%run_scoped3A : memref<!tpu.dma_semaphore, #tpu.memory_space<semaphore_mem>>) src(%dma_wait3A_208 : memref<200x128xf32, #tpu.memory_space<vmem>>) dst(%dma_wait3A_205 : memref<200x128xf32, #tpu.memory_space<hbm>>)
      tpu.yield
    }) : () -> ()
    %add3A_21 = arith.constant 400 : i32
    %add3A_22 = arith.addi %add3A_12, %add3A_21 : i32
    "tpu.region"() ({
      %run_scoped3A = tpu.sem_alloc : memref<!tpu.dma_semaphore, #tpu.memory_space<semaphore_mem>>
      %dma_start3A = arith.constant 0 : i32
      %dma_start3A_190 = arith.constant 0 : i32
      %dma_start3A_191 = tpu.memref_slice %arg12[%dma_start3A, %dma_start3A_190] : memref<200x128xf32, #tpu.memory_space<vmem>> -> memref<200x128xf32, #tpu.memory_space<vmem>>
      %dma_start3A_192 = arith.constant 0 : i32
      %dma_start3A_193 = tpu.memref_slice %arg6[%add3A_22, %dma_start3A_192] : memref<20016x128xf32, #tpu.memory_space<hbm>> -> memref<200x128xf32, #tpu.memory_space<hbm>>
      %dma_start3A_194 = arith.constant 0 : i32
      %dma_start3A_195 = tpu.memref_slice %arg6[%add3A_22, %dma_start3A_194] : memref<20016x128xf32, #tpu.memory_space<hbm>> -> memref<200x128xf32, #tpu.memory_space<hbm>>
      %dma_start3A_196 = arith.constant 0 : i32
      %dma_start3A_197 = arith.constant 0 : i32
      %dma_start3A_198 = tpu.memref_slice %arg12[%dma_start3A_196, %dma_start3A_197] : memref<200x128xf32, #tpu.memory_space<vmem>> -> memref<200x128xf32, #tpu.memory_space<vmem>>
      tpu.enqueue_dma source(%dma_start3A_198 : memref<200x128xf32, #tpu.memory_space<vmem>>) target(%dma_start3A_195 : memref<200x128xf32, #tpu.memory_space<hbm>>) target_semaphore(%run_scoped3A : memref<!tpu.dma_semaphore, #tpu.memory_space<semaphore_mem>>)
      %dma_wait3A_199 = arith.constant 0 : i32
      %dma_wait3A_200 = arith.constant 0 : i32
      %dma_wait3A_201 = tpu.memref_slice %arg12[%dma_wait3A_199, %dma_wait3A_200] : memref<200x128xf32, #tpu.memory_space<vmem>> -> memref<200x128xf32, #tpu.memory_space<vmem>>
      %dma_wait3A_202 = arith.constant 0 : i32
      %dma_wait3A_203 = tpu.memref_slice %arg6[%add3A_22, %dma_wait3A_202] : memref<20016x128xf32, #tpu.memory_space<hbm>> -> memref<200x128xf32, #tpu.memory_space<hbm>>
      %dma_wait3A_204 = arith.constant 0 : i32
      %dma_wait3A_205 = tpu.memref_slice %arg6[%add3A_22, %dma_wait3A_204] : memref<20016x128xf32, #tpu.memory_space<hbm>> -> memref<200x128xf32, #tpu.memory_space<hbm>>
      %dma_wait3A_206 = arith.constant 0 : i32
      %dma_wait3A_207 = arith.constant 0 : i32
      %dma_wait3A_208 = tpu.memref_slice %arg12[%dma_wait3A_206, %dma_wait3A_207] : memref<200x128xf32, #tpu.memory_space<vmem>> -> memref<200x128xf32, #tpu.memory_space<vmem>>
      tpu.wait_dma2 semaphore(%run_scoped3A : memref<!tpu.dma_semaphore, #tpu.memory_space<semaphore_mem>>) src(%dma_wait3A_208 : memref<200x128xf32, #tpu.memory_space<vmem>>) dst(%dma_wait3A_205 : memref<200x128xf32, #tpu.memory_space<hbm>>)
      tpu.yield
    }) : () -> ()
    %add3A_23 = arith.constant 400 : i32
    %add3A_24 = arith.addi %add3A_12, %add3A_23 : i32
    "tpu.region"() ({
      %run_scoped3A = tpu.sem_alloc : memref<!tpu.dma_semaphore, #tpu.memory_space<semaphore_mem>>
      %dma_start3A = arith.constant 0 : i32
      %dma_start3A_190 = arith.constant 0 : i32
      %dma_start3A_191 = tpu.memref_slice %arg16[%dma_start3A, %dma_start3A_190] : memref<200x128xf32, #tpu.memory_space<vmem>> -> memref<200x128xf32, #tpu.memory_space<vmem>>
      %dma_start3A_192 = arith.constant 0 : i32
      %dma_start3A_193 = tpu.memref_slice %arg7[%add3A_24, %dma_start3A_192] : memref<20016x128xf32, #tpu.memory_space<hbm>> -> memref<200x128xf32, #tpu.memory_space<hbm>>
      %dma_start3A_194 = arith.constant 0 : i32
      %dma_start3A_195 = tpu.memref_slice %arg7[%add3A_24, %dma_start3A_194] : memref<20016x128xf32, #tpu.memory_space<hbm>> -> memref<200x128xf32, #tpu.memory_space<hbm>>
      %dma_start3A_196 = arith.constant 0 : i32
      %dma_start3A_197 = arith.constant 0 : i32
      %dma_start3A_198 = tpu.memref_slice %arg16[%dma_start3A_196, %dma_start3A_197] : memref<200x128xf32, #tpu.memory_space<vmem>> -> memref<200x128xf32, #tpu.memory_space<vmem>>
      tpu.enqueue_dma source(%dma_start3A_198 : memref<200x128xf32, #tpu.memory_space<vmem>>) target(%dma_start3A_195 : memref<200x128xf32, #tpu.memory_space<hbm>>) target_semaphore(%run_scoped3A : memref<!tpu.dma_semaphore, #tpu.memory_space<semaphore_mem>>)
      %dma_wait3A_199 = arith.constant 0 : i32
      %dma_wait3A_200 = arith.constant 0 : i32
      %dma_wait3A_201 = tpu.memref_slice %arg16[%dma_wait3A_199, %dma_wait3A_200] : memref<200x128xf32, #tpu.memory_space<vmem>> -> memref<200x128xf32, #tpu.memory_space<vmem>>
      %dma_wait3A_202 = arith.constant 0 : i32
      %dma_wait3A_203 = tpu.memref_slice %arg7[%add3A_24, %dma_wait3A_202] : memref<20016x128xf32, #tpu.memory_space<hbm>> -> memref<200x128xf32, #tpu.memory_space<hbm>>
      %dma_wait3A_204 = arith.constant 0 : i32
      %dma_wait3A_205 = tpu.memref_slice %arg7[%add3A_24, %dma_wait3A_204] : memref<20016x128xf32, #tpu.memory_space<hbm>> -> memref<200x128xf32, #tpu.memory_space<hbm>>
      %dma_wait3A_206 = arith.constant 0 : i32
      %dma_wait3A_207 = arith.constant 0 : i32
      %dma_wait3A_208 = tpu.memref_slice %arg16[%dma_wait3A_206, %dma_wait3A_207] : memref<200x128xf32, #tpu.memory_space<vmem>> -> memref<200x128xf32, #tpu.memory_space<vmem>>
      tpu.wait_dma2 semaphore(%run_scoped3A : memref<!tpu.dma_semaphore, #tpu.memory_space<semaphore_mem>>) src(%dma_wait3A_208 : memref<200x128xf32, #tpu.memory_space<vmem>>) dst(%dma_wait3A_205 : memref<200x128xf32, #tpu.memory_space<hbm>>)
      tpu.yield
    }) : () -> ()
    %add3A_25 = arith.constant 600 : i32
    %add3A_26 = arith.addi %add3A_12, %add3A_25 : i32
    "tpu.region"() ({
      %run_scoped3A = tpu.sem_alloc : memref<!tpu.dma_semaphore, #tpu.memory_space<semaphore_mem>>
      %dma_start3A = arith.constant 0 : i32
      %dma_start3A_190 = arith.constant 0 : i32
      %dma_start3A_191 = tpu.memref_slice %arg12[%dma_start3A, %dma_start3A_190] : memref<200x128xf32, #tpu.memory_space<vmem>> -> memref<24x128xf32, #tpu.memory_space<vmem>>
      %dma_start3A_192 = arith.constant 0 : i32
      %dma_start3A_193 = tpu.memref_slice %arg6[%add3A_26, %dma_start3A_192] : memref<20016x128xf32, #tpu.memory_space<hbm>> -> memref<24x128xf32, #tpu.memory_space<hbm>>
      %dma_start3A_194 = arith.constant 0 : i32
      %dma_start3A_195 = tpu.memref_slice %arg6[%add3A_26, %dma_start3A_194] : memref<20016x128xf32, #tpu.memory_space<hbm>> -> memref<24x128xf32, #tpu.memory_space<hbm>>
      %dma_start3A_196 = arith.constant 0 : i32
      %dma_start3A_197 = arith.constant 0 : i32
      %dma_start3A_198 = tpu.memref_slice %arg12[%dma_start3A_196, %dma_start3A_197] : memref<200x128xf32, #tpu.memory_space<vmem>> -> memref<24x128xf32, #tpu.memory_space<vmem>>
      tpu.enqueue_dma source(%dma_start3A_198 : memref<24x128xf32, #tpu.memory_space<vmem>>) target(%dma_start3A_195 : memref<24x128xf32, #tpu.memory_space<hbm>>) target_semaphore(%run_scoped3A : memref<!tpu.dma_semaphore, #tpu.memory_space<semaphore_mem>>)
      %dma_wait3A_199 = arith.constant 0 : i32
      %dma_wait3A_200 = arith.constant 0 : i32
      %dma_wait3A_201 = tpu.memref_slice %arg12[%dma_wait3A_199, %dma_wait3A_200] : memref<200x128xf32, #tpu.memory_space<vmem>> -> memref<24x128xf32, #tpu.memory_space<vmem>>
      %dma_wait3A_202 = arith.constant 0 : i32
      %dma_wait3A_203 = tpu.memref_slice %arg6[%add3A_26, %dma_wait3A_202] : memref<20016x128xf32, #tpu.memory_space<hbm>> -> memref<24x128xf32, #tpu.memory_space<hbm>>
      %dma_wait3A_204 = arith.constant 0 : i32
      %dma_wait3A_205 = tpu.memref_slice %arg6[%add3A_26, %dma_wait3A_204] : memref<20016x128xf32, #tpu.memory_space<hbm>> -> memref<24x128xf32, #tpu.memory_space<hbm>>
      %dma_wait3A_206 = arith.constant 0 : i32
      %dma_wait3A_207 = arith.constant 0 : i32
      %dma_wait3A_208 = tpu.memref_slice %arg12[%dma_wait3A_206, %dma_wait3A_207] : memref<200x128xf32, #tpu.memory_space<vmem>> -> memref<24x128xf32, #tpu.memory_space<vmem>>
      tpu.wait_dma2 semaphore(%run_scoped3A : memref<!tpu.dma_semaphore, #tpu.memory_space<semaphore_mem>>) src(%dma_wait3A_208 : memref<24x128xf32, #tpu.memory_space<vmem>>) dst(%dma_wait3A_205 : memref<24x128xf32, #tpu.memory_space<hbm>>)
      tpu.yield
    }) : () -> ()
    %add3A_27 = arith.constant 600 : i32
    %add3A_28 = arith.addi %add3A_12, %add3A_27 : i32
    "tpu.region"() ({
      %run_scoped3A = tpu.sem_alloc : memref<!tpu.dma_semaphore, #tpu.memory_space<semaphore_mem>>
      %dma_start3A = arith.constant 0 : i32
      %dma_start3A_190 = arith.constant 0 : i32
      %dma_start3A_191 = tpu.memref_slice %arg16[%dma_start3A, %dma_start3A_190] : memref<200x128xf32, #tpu.memory_space<vmem>> -> memref<24x128xf32, #tpu.memory_space<vmem>>
      %dma_start3A_192 = arith.constant 0 : i32
      %dma_start3A_193 = tpu.memref_slice %arg7[%add3A_28, %dma_start3A_192] : memref<20016x128xf32, #tpu.memory_space<hbm>> -> memref<24x128xf32, #tpu.memory_space<hbm>>
      %dma_start3A_194 = arith.constant 0 : i32
      %dma_start3A_195 = tpu.memref_slice %arg7[%add3A_28, %dma_start3A_194] : memref<20016x128xf32, #tpu.memory_space<hbm>> -> memref<24x128xf32, #tpu.memory_space<hbm>>
      %dma_start3A_196 = arith.constant 0 : i32
      %dma_start3A_197 = arith.constant 0 : i32
      %dma_start3A_198 = tpu.memref_slice %arg16[%dma_start3A_196, %dma_start3A_197] : memref<200x128xf32, #tpu.memory_space<vmem>> -> memref<24x128xf32, #tpu.memory_space<vmem>>
      tpu.enqueue_dma source(%dma_start3A_198 : memref<24x128xf32, #tpu.memory_space<vmem>>) target(%dma_start3A_195 : memref<24x128xf32, #tpu.memory_space<hbm>>) target_semaphore(%run_scoped3A : memref<!tpu.dma_semaphore, #tpu.memory_space<semaphore_mem>>)
      %dma_wait3A_199 = arith.constant 0 : i32
      %dma_wait3A_200 = arith.constant 0 : i32
      %dma_wait3A_201 = tpu.memref_slice %arg16[%dma_wait3A_199, %dma_wait3A_200] : memref<200x128xf32, #tpu.memory_space<vmem>> -> memref<24x128xf32, #tpu.memory_space<vmem>>
      %dma_wait3A_202 = arith.constant 0 : i32
      %dma_wait3A_203 = tpu.memref_slice %arg7[%add3A_28, %dma_wait3A_202] : memref<20016x128xf32, #tpu.memory_space<hbm>> -> memref<24x128xf32, #tpu.memory_space<hbm>>
      %dma_wait3A_204 = arith.constant 0 : i32
      %dma_wait3A_205 = tpu.memref_slice %arg7[%add3A_28, %dma_wait3A_204] : memref<20016x128xf32, #tpu.memory_space<hbm>> -> memref<24x128xf32, #tpu.memory_space<hbm>>
      %dma_wait3A_206 = arith.constant 0 : i32
      %dma_wait3A_207 = arith.constant 0 : i32
      %dma_wait3A_208 = tpu.memref_slice %arg16[%dma_wait3A_206, %dma_wait3A_207] : memref<200x128xf32, #tpu.memory_space<vmem>> -> memref<24x128xf32, #tpu.memory_space<vmem>>
      tpu.wait_dma2 semaphore(%run_scoped3A : memref<!tpu.dma_semaphore, #tpu.memory_space<semaphore_mem>>) src(%dma_wait3A_208 : memref<24x128xf32, #tpu.memory_space<vmem>>) dst(%dma_wait3A_205 : memref<24x128xf32, #tpu.memory_space<hbm>>)
      tpu.yield
    }) : () -> ()
    %eq3A = arith.constant 15 : i32
    %eq3A_29 = arith.cmpi eq, %arg1, %eq3A : i32
    %convert_element_type3A = arith.extui %eq3A_29 : i1 to i32
    %cond3A = arith.constant 0 : i32
    %cond3A_30 = arith.cmpi ne, %convert_element_type3A, %cond3A : i32
    scf.if %cond3A_30 {
      %mul3A_190 = arith.constant 10008 : i32
      %mul3A_191 = arith.muli %arg0, %mul3A_190 : i32
      %add3A_192 = arith.constant 9984 : i32
      %add3A_193 = arith.addi %mul3A_191, %add3A_192 : i32
      %add3A_194 = arith.constant 0 : i32
      %add3A_195 = arith.addi %add3A_193, %add3A_194 : i32
      "tpu.region"() ({
        %run_scoped3A = tpu.sem_alloc : memref<!tpu.dma_semaphore, #tpu.memory_space<semaphore_mem>>
        %dma_start3A = arith.constant 0 : i32
        %dma_start3A_198 = arith.constant 0 : i32
        %dma_start3A_199 = tpu.memref_slice %arg12[%dma_start3A, %dma_start3A_198] : memref<200x128xf32, #tpu.memory_space<vmem>> -> memref<24x128xf32, #tpu.memory_space<vmem>>
        %dma_start3A_200 = arith.constant 0 : i32
        %dma_start3A_201 = tpu.memref_slice %arg6[%add3A_195, %dma_start3A_200] : memref<20016x128xf32, #tpu.memory_space<hbm>> -> memref<24x128xf32, #tpu.memory_space<hbm>>
        %dma_start3A_202 = arith.constant 0 : i32
        %dma_start3A_203 = tpu.memref_slice %arg6[%add3A_195, %dma_start3A_202] : memref<20016x128xf32, #tpu.memory_space<hbm>> -> memref<24x128xf32, #tpu.memory_space<hbm>>
        %dma_start3A_204 = arith.constant 0 : i32
        %dma_start3A_205 = arith.constant 0 : i32
        %dma_start3A_206 = tpu.memref_slice %arg12[%dma_start3A_204, %dma_start3A_205] : memref<200x128xf32, #tpu.memory_space<vmem>> -> memref<24x128xf32, #tpu.memory_space<vmem>>
        tpu.enqueue_dma source(%dma_start3A_206 : memref<24x128xf32, #tpu.memory_space<vmem>>) target(%dma_start3A_203 : memref<24x128xf32, #tpu.memory_space<hbm>>) target_semaphore(%run_scoped3A : memref<!tpu.dma_semaphore, #tpu.memory_space<semaphore_mem>>)
        %dma_wait3A_207 = arith.constant 0 : i32
        %dma_wait3A_208 = arith.constant 0 : i32
        %dma_wait3A_209 = tpu.memref_slice %arg12[%dma_wait3A_207, %dma_wait3A_208] : memref<200x128xf32, #tpu.memory_space<vmem>> -> memref<24x128xf32, #tpu.memory_space<vmem>>
        %dma_wait3A_210 = arith.constant 0 : i32
        %dma_wait3A_211 = tpu.memref_slice %arg6[%add3A_195, %dma_wait3A_210] : memref<20016x128xf32, #tpu.memory_space<hbm>> -> memref<24x128xf32, #tpu.memory_space<hbm>>
        %dma_wait3A_212 = arith.constant 0 : i32
        %dma_wait3A_213 = tpu.memref_slice %arg6[%add3A_195, %dma_wait3A_212] : memref<20016x128xf32, #tpu.memory_space<hbm>> -> memref<24x128xf32, #tpu.memory_space<hbm>>
        %dma_wait3A_214 = arith.constant 0 : i32
        %dma_wait3A_215 = arith.constant 0 : i32
        %dma_wait3A_216 = tpu.memref_slice %arg12[%dma_wait3A_214, %dma_wait3A_215] : memref<200x128xf32, #tpu.memory_space<vmem>> -> memref<24x128xf32, #tpu.memory_space<vmem>>
        tpu.wait_dma2 semaphore(%run_scoped3A : memref<!tpu.dma_semaphore, #tpu.memory_space<semaphore_mem>>) src(%dma_wait3A_216 : memref<24x128xf32, #tpu.memory_space<vmem>>) dst(%dma_wait3A_213 : memref<24x128xf32, #tpu.memory_space<hbm>>)
        tpu.yield
      }) : () -> ()
      %add3A_196 = arith.constant 0 : i32
      %add3A_197 = arith.addi %add3A_193, %add3A_196 : i32
      "tpu.region"() ({
        %run_scoped3A = tpu.sem_alloc : memref<!tpu.dma_semaphore, #tpu.memory_space<semaphore_mem>>
        %dma_start3A = arith.constant 0 : i32
        %dma_start3A_198 = arith.constant 0 : i32
        %dma_start3A_199 = tpu.memref_slice %arg16[%dma_start3A, %dma_start3A_198] : memref<200x128xf32, #tpu.memory_space<vmem>> -> memref<24x128xf32, #tpu.memory_space<vmem>>
        %dma_start3A_200 = arith.constant 0 : i32
        %dma_start3A_201 = tpu.memref_slice %arg7[%add3A_197, %dma_start3A_200] : memref<20016x128xf32, #tpu.memory_space<hbm>> -> memref<24x128xf32, #tpu.memory_space<hbm>>
        %dma_start3A_202 = arith.constant 0 : i32
        %dma_start3A_203 = tpu.memref_slice %arg7[%add3A_197, %dma_start3A_202] : memref<20016x128xf32, #tpu.memory_space<hbm>> -> memref<24x128xf32, #tpu.memory_space<hbm>>
        %dma_start3A_204 = arith.constant 0 : i32
        %dma_start3A_205 = arith.constant 0 : i32
        %dma_start3A_206 = tpu.memref_slice %arg16[%dma_start3A_204, %dma_start3A_205] : memref<200x128xf32, #tpu.memory_space<vmem>> -> memref<24x128xf32, #tpu.memory_space<vmem>>
        tpu.enqueue_dma source(%dma_start3A_206 : memref<24x128xf32, #tpu.memory_space<vmem>>) target(%dma_start3A_203 : memref<24x128xf32, #tpu.memory_space<hbm>>) target_semaphore(%run_scoped3A : memref<!tpu.dma_semaphore, #tpu.memory_space<semaphore_mem>>)
        %dma_wait3A_207 = arith.constant 0 : i32
        %dma_wait3A_208 = arith.constant 0 : i32
        %dma_wait3A_209 = tpu.memref_slice %arg16[%dma_wait3A_207, %dma_wait3A_208] : memref<200x128xf32, #tpu.memory_space<vmem>> -> memref<24x128xf32, #tpu.memory_space<vmem>>
        %dma_wait3A_210 = arith.constant 0 : i32
        %dma_wait3A_211 = tpu.memref_slice %arg7[%add3A_197, %dma_wait3A_210] : memref<20016x128xf32, #tpu.memory_space<hbm>> -> memref<24x128xf32, #tpu.memory_space<hbm>>
        %dma_wait3A_212 = arith.constant 0 : i32
        %dma_wait3A_213 = tpu.memref_slice %arg7[%add3A_197, %dma_wait3A_212] : memref<20016x128xf32, #tpu.memory_space<hbm>> -> memref<24x128xf32, #tpu.memory_space<hbm>>
        %dma_wait3A_214 = arith.constant 0 : i32
        %dma_wait3A_215 = arith.constant 0 : i32
        %dma_wait3A_216 = tpu.memref_slice %arg16[%dma_wait3A_214, %dma_wait3A_215] : memref<200x128xf32, #tpu.memory_space<vmem>> -> memref<24x128xf32, #tpu.memory_space<vmem>>
        tpu.wait_dma2 semaphore(%run_scoped3A : memref<!tpu.dma_semaphore, #tpu.memory_space<semaphore_mem>>) src(%dma_wait3A_216 : memref<24x128xf32, #tpu.memory_space<vmem>>) dst(%dma_wait3A_213 : memref<24x128xf32, #tpu.memory_space<hbm>>)
        tpu.yield
      }) : () -> ()
    } else {
    }
    %barrier3A = arith.constant 0 : index
    tpu.barrier barrier_id(%barrier3A)
    %broadcast_in_dim3A_31 = arith.constant 0.000000e+00 : f32
    %broadcast_in_dim3A_32 = vector.broadcast %broadcast_in_dim3A_31 : f32 to vector<16xf32>
    %broadcast_in_dim3A_33 = arith.constant 0.000000e+00 : f32
    %broadcast_in_dim3A_34 = vector.broadcast %broadcast_in_dim3A_33 : f32 to vector<16xf32>
    %broadcast_in_dim3A_35 = arith.constant 0.000000e+00 : f32
    %broadcast_in_dim3A_36 = vector.broadcast %broadcast_in_dim3A_35 : f32 to vector<16xf32>
    %broadcast_in_dim3A_37 = arith.constant 0.000000e+00 : f32
    %broadcast_in_dim3A_38 = vector.broadcast %broadcast_in_dim3A_37 : f32 to vector<16xf32>
    %broadcast_in_dim3A_39 = arith.constant 0.000000e+00 : f32
    %broadcast_in_dim3A_40 = vector.broadcast %broadcast_in_dim3A_39 : f32 to vector<16xf32>
    %broadcast_in_dim3A_41 = arith.constant 0.000000e+00 : f32
    %broadcast_in_dim3A_42 = vector.broadcast %broadcast_in_dim3A_41 : f32 to vector<16xf32>
    %broadcast_in_dim3A_43 = arith.constant 0.000000e+00 : f32
    %broadcast_in_dim3A_44 = vector.broadcast %broadcast_in_dim3A_43 : f32 to vector<16xf32>
    %broadcast_in_dim3A_45 = arith.constant 0.000000e+00 : f32
    %broadcast_in_dim3A_46 = vector.broadcast %broadcast_in_dim3A_45 : f32 to vector<16xf32>
    %broadcast_in_dim3A_47 = arith.constant -1 : i32
    %broadcast_in_dim3A_48 = vector.broadcast %broadcast_in_dim3A_47 : i32 to vector<16xi32>
    %broadcast_in_dim3A_49 = arith.constant 0.000000e+00 : f32
    %broadcast_in_dim3A_50 = vector.broadcast %broadcast_in_dim3A_49 : f32 to vector<16xf32>
    %scan3A_51 = arith.constant 0 : i32
    %scan3A_52 = arith.constant 50 : i32
    %scan3A_53 = arith.addi %scan3A_51, %scan3A_52 : i32
    %scan3A_54 = arith.constant 1 : i32
    %scan3A_55:10 = scf.for %scan3A_190 = %scan3A_51 to %scan3A_53 step %scan3A_54 iter_args(%scan3A_191 = %broadcast_in_dim3A_48, %scan3A_192 = %broadcast_in_dim3A_32, %scan3A_193 = %broadcast_in_dim3A_34, %scan3A_194 = %broadcast_in_dim3A_36, %scan3A_195 = %broadcast_in_dim3A_38, %scan3A_196 = %broadcast_in_dim3A_40, %scan3A_197 = %broadcast_in_dim3A_42, %scan3A_198 = %broadcast_in_dim3A_44, %scan3A_199 = %broadcast_in_dim3A_46, %scan3A_200 = %broadcast_in_dim3A_50) -> (vector<16xi32>, vector<16xf32>, vector<16xf32>, vector<16xf32>, vector<16xf32>, vector<16xf32>, vector<16xf32>, vector<16xf32>, vector<16xf32>, vector<16xf32>)  : i32 {
      %mul3A_201 = arith.constant 10000 : i32
      %mul3A_202 = arith.muli %add3A, %mul3A_201 : i32
      %mul3A_203 = arith.constant 200 : i32
      %mul3A_204 = arith.muli %scan3A_190, %mul3A_203 : i32
      %add3A_205 = arith.addi %mul3A_202, %mul3A_204 : i32
      %dma_start3A = arith.constant 0 : i32
      %dma_start3A_206 = tpu.memref_slice %arg4[%add3A_205, %dma_start3A] : memref<320000x16xi32, #tpu.memory_space<hbm>> -> memref<200x16xi32, #tpu.memory_space<hbm>>
      %dma_start3A_207 = arith.constant 0 : i32
      %dma_start3A_208 = tpu.memref_slice %arg4[%add3A_205, %dma_start3A_207] : memref<320000x16xi32, #tpu.memory_space<hbm>> -> memref<200x16xi32, #tpu.memory_space<hbm>>
      tpu.enqueue_dma source(%dma_start3A_208 : memref<200x16xi32, #tpu.memory_space<hbm>>) target(%arg14 : memref<200x16xi32, #tpu.memory_space<vmem>>) target_semaphore(%arg21 : memref<!tpu.dma_semaphore, #tpu.memory_space<semaphore_mem>>)
      %dma_start3A_209 = arith.constant 0 : i32
      %dma_start3A_210 = tpu.memref_slice %arg2[%add3A_205, %dma_start3A_209] : memref<320000x128xf32, #tpu.memory_space<hbm>> -> memref<200x128xf32, #tpu.memory_space<hbm>>
      %dma_start3A_211 = arith.constant 0 : i32
      %dma_start3A_212 = tpu.memref_slice %arg2[%add3A_205, %dma_start3A_211] : memref<320000x128xf32, #tpu.memory_space<hbm>> -> memref<200x128xf32, #tpu.memory_space<hbm>>
      tpu.enqueue_dma source(%dma_start3A_212 : memref<200x128xf32, #tpu.memory_space<hbm>>) target(%arg12 : memref<200x128xf32, #tpu.memory_space<vmem>>) target_semaphore(%arg22 : memref<!tpu.dma_semaphore, #tpu.memory_space<semaphore_mem>>)
      %dma_start3A_213 = arith.constant 0 : i32
      %dma_start3A_214 = tpu.memref_slice %arg3[%add3A_205, %dma_start3A_213] : memref<320000x16xf32, #tpu.memory_space<hbm>> -> memref<200x16xf32, #tpu.memory_space<hbm>>
      %dma_start3A_215 = arith.constant 0 : i32
      %dma_start3A_216 = tpu.memref_slice %arg3[%add3A_205, %dma_start3A_215] : memref<320000x16xf32, #tpu.memory_space<hbm>> -> memref<200x16xf32, #tpu.memory_space<hbm>>
      tpu.enqueue_dma source(%dma_start3A_216 : memref<200x16xf32, #tpu.memory_space<hbm>>) target(%arg13 : memref<200x16xf32, #tpu.memory_space<vmem>>) target_semaphore(%arg23 : memref<!tpu.dma_semaphore, #tpu.memory_space<semaphore_mem>>)
      %gt3A = arith.constant 0 : i32
      %gt3A_217 = arith.cmpi sgt, %scan3A_190, %gt3A : i32
      %convert_element_type3A_218 = arith.extui %gt3A_217 : i1 to i32
      %cond3A_219 = arith.constant 0 : i32
      %cond3A_220 = arith.cmpi ne, %convert_element_type3A_218, %cond3A_219 : i32
      scf.if %cond3A_220 {
        %dma_wait3A_249 = arith.constant 0 : i32
        %dma_wait3A_250 = arith.constant 0 : i32
        %dma_wait3A_251 = tpu.memref_slice %arg2[%dma_wait3A_249, %dma_wait3A_250] : memref<320000x128xf32, #tpu.memory_space<hbm>> -> memref<200x128xf32, #tpu.memory_space<hbm>>
        %dma_wait3A_252 = arith.constant 0 : i32
        %dma_wait3A_253 = arith.constant 0 : i32
        %dma_wait3A_254 = tpu.memref_slice %arg2[%dma_wait3A_252, %dma_wait3A_253] : memref<320000x128xf32, #tpu.memory_space<hbm>> -> memref<200x128xf32, #tpu.memory_space<hbm>>
        tpu.wait_dma2 semaphore(%arg24 : memref<!tpu.dma_semaphore, #tpu.memory_space<semaphore_mem>>) src(%dma_wait3A_254 : memref<200x128xf32, #tpu.memory_space<hbm>>) dst(%arg15 : memref<200x128xf32, #tpu.memory_space<vmem>>)
        %dma_wait3A_255 = arith.constant 0 : i32
        %dma_wait3A_256 = arith.constant 0 : i32
        %dma_wait3A_257 = tpu.memref_slice %arg2[%dma_wait3A_255, %dma_wait3A_256] : memref<320000x128xf32, #tpu.memory_space<hbm>> -> memref<200x128xf32, #tpu.memory_space<hbm>>
        %dma_wait3A_258 = arith.constant 0 : i32
        %dma_wait3A_259 = arith.constant 0 : i32
        %dma_wait3A_260 = tpu.memref_slice %arg2[%dma_wait3A_258, %dma_wait3A_259] : memref<320000x128xf32, #tpu.memory_space<hbm>> -> memref<200x128xf32, #tpu.memory_space<hbm>>
        tpu.wait_dma2 semaphore(%arg25 : memref<!tpu.dma_semaphore, #tpu.memory_space<semaphore_mem>>) src(%dma_wait3A_260 : memref<200x128xf32, #tpu.memory_space<hbm>>) dst(%arg16 : memref<200x128xf32, #tpu.memory_space<vmem>>)
      } else {
      }
      %dma_start3A_221 = tpu.memref_slice %arg5[%add3A_205] : memref<320000xi32, #tpu.memory_space<hbm>> -> memref<200xi32, #tpu.memory_space<hbm>>
      %dma_start3A_222 = tpu.memref_slice %arg5[%add3A_205] : memref<320000xi32, #tpu.memory_space<hbm>> -> memref<200xi32, #tpu.memory_space<hbm>>
      tpu.enqueue_dma source(%dma_start3A_222 : memref<200xi32, #tpu.memory_space<hbm>>) target(%arg11 : memref<200xi32, #tpu.memory_space<vmem>>) target_semaphore(%arg20 : memref<!tpu.dma_semaphore, #tpu.memory_space<semaphore_mem>>)
      %dma_wait3A_223 = arith.constant 0 : i32
      %dma_wait3A_224 = tpu.memref_slice %arg4[%add3A_205, %dma_wait3A_223] : memref<320000x16xi32, #tpu.memory_space<hbm>> -> memref<200x16xi32, #tpu.memory_space<hbm>>
      %dma_wait3A_225 = arith.constant 0 : i32
      %dma_wait3A_226 = tpu.memref_slice %arg4[%add3A_205, %dma_wait3A_225] : memref<320000x16xi32, #tpu.memory_space<hbm>> -> memref<200x16xi32, #tpu.memory_space<hbm>>
      tpu.wait_dma2 semaphore(%arg21 : memref<!tpu.dma_semaphore, #tpu.memory_space<semaphore_mem>>) src(%dma_wait3A_226 : memref<200x16xi32, #tpu.memory_space<hbm>>) dst(%arg14 : memref<200x16xi32, #tpu.memory_space<vmem>>)
      %dma_wait3A_227 = arith.constant 0 : i32
      %dma_wait3A_228 = tpu.memref_slice %arg2[%add3A_205, %dma_wait3A_227] : memref<320000x128xf32, #tpu.memory_space<hbm>> -> memref<200x128xf32, #tpu.memory_space<hbm>>
      %dma_wait3A_229 = arith.constant 0 : i32
      %dma_wait3A_230 = tpu.memref_slice %arg2[%add3A_205, %dma_wait3A_229] : memref<320000x128xf32, #tpu.memory_space<hbm>> -> memref<200x128xf32, #tpu.memory_space<hbm>>
      tpu.wait_dma2 semaphore(%arg22 : memref<!tpu.dma_semaphore, #tpu.memory_space<semaphore_mem>>) src(%dma_wait3A_230 : memref<200x128xf32, #tpu.memory_space<hbm>>) dst(%arg12 : memref<200x128xf32, #tpu.memory_space<vmem>>)
      %dma_wait3A_231 = arith.constant 0 : i32
      %dma_wait3A_232 = tpu.memref_slice %arg3[%add3A_205, %dma_wait3A_231] : memref<320000x16xf32, #tpu.memory_space<hbm>> -> memref<200x16xf32, #tpu.memory_space<hbm>>
      %dma_wait3A_233 = arith.constant 0 : i32
      %dma_wait3A_234 = tpu.memref_slice %arg3[%add3A_205, %dma_wait3A_233] : memref<320000x16xf32, #tpu.memory_space<hbm>> -> memref<200x16xf32, #tpu.memory_space<hbm>>
      tpu.wait_dma2 semaphore(%arg23 : memref<!tpu.dma_semaphore, #tpu.memory_space<semaphore_mem>>) src(%dma_wait3A_234 : memref<200x16xf32, #tpu.memory_space<hbm>>) dst(%arg13 : memref<200x16xf32, #tpu.memory_space<vmem>>)
      %scan3A_235 = arith.constant 0 : i32
      %scan3A_236 = arith.constant 200 : i32
      %scan3A_237 = arith.addi %scan3A_235, %scan3A_236 : i32
      %scan3A_238 = arith.constant 1 : i32
      %scan3A_239:10 = scf.for %scan3A_249 = %scan3A_235 to %scan3A_237 step %scan3A_238 iter_args(%scan3A_250 = %scan3A_191, %scan3A_251 = %scan3A_192, %scan3A_252 = %scan3A_193, %scan3A_253 = %scan3A_194, %scan3A_254 = %scan3A_195, %scan3A_255 = %scan3A_196, %scan3A_256 = %scan3A_197, %scan3A_257 = %scan3A_198, %scan3A_258 = %scan3A_199, %scan3A_259 = %scan3A_200) -> (vector<16xi32>, vector<16xf32>, vector<16xf32>, vector<16xf32>, vector<16xf32>, vector<16xf32>, vector<16xf32>, vector<16xf32>, vector<16xf32>, vector<16xf32>)  : i32 {
        %get3A = arith.index_cast %scan3A_249 : i32 to index
        %get3A_260 = arith.constant 0 : index
        %get3A_261 = tpu.vector_load %arg14[%get3A, %get3A_260] {strides = array<i32>} : memref<200x16xi32, #tpu.memory_space<vmem>>, vector<1x16xi32>,
        %get3A_262 = vector.shape_cast %get3A_261 : vector<1x16xi32> to vector<16xi32>
        %ne3A = arith.cmpi ne, %get3A_262, %scan3A_250 : vector<16xi32>
        %get3A_263 = arith.index_cast %scan3A_249 : i32 to index
        %get3A_264 = arith.constant 0 : index
        %get3A_265 = tpu.vector_load %arg12[%get3A_263, %get3A_264] {strides = array<i32>} : memref<200x128xf32, #tpu.memory_space<vmem>>, vector<1x16xf32>,
        %get3A_266 = vector.shape_cast %get3A_265 : vector<1x16xf32> to vector<16xf32>
        %add3A_267 = arith.addf %scan3A_251, %get3A_266 : vector<16xf32>
        %select_n3A_268 = arith.select %ne3A, %get3A_266, %add3A_267 : vector<16xi1>, vector<16xf32>
        %swap3A_269 = arith.index_cast %scan3A_249 : i32 to index
        %swap3A_270 = arith.constant 0 : index
        %swap3A_271 = tpu.vector_load %arg15[%swap3A_269, %swap3A_270] {strides = array<i32>} : memref<200x128xf32, #tpu.memory_space<vmem>>, vector<1x16xf32>,
        %swap3A_272 = vector.shape_cast %swap3A_271 : vector<1x16xf32> to vector<16xf32>
        %swap3A_273 = vector.shape_cast %select_n3A_268 : vector<16xf32> to vector<1x16xf32>
        tpu.vector_store %arg15[%swap3A_269, %swap3A_270], %swap3A_273 {strides = array<i32>} : memref<200x128xf32, #tpu.memory_space<vmem>>, vector<1x16xf32>,
        %get3A_274 = arith.index_cast %scan3A_249 : i32 to index
        %get3A_275 = arith.constant 16 : index
        %get3A_276 = tpu.vector_load %arg12[%get3A_274, %get3A_275] {strides = array<i32>} : memref<200x128xf32, #tpu.memory_space<vmem>>, vector<1x16xf32>,
        %get3A_277 = vector.shape_cast %get3A_276 : vector<1x16xf32> to vector<16xf32>
        %add3A_278 = arith.addf %scan3A_252, %get3A_277 : vector<16xf32>
        %select_n3A_279 = arith.select %ne3A, %get3A_277, %add3A_278 : vector<16xi1>, vector<16xf32>
        %swap3A_280 = arith.index_cast %scan3A_249 : i32 to index
        %swap3A_281 = arith.constant 16 : index
        %swap3A_282 = tpu.vector_load %arg15[%swap3A_280, %swap3A_281] {strides = array<i32>} : memref<200x128xf32, #tpu.memory_space<vmem>>, vector<1x16xf32>,
        %swap3A_283 = vector.shape_cast %swap3A_282 : vector<1x16xf32> to vector<16xf32>
        %swap3A_284 = vector.shape_cast %select_n3A_279 : vector<16xf32> to vector<1x16xf32>
        tpu.vector_store %arg15[%swap3A_280, %swap3A_281], %swap3A_284 {strides = array<i32>} : memref<200x128xf32, #tpu.memory_space<vmem>>, vector<1x16xf32>,
        %get3A_285 = arith.index_cast %scan3A_249 : i32 to index
        %get3A_286 = arith.constant 32 : index
        %get3A_287 = tpu.vector_load %arg12[%get3A_285, %get3A_286] {strides = array<i32>} : memref<200x128xf32, #tpu.memory_space<vmem>>, vector<1x16xf32>,
        %get3A_288 = vector.shape_cast %get3A_287 : vector<1x16xf32> to vector<16xf32>
        %add3A_289 = arith.addf %scan3A_253, %get3A_288 : vector<16xf32>
        %select_n3A_290 = arith.select %ne3A, %get3A_288, %add3A_289 : vector<16xi1>, vector<16xf32>
        %swap3A_291 = arith.index_cast %scan3A_249 : i32 to index
        %swap3A_292 = arith.constant 32 : index
        %swap3A_293 = tpu.vector_load %arg15[%swap3A_291, %swap3A_292] {strides = array<i32>} : memref<200x128xf32, #tpu.memory_space<vmem>>, vector<1x16xf32>,
        %swap3A_294 = vector.shape_cast %swap3A_293 : vector<1x16xf32> to vector<16xf32>
        %swap3A_295 = vector.shape_cast %select_n3A_290 : vector<16xf32> to vector<1x16xf32>
        tpu.vector_store %arg15[%swap3A_291, %swap3A_292], %swap3A_295 {strides = array<i32>} : memref<200x128xf32, #tpu.memory_space<vmem>>, vector<1x16xf32>,
        %get3A_296 = arith.index_cast %scan3A_249 : i32 to index
        %get3A_297 = arith.constant 48 : index
        %get3A_298 = tpu.vector_load %arg12[%get3A_296, %get3A_297] {strides = array<i32>} : memref<200x128xf32, #tpu.memory_space<vmem>>, vector<1x16xf32>,
        %get3A_299 = vector.shape_cast %get3A_298 : vector<1x16xf32> to vector<16xf32>
        %add3A_300 = arith.addf %scan3A_254, %get3A_299 : vector<16xf32>
        %select_n3A_301 = arith.select %ne3A, %get3A_299, %add3A_300 : vector<16xi1>, vector<16xf32>
        %swap3A_302 = arith.index_cast %scan3A_249 : i32 to index
        %swap3A_303 = arith.constant 48 : index
        %swap3A_304 = tpu.vector_load %arg15[%swap3A_302, %swap3A_303] {strides = array<i32>} : memref<200x128xf32, #tpu.memory_space<vmem>>, vector<1x16xf32>,
        %swap3A_305 = vector.shape_cast %swap3A_304 : vector<1x16xf32> to vector<16xf32>
        %swap3A_306 = vector.shape_cast %select_n3A_301 : vector<16xf32> to vector<1x16xf32>
        tpu.vector_store %arg15[%swap3A_302, %swap3A_303], %swap3A_306 {strides = array<i32>} : memref<200x128xf32, #tpu.memory_space<vmem>>, vector<1x16xf32>,
        %get3A_307 = arith.index_cast %scan3A_249 : i32 to index
        %get3A_308 = arith.constant 64 : index
        %get3A_309 = tpu.vector_load %arg12[%get3A_307, %get3A_308] {strides = array<i32>} : memref<200x128xf32, #tpu.memory_space<vmem>>, vector<1x16xf32>,
        %get3A_310 = vector.shape_cast %get3A_309 : vector<1x16xf32> to vector<16xf32>
        %add3A_311 = arith.addf %scan3A_255, %get3A_310 : vector<16xf32>
        %select_n3A_312 = arith.select %ne3A, %get3A_310, %add3A_311 : vector<16xi1>, vector<16xf32>
        %swap3A_313 = arith.index_cast %scan3A_249 : i32 to index
        %swap3A_314 = arith.constant 64 : index
        %swap3A_315 = tpu.vector_load %arg15[%swap3A_313, %swap3A_314] {strides = array<i32>} : memref<200x128xf32, #tpu.memory_space<vmem>>, vector<1x16xf32>,
        %swap3A_316 = vector.shape_cast %swap3A_315 : vector<1x16xf32> to vector<16xf32>
        %swap3A_317 = vector.shape_cast %select_n3A_312 : vector<16xf32> to vector<1x16xf32>
        tpu.vector_store %arg15[%swap3A_313, %swap3A_314], %swap3A_317 {strides = array<i32>} : memref<200x128xf32, #tpu.memory_space<vmem>>, vector<1x16xf32>,
        %get3A_318 = arith.index_cast %scan3A_249 : i32 to index
        %get3A_319 = arith.constant 80 : index
        %get3A_320 = tpu.vector_load %arg12[%get3A_318, %get3A_319] {strides = array<i32>} : memref<200x128xf32, #tpu.memory_space<vmem>>, vector<1x16xf32>,
        %get3A_321 = vector.shape_cast %get3A_320 : vector<1x16xf32> to vector<16xf32>
        %add3A_322 = arith.addf %scan3A_256, %get3A_321 : vector<16xf32>
        %select_n3A_323 = arith.select %ne3A, %get3A_321, %add3A_322 : vector<16xi1>, vector<16xf32>
        %swap3A_324 = arith.index_cast %scan3A_249 : i32 to index
        %swap3A_325 = arith.constant 80 : index
        %swap3A_326 = tpu.vector_load %arg15[%swap3A_324, %swap3A_325] {strides = array<i32>} : memref<200x128xf32, #tpu.memory_space<vmem>>, vector<1x16xf32>,
        %swap3A_327 = vector.shape_cast %swap3A_326 : vector<1x16xf32> to vector<16xf32>
        %swap3A_328 = vector.shape_cast %select_n3A_323 : vector<16xf32> to vector<1x16xf32>
        tpu.vector_store %arg15[%swap3A_324, %swap3A_325], %swap3A_328 {strides = array<i32>} : memref<200x128xf32, #tpu.memory_space<vmem>>, vector<1x16xf32>,
        %get3A_329 = arith.index_cast %scan3A_249 : i32 to index
        %get3A_330 = arith.constant 96 : index
        %get3A_331 = tpu.vector_load %arg12[%get3A_329, %get3A_330] {strides = array<i32>} : memref<200x128xf32, #tpu.memory_space<vmem>>, vector<1x16xf32>,
        %get3A_332 = vector.shape_cast %get3A_331 : vector<1x16xf32> to vector<16xf32>
        %add3A_333 = arith.addf %scan3A_257, %get3A_332 : vector<16xf32>
        %select_n3A_334 = arith.select %ne3A, %get3A_332, %add3A_333 : vector<16xi1>, vector<16xf32>
        %swap3A_335 = arith.index_cast %scan3A_249 : i32 to index
        %swap3A_336 = arith.constant 96 : index
        %swap3A_337 = tpu.vector_load %arg15[%swap3A_335, %swap3A_336] {strides = array<i32>} : memref<200x128xf32, #tpu.memory_space<vmem>>, vector<1x16xf32>,
        %swap3A_338 = vector.shape_cast %swap3A_337 : vector<1x16xf32> to vector<16xf32>
        %swap3A_339 = vector.shape_cast %select_n3A_334 : vector<16xf32> to vector<1x16xf32>
        tpu.vector_store %arg15[%swap3A_335, %swap3A_336], %swap3A_339 {strides = array<i32>} : memref<200x128xf32, #tpu.memory_space<vmem>>, vector<1x16xf32>,
        %get3A_340 = arith.index_cast %scan3A_249 : i32 to index
        %get3A_341 = arith.constant 112 : index
        %get3A_342 = tpu.vector_load %arg12[%get3A_340, %get3A_341] {strides = array<i32>} : memref<200x128xf32, #tpu.memory_space<vmem>>, vector<1x16xf32>,
        %get3A_343 = vector.shape_cast %get3A_342 : vector<1x16xf32> to vector<16xf32>
        %add3A_344 = arith.addf %scan3A_258, %get3A_343 : vector<16xf32>
        %select_n3A_345 = arith.select %ne3A, %get3A_343, %add3A_344 : vector<16xi1>, vector<16xf32>
        %swap3A_346 = arith.index_cast %scan3A_249 : i32 to index
        %swap3A_347 = arith.constant 112 : index
        %swap3A_348 = tpu.vector_load %arg15[%swap3A_346, %swap3A_347] {strides = array<i32>} : memref<200x128xf32, #tpu.memory_space<vmem>>, vector<1x16xf32>,
        %swap3A_349 = vector.shape_cast %swap3A_348 : vector<1x16xf32> to vector<16xf32>
        %swap3A_350 = vector.shape_cast %select_n3A_345 : vector<16xf32> to vector<1x16xf32>
        tpu.vector_store %arg15[%swap3A_346, %swap3A_347], %swap3A_350 {strides = array<i32>} : memref<200x128xf32, #tpu.memory_space<vmem>>, vector<1x16xf32>,
        %get3A_351 = arith.index_cast %scan3A_249 : i32 to index
        %get3A_352 = arith.constant 0 : index
        %get3A_353 = tpu.vector_load %arg13[%get3A_351, %get3A_352] {strides = array<i32>} : memref<200x16xf32, #tpu.memory_space<vmem>>, vector<1x16xf32>,
        %get3A_354 = vector.shape_cast %get3A_353 : vector<1x16xf32> to vector<16xf32>
        %add3A_355 = arith.addf %scan3A_259, %get3A_354 : vector<16xf32>
        %select_n3A_356 = arith.select %ne3A, %get3A_354, %add3A_355 : vector<16xi1>, vector<16xf32>
        %swap3A_357 = arith.index_cast %scan3A_249 : i32 to index
        %swap3A_358 = arith.constant 0 : index
        %swap3A_359 = tpu.vector_load %arg16[%swap3A_357, %swap3A_358] {strides = array<i32>} : memref<200x128xf32, #tpu.memory_space<vmem>>, vector<1x16xf32>,
        %swap3A_360 = vector.shape_cast %swap3A_359 : vector<1x16xf32> to vector<16xf32>
        %swap3A_361 = vector.shape_cast %select_n3A_356 : vector<16xf32> to vector<1x16xf32>
        tpu.vector_store %arg16[%swap3A_357, %swap3A_358], %swap3A_361 {strides = array<i32>} : memref<200x128xf32, #tpu.memory_space<vmem>>, vector<1x16xf32>,
        scf.yield %get3A_262, %select_n3A_268, %select_n3A_279, %select_n3A_290, %select_n3A_301, %select_n3A_312, %select_n3A_323, %select_n3A_334, %select_n3A_345, %select_n3A_356 : vector<16xi32>, vector<16xf32>, vector<16xf32>, vector<16xf32>, vector<16xf32>, vector<16xf32>, vector<16xf32>, vector<16xf32>, vector<16xf32>, vector<16xf32>
      }
      %scan3A_240 = arith.constant 200 : i32
      %dma_wait3A_241 = tpu.memref_slice %arg5[%add3A_205] : memref<320000xi32, #tpu.memory_space<hbm>> -> memref<200xi32, #tpu.memory_space<hbm>>
      %dma_wait3A_242 = tpu.memref_slice %arg5[%add3A_205] : memref<320000xi32, #tpu.memory_space<hbm>> -> memref<200xi32, #tpu.memory_space<hbm>>
      tpu.wait_dma2 semaphore(%arg20 : memref<!tpu.dma_semaphore, #tpu.memory_space<semaphore_mem>>) src(%dma_wait3A_242 : memref<200xi32, #tpu.memory_space<hbm>>) dst(%arg11 : memref<200xi32, #tpu.memory_space<vmem>>)
      %dma_start3A_243 = arith.constant 0 : i32
      %dma_start3A_244 = arith.constant 0 : i32
      %dma_start3A_245 = tpu.memref_slice %arg6[%dma_start3A_243, %dma_start3A_244] : memref<20016x128xf32, #tpu.memory_space<hbm>> -> memref<20016x128xf32, #tpu.memory_space<hbm>>
      tpu.enqueue_indirect_dma source(%arg15 : memref<200x128xf32, #tpu.memory_space<vmem>>) target(%dma_start3A_245 : memref<20016x128xf32, #tpu.memory_space<hbm>>) offsets(%arg11 : memref<200xi32, #tpu.memory_space<vmem>>) semaphore(%arg24 : memref<!tpu.dma_semaphore, #tpu.memory_space<semaphore_mem>>)
      %dma_start3A_246 = arith.constant 0 : i32
      %dma_start3A_247 = arith.constant 0 : i32
      %dma_start3A_248 = tpu.memref_slice %arg7[%dma_start3A_246, %dma_start3A_247] : memref<20016x128xf32, #tpu.memory_space<hbm>> -> memref<20016x128xf32, #tpu.memory_space<hbm>>
      tpu.enqueue_indirect_dma source(%arg16 : memref<200x128xf32, #tpu.memory_space<vmem>>) target(%dma_start3A_248 : memref<20016x128xf32, #tpu.memory_space<hbm>>) offsets(%arg11 : memref<200xi32, #tpu.memory_space<vmem>>) semaphore(%arg25 : memref<!tpu.dma_semaphore, #tpu.memory_space<semaphore_mem>>)
      scf.yield %scan3A_239#0, %scan3A_239#1, %scan3A_239#2, %scan3A_239#3, %scan3A_239#4, %scan3A_239#5, %scan3A_239#6, %scan3A_239#7, %scan3A_239#8, %scan3A_239#9 : vector<16xi32>, vector<16xf32>, vector<16xf32>, vector<16xf32>, vector<16xf32>, vector<16xf32>, vector<16xf32>, vector<16xf32>, vector<16xf32>, vector<16xf32>
    }
    %scan3A_56 = arith.constant 50 : i32
    %dma_wait3A = arith.constant 0 : i32
    %dma_wait3A_57 = arith.constant 0 : i32
    %dma_wait3A_58 = tpu.memref_slice %arg2[%dma_wait3A, %dma_wait3A_57] : memref<320000x128xf32, #tpu.memory_space<hbm>> -> memref<200x128xf32, #tpu.memory_space<hbm>>
    %dma_wait3A_59 = arith.constant 0 : i32
    %dma_wait3A_60 = arith.constant 0 : i32
    %dma_wait3A_61 = tpu.memref_slice %arg2[%dma_wait3A_59, %dma_wait3A_60] : memref<320000x128xf32, #tpu.memory_space<hbm>> -> memref<200x128xf32, #tpu.memory_space<hbm>>
    tpu.wait_dma2 semaphore(%arg24 : memref<!tpu.dma_semaphore, #tpu.memory_space<semaphore_mem>>) src(%dma_wait3A_61 : memref<200x128xf32, #tpu.memory_space<hbm>>) dst(%arg15 : memref<200x128xf32, #tpu.memory_space<vmem>>)
    %dma_wait3A_62 = arith.constant 0 : i32
    %dma_wait3A_63 = arith.constant 0 : i32
    %dma_wait3A_64 = tpu.memref_slice %arg2[%dma_wait3A_62, %dma_wait3A_63] : memref<320000x128xf32, #tpu.memory_space<hbm>> -> memref<200x128xf32, #tpu.memory_space<hbm>>
    %dma_wait3A_65 = arith.constant 0 : i32
    %dma_wait3A_66 = arith.constant 0 : i32
    %dma_wait3A_67 = tpu.memref_slice %arg2[%dma_wait3A_65, %dma_wait3A_66] : memref<320000x128xf32, #tpu.memory_space<hbm>> -> memref<200x128xf32, #tpu.memory_space<hbm>>
    tpu.wait_dma2 semaphore(%arg25 : memref<!tpu.dma_semaphore, #tpu.memory_space<semaphore_mem>>) src(%dma_wait3A_67 : memref<200x128xf32, #tpu.memory_space<hbm>>) dst(%arg16 : memref<200x128xf32, #tpu.memory_space<vmem>>)
    %swap3A = arith.constant 1 : i32
    %swap3A_68 = arith.index_cast %swap3A : i32 to index
    %swap3A_69 = arith.constant 0 : index
    %swap3A_70 = tpu.vector_load %arg17[%swap3A_68, %swap3A_69] {strides = array<i32>} : memref<8x128xf32, #tpu.memory_space<vmem>>, vector<1x16xf32>,
    %swap3A_71 = vector.shape_cast %swap3A_70 : vector<1x16xf32> to vector<16xf32>
    %swap3A_72 = vector.shape_cast %scan3A_55#1 : vector<16xf32> to vector<1x16xf32>
    tpu.vector_store %arg17[%swap3A_68, %swap3A_69], %swap3A_72 {strides = array<i32>} : memref<8x128xf32, #tpu.memory_space<vmem>>, vector<1x16xf32>,
    %swap3A_73 = arith.constant 0 : i32
    %swap3A_74 = arith.index_cast %swap3A_73 : i32 to index
    %swap3A_75 = arith.constant 0 : index
    %swap3A_76 = tpu.vector_load %arg17[%swap3A_74, %swap3A_75] {strides = array<i32>} : memref<8x128xf32, #tpu.memory_space<vmem>>, vector<1x16xf32>,
    %swap3A_77 = vector.shape_cast %swap3A_76 : vector<1x16xf32> to vector<16xf32>
    %swap3A_78 = vector.shape_cast %broadcast_in_dim3A_1 : vector<16xf32> to vector<1x16xf32>
    tpu.vector_store %arg17[%swap3A_74, %swap3A_75], %swap3A_78 {strides = array<i32>} : memref<8x128xf32, #tpu.memory_space<vmem>>, vector<1x16xf32>,
    %swap3A_79 = arith.constant 1 : i32
    %swap3A_80 = arith.index_cast %swap3A_79 : i32 to index
    %swap3A_81 = arith.constant 16 : index
    %swap3A_82 = tpu.vector_load %arg17[%swap3A_80, %swap3A_81] {strides = array<i32>} : memref<8x128xf32, #tpu.memory_space<vmem>>, vector<1x16xf32>,
    %swap3A_83 = vector.shape_cast %swap3A_82 : vector<1x16xf32> to vector<16xf32>
    %swap3A_84 = vector.shape_cast %scan3A_55#2 : vector<16xf32> to vector<1x16xf32>
    tpu.vector_store %arg17[%swap3A_80, %swap3A_81], %swap3A_84 {strides = array<i32>} : memref<8x128xf32, #tpu.memory_space<vmem>>, vector<1x16xf32>,
    %swap3A_85 = arith.constant 0 : i32
    %swap3A_86 = arith.index_cast %swap3A_85 : i32 to index
    %swap3A_87 = arith.constant 16 : index
    %swap3A_88 = tpu.vector_load %arg17[%swap3A_86, %swap3A_87] {strides = array<i32>} : memref<8x128xf32, #tpu.memory_space<vmem>>, vector<1x16xf32>,
    %swap3A_89 = vector.shape_cast %swap3A_88 : vector<1x16xf32> to vector<16xf32>
    %swap3A_90 = vector.shape_cast %broadcast_in_dim3A_1 : vector<16xf32> to vector<1x16xf32>
    tpu.vector_store %arg17[%swap3A_86, %swap3A_87], %swap3A_90 {strides = array<i32>} : memref<8x128xf32, #tpu.memory_space<vmem>>, vector<1x16xf32>,
    %swap3A_91 = arith.constant 1 : i32
    %swap3A_92 = arith.index_cast %swap3A_91 : i32 to index
    %swap3A_93 = arith.constant 32 : index
    %swap3A_94 = tpu.vector_load %arg17[%swap3A_92, %swap3A_93] {strides = array<i32>} : memref<8x128xf32, #tpu.memory_space<vmem>>, vector<1x16xf32>,
    %swap3A_95 = vector.shape_cast %swap3A_94 : vector<1x16xf32> to vector<16xf32>
    %swap3A_96 = vector.shape_cast %scan3A_55#3 : vector<16xf32> to vector<1x16xf32>
    tpu.vector_store %arg17[%swap3A_92, %swap3A_93], %swap3A_96 {strides = array<i32>} : memref<8x128xf32, #tpu.memory_space<vmem>>, vector<1x16xf32>,
    %swap3A_97 = arith.constant 0 : i32
    %swap3A_98 = arith.index_cast %swap3A_97 : i32 to index
    %swap3A_99 = arith.constant 32 : index
    %swap3A_100 = tpu.vector_load %arg17[%swap3A_98, %swap3A_99] {strides = array<i32>} : memref<8x128xf32, #tpu.memory_space<vmem>>, vector<1x16xf32>,
    %swap3A_101 = vector.shape_cast %swap3A_100 : vector<1x16xf32> to vector<16xf32>
    %swap3A_102 = vector.shape_cast %broadcast_in_dim3A_1 : vector<16xf32> to vector<1x16xf32>
    tpu.vector_store %arg17[%swap3A_98, %swap3A_99], %swap3A_102 {strides = array<i32>} : memref<8x128xf32, #tpu.memory_space<vmem>>, vector<1x16xf32>,
    %swap3A_103 = arith.constant 1 : i32
    %swap3A_104 = arith.index_cast %swap3A_103 : i32 to index
    %swap3A_105 = arith.constant 48 : index
    %swap3A_106 = tpu.vector_load %arg17[%swap3A_104, %swap3A_105] {strides = array<i32>} : memref<8x128xf32, #tpu.memory_space<vmem>>, vector<1x16xf32>,
    %swap3A_107 = vector.shape_cast %swap3A_106 : vector<1x16xf32> to vector<16xf32>
    %swap3A_108 = vector.shape_cast %scan3A_55#4 : vector<16xf32> to vector<1x16xf32>
    tpu.vector_store %arg17[%swap3A_104, %swap3A_105], %swap3A_108 {strides = array<i32>} : memref<8x128xf32, #tpu.memory_space<vmem>>, vector<1x16xf32>,
    %swap3A_109 = arith.constant 0 : i32
    %swap3A_110 = arith.index_cast %swap3A_109 : i32 to index
    %swap3A_111 = arith.constant 48 : index
    %swap3A_112 = tpu.vector_load %arg17[%swap3A_110, %swap3A_111] {strides = array<i32>} : memref<8x128xf32, #tpu.memory_space<vmem>>, vector<1x16xf32>,
    %swap3A_113 = vector.shape_cast %swap3A_112 : vector<1x16xf32> to vector<16xf32>
    %swap3A_114 = vector.shape_cast %broadcast_in_dim3A_1 : vector<16xf32> to vector<1x16xf32>
    tpu.vector_store %arg17[%swap3A_110, %swap3A_111], %swap3A_114 {strides = array<i32>} : memref<8x128xf32, #tpu.memory_space<vmem>>, vector<1x16xf32>,
    %swap3A_115 = arith.constant 1 : i32
    %swap3A_116 = arith.index_cast %swap3A_115 : i32 to index
    %swap3A_117 = arith.constant 64 : index
    %swap3A_118 = tpu.vector_load %arg17[%swap3A_116, %swap3A_117] {strides = array<i32>} : memref<8x128xf32, #tpu.memory_space<vmem>>, vector<1x16xf32>,
    %swap3A_119 = vector.shape_cast %swap3A_118 : vector<1x16xf32> to vector<16xf32>
    %swap3A_120 = vector.shape_cast %scan3A_55#5 : vector<16xf32> to vector<1x16xf32>
    tpu.vector_store %arg17[%swap3A_116, %swap3A_117], %swap3A_120 {strides = array<i32>} : memref<8x128xf32, #tpu.memory_space<vmem>>, vector<1x16xf32>,
    %swap3A_121 = arith.constant 0 : i32
    %swap3A_122 = arith.index_cast %swap3A_121 : i32 to index
    %swap3A_123 = arith.constant 64 : index
    %swap3A_124 = tpu.vector_load %arg17[%swap3A_122, %swap3A_123] {strides = array<i32>} : memref<8x128xf32, #tpu.memory_space<vmem>>, vector<1x16xf32>,
    %swap3A_125 = vector.shape_cast %swap3A_124 : vector<1x16xf32> to vector<16xf32>
    %swap3A_126 = vector.shape_cast %broadcast_in_dim3A_1 : vector<16xf32> to vector<1x16xf32>
    tpu.vector_store %arg17[%swap3A_122, %swap3A_123], %swap3A_126 {strides = array<i32>} : memref<8x128xf32, #tpu.memory_space<vmem>>, vector<1x16xf32>,
    %swap3A_127 = arith.constant 1 : i32
    %swap3A_128 = arith.index_cast %swap3A_127 : i32 to index
    %swap3A_129 = arith.constant 80 : index
    %swap3A_130 = tpu.vector_load %arg17[%swap3A_128, %swap3A_129] {strides = array<i32>} : memref<8x128xf32, #tpu.memory_space<vmem>>, vector<1x16xf32>,
    %swap3A_131 = vector.shape_cast %swap3A_130 : vector<1x16xf32> to vector<16xf32>
    %swap3A_132 = vector.shape_cast %scan3A_55#6 : vector<16xf32> to vector<1x16xf32>
    tpu.vector_store %arg17[%swap3A_128, %swap3A_129], %swap3A_132 {strides = array<i32>} : memref<8x128xf32, #tpu.memory_space<vmem>>, vector<1x16xf32>,
    %swap3A_133 = arith.constant 0 : i32
    %swap3A_134 = arith.index_cast %swap3A_133 : i32 to index
    %swap3A_135 = arith.constant 80 : index
    %swap3A_136 = tpu.vector_load %arg17[%swap3A_134, %swap3A_135] {strides = array<i32>} : memref<8x128xf32, #tpu.memory_space<vmem>>, vector<1x16xf32>,
    %swap3A_137 = vector.shape_cast %swap3A_136 : vector<1x16xf32> to vector<16xf32>
    %swap3A_138 = vector.shape_cast %broadcast_in_dim3A_1 : vector<16xf32> to vector<1x16xf32>
    tpu.vector_store %arg17[%swap3A_134, %swap3A_135], %swap3A_138 {strides = array<i32>} : memref<8x128xf32, #tpu.memory_space<vmem>>, vector<1x16xf32>,
    %swap3A_139 = arith.constant 1 : i32
    %swap3A_140 = arith.index_cast %swap3A_139 : i32 to index
    %swap3A_141 = arith.constant 96 : index
    %swap3A_142 = tpu.vector_load %arg17[%swap3A_140, %swap3A_141] {strides = array<i32>} : memref<8x128xf32, #tpu.memory_space<vmem>>, vector<1x16xf32>,
    %swap3A_143 = vector.shape_cast %swap3A_142 : vector<1x16xf32> to vector<16xf32>
    %swap3A_144 = vector.shape_cast %scan3A_55#7 : vector<16xf32> to vector<1x16xf32>
    tpu.vector_store %arg17[%swap3A_140, %swap3A_141], %swap3A_144 {strides = array<i32>} : memref<8x128xf32, #tpu.memory_space<vmem>>, vector<1x16xf32>,
    %swap3A_145 = arith.constant 0 : i32
    %swap3A_146 = arith.index_cast %swap3A_145 : i32 to index
    %swap3A_147 = arith.constant 96 : index
    %swap3A_148 = tpu.vector_load %arg17[%swap3A_146, %swap3A_147] {strides = array<i32>} : memref<8x128xf32, #tpu.memory_space<vmem>>, vector<1x16xf32>,
    %swap3A_149 = vector.shape_cast %swap3A_148 : vector<1x16xf32> to vector<16xf32>
    %swap3A_150 = vector.shape_cast %broadcast_in_dim3A_1 : vector<16xf32> to vector<1x16xf32>
    tpu.vector_store %arg17[%swap3A_146, %swap3A_147], %swap3A_150 {strides = array<i32>} : memref<8x128xf32, #tpu.memory_space<vmem>>, vector<1x16xf32>,
    %swap3A_151 = arith.constant 1 : i32
    %swap3A_152 = arith.index_cast %swap3A_151 : i32 to index
    %swap3A_153 = arith.constant 112 : index
    %swap3A_154 = tpu.vector_load %arg17[%swap3A_152, %swap3A_153] {strides = array<i32>} : memref<8x128xf32, #tpu.memory_space<vmem>>, vector<1x16xf32>,
    %swap3A_155 = vector.shape_cast %swap3A_154 : vector<1x16xf32> to vector<16xf32>
    %swap3A_156 = vector.shape_cast %scan3A_55#8 : vector<16xf32> to vector<1x16xf32>
    tpu.vector_store %arg17[%swap3A_152, %swap3A_153], %swap3A_156 {strides = array<i32>} : memref<8x128xf32, #tpu.memory_space<vmem>>, vector<1x16xf32>,
    %swap3A_157 = arith.constant 0 : i32
    %swap3A_158 = arith.index_cast %swap3A_157 : i32 to index
    %swap3A_159 = arith.constant 112 : index
    %swap3A_160 = tpu.vector_load %arg17[%swap3A_158, %swap3A_159] {strides = array<i32>} : memref<8x128xf32, #tpu.memory_space<vmem>>, vector<1x16xf32>,
    %swap3A_161 = vector.shape_cast %swap3A_160 : vector<1x16xf32> to vector<16xf32>
    %swap3A_162 = vector.shape_cast %broadcast_in_dim3A_1 : vector<16xf32> to vector<1x16xf32>
    tpu.vector_store %arg17[%swap3A_158, %swap3A_159], %swap3A_162 {strides = array<i32>} : memref<8x128xf32, #tpu.memory_space<vmem>>, vector<1x16xf32>,
    %swap3A_163 = arith.constant 1 : i32
    %swap3A_164 = arith.index_cast %swap3A_163 : i32 to index
    %swap3A_165 = arith.constant 0 : index
    %swap3A_166 = tpu.vector_load %arg18[%swap3A_164, %swap3A_165] {strides = array<i32>} : memref<8x16xf32, #tpu.memory_space<vmem>>, vector<1x16xf32>,
    %swap3A_167 = vector.shape_cast %swap3A_166 : vector<1x16xf32> to vector<16xf32>
    %swap3A_168 = vector.shape_cast %scan3A_55#9 : vector<16xf32> to vector<1x16xf32>
    tpu.vector_store %arg18[%swap3A_164, %swap3A_165], %swap3A_168 {strides = array<i32>} : memref<8x16xf32, #tpu.memory_space<vmem>>, vector<1x16xf32>,
    %swap3A_169 = arith.constant 0 : i32
    %swap3A_170 = arith.index_cast %swap3A_169 : i32 to index
    %swap3A_171 = arith.constant 0 : index
    %swap3A_172 = tpu.vector_load %arg18[%swap3A_170, %swap3A_171] {strides = array<i32>} : memref<8x16xf32, #tpu.memory_space<vmem>>, vector<1x16xf32>,
    %swap3A_173 = vector.shape_cast %swap3A_172 : vector<1x16xf32> to vector<16xf32>
    %swap3A_174 = vector.shape_cast %broadcast_in_dim3A_1 : vector<16xf32> to vector<1x16xf32>
    tpu.vector_store %arg18[%swap3A_170, %swap3A_171], %swap3A_174 {strides = array<i32>} : memref<8x16xf32, #tpu.memory_space<vmem>>, vector<1x16xf32>,
    %eq3A_175 = arith.constant 1 : i32
    %eq3A_176 = vector.broadcast %eq3A_175 : i32 to vector<16xi32>
    %eq3A_177 = arith.cmpi eq, %iota3A, %eq3A_176 : vector<16xi32>
    %broadcast_in_dim3A_178 = arith.constant -1 : i32
    %broadcast_in_dim3A_179 = vector.broadcast %broadcast_in_dim3A_178 : i32 to vector<16xi32>
    %select_n3A = arith.select %eq3A_177, %scan3A_55#0, %broadcast_in_dim3A_179 : vector<16xi1>, vector<16xi32>
    %swap3A_180 = arith.constant 0 : index
    %swap3A_181 = tpu.vector_load %arg19[%swap3A_180] {strides = array<i32>} : memref<16xi32, #tpu.memory_space<vmem>>, vector<16xi32>,
    %swap3A_182 = vector.shape_cast %swap3A_181 : vector<16xi32> to vector<16xi32>
    %swap3A_183 = vector.shape_cast %select_n3A : vector<16xi32> to vector<16xi32>
    tpu.vector_store %arg19[%swap3A_180], %swap3A_183 {strides = array<i32>} : memref<16xi32, #tpu.memory_space<vmem>>, vector<16xi32>,
    %mul3A_184 = arith.constant 8 : i32
    %mul3A_185 = arith.muli %add3A, %mul3A_184 : i32
    "tpu.region"() ({
      %run_scoped3A = tpu.sem_alloc : memref<!tpu.dma_semaphore, #tpu.memory_space<semaphore_mem>>
      %dma_start3A = arith.constant 0 : i32
      %dma_start3A_190 = tpu.memref_slice %arg8[%mul3A_185, %dma_start3A] : memref<256x128xf32, #tpu.memory_space<hbm>> -> memref<8x128xf32, #tpu.memory_space<hbm>>
      %dma_start3A_191 = arith.constant 0 : i32
      %dma_start3A_192 = tpu.memref_slice %arg8[%mul3A_185, %dma_start3A_191] : memref<256x128xf32, #tpu.memory_space<hbm>> -> memref<8x128xf32, #tpu.memory_space<hbm>>
      tpu.enqueue_dma source(%arg17 : memref<8x128xf32, #tpu.memory_space<vmem>>) target(%dma_start3A_192 : memref<8x128xf32, #tpu.memory_space<hbm>>) target_semaphore(%run_scoped3A : memref<!tpu.dma_semaphore, #tpu.memory_space<semaphore_mem>>)
      %dma_wait3A_193 = arith.constant 0 : i32
      %dma_wait3A_194 = tpu.memref_slice %arg8[%mul3A_185, %dma_wait3A_193] : memref<256x128xf32, #tpu.memory_space<hbm>> -> memref<8x128xf32, #tpu.memory_space<hbm>>
      %dma_wait3A_195 = arith.constant 0 : i32
      %dma_wait3A_196 = tpu.memref_slice %arg8[%mul3A_185, %dma_wait3A_195] : memref<256x128xf32, #tpu.memory_space<hbm>> -> memref<8x128xf32, #tpu.memory_space<hbm>>
      tpu.wait_dma2 semaphore(%run_scoped3A : memref<!tpu.dma_semaphore, #tpu.memory_space<semaphore_mem>>) src(%arg17 : memref<8x128xf32, #tpu.memory_space<vmem>>) dst(%dma_wait3A_196 : memref<8x128xf32, #tpu.memory_space<hbm>>)
      tpu.yield
    }) : () -> ()
    %mul3A_186 = arith.constant 8 : i32
    %mul3A_187 = arith.muli %add3A, %mul3A_186 : i32
    "tpu.region"() ({
      %run_scoped3A = tpu.sem_alloc : memref<!tpu.dma_semaphore, #tpu.memory_space<semaphore_mem>>
      %dma_start3A = arith.constant 0 : i32
      %dma_start3A_190 = tpu.memref_slice %arg9[%mul3A_187, %dma_start3A] : memref<256x16xf32, #tpu.memory_space<hbm>> -> memref<8x16xf32, #tpu.memory_space<hbm>>
      %dma_start3A_191 = arith.constant 0 : i32
      %dma_start3A_192 = tpu.memref_slice %arg9[%mul3A_187, %dma_start3A_191] : memref<256x16xf32, #tpu.memory_space<hbm>> -> memref<8x16xf32, #tpu.memory_space<hbm>>
      tpu.enqueue_dma source(%arg18 : memref<8x16xf32, #tpu.memory_space<vmem>>) target(%dma_start3A_192 : memref<8x16xf32, #tpu.memory_space<hbm>>) target_semaphore(%run_scoped3A : memref<!tpu.dma_semaphore, #tpu.memory_space<semaphore_mem>>)
      %dma_wait3A_193 = arith.constant 0 : i32
      %dma_wait3A_194 = tpu.memref_slice %arg9[%mul3A_187, %dma_wait3A_193] : memref<256x16xf32, #tpu.memory_space<hbm>> -> memref<8x16xf32, #tpu.memory_space<hbm>>
      %dma_wait3A_195 = arith.constant 0 : i32
      %dma_wait3A_196 = tpu.memref_slice %arg9[%mul3A_187, %dma_wait3A_195] : memref<256x16xf32, #tpu.memory_space<hbm>> -> memref<8x16xf32, #tpu.memory_space<hbm>>
      tpu.wait_dma2 semaphore(%run_scoped3A : memref<!tpu.dma_semaphore, #tpu.memory_space<semaphore_mem>>) src(%arg18 : memref<8x16xf32, #tpu.memory_space<vmem>>) dst(%dma_wait3A_196 : memref<8x16xf32, #tpu.memory_space<hbm>>)
      tpu.yield
    }) : () -> ()
    %mul3A_188 = arith.constant 8 : i32
    %mul3A_189 = arith.muli %add3A, %mul3A_188 : i32
    "tpu.region"() ({
      %run_scoped3A = tpu.sem_alloc : memref<!tpu.dma_semaphore, #tpu.memory_space<semaphore_mem>>
      %dma_start3A = arith.constant 0 : i32
      %dma_start3A_190 = tpu.memref_slice %arg19[%dma_start3A] : memref<16xi32, #tpu.memory_space<vmem>> -> memref<8xi32, #tpu.memory_space<vmem>>
      %dma_start3A_191 = tpu.memref_slice %arg10[%mul3A_189] : memref<256xi32, #tpu.memory_space<hbm>> -> memref<8xi32, #tpu.memory_space<hbm>>
      %dma_start3A_192 = tpu.memref_slice %arg10[%mul3A_189] : memref<256xi32, #tpu.memory_space<hbm>> -> memref<8xi32, #tpu.memory_space<hbm>>
      %dma_start3A_193 = arith.constant 0 : i32
      %dma_start3A_194 = tpu.memref_slice %arg19[%dma_start3A_193] : memref<16xi32, #tpu.memory_space<vmem>> -> memref<8xi32, #tpu.memory_space<vmem>>
      tpu.enqueue_dma source(%dma_start3A_194 : memref<8xi32, #tpu.memory_space<vmem>>) target(%dma_start3A_192 : memref<8xi32, #tpu.memory_space<hbm>>) target_semaphore(%run_scoped3A : memref<!tpu.dma_semaphore, #tpu.memory_space<semaphore_mem>>)
      %dma_wait3A_195 = arith.constant 0 : i32
      %dma_wait3A_196 = tpu.memref_slice %arg19[%dma_wait3A_195] : memref<16xi32, #tpu.memory_space<vmem>> -> memref<8xi32, #tpu.memory_space<vmem>>
      %dma_wait3A_197 = tpu.memref_slice %arg10[%mul3A_189] : memref<256xi32, #tpu.memory_space<hbm>> -> memref<8xi32, #tpu.memory_space<hbm>>
      %dma_wait3A_198 = tpu.memref_slice %arg10[%mul3A_189] : memref<256xi32, #tpu.memory_space<hbm>> -> memref<8xi32, #tpu.memory_space<hbm>>
      %dma_wait3A_199 = arith.constant 0 : i32
      %dma_wait3A_200 = tpu.memref_slice %arg19[%dma_wait3A_199] : memref<16xi32, #tpu.memory_space<vmem>> -> memref<8xi32, #tpu.memory_space<vmem>>
      tpu.wait_dma2 semaphore(%run_scoped3A : memref<!tpu.dma_semaphore, #tpu.memory_space<semaphore_mem>>) src(%dma_wait3A_200 : memref<8xi32, #tpu.memory_space<vmem>>) dst(%dma_wait3A_198 : memref<8xi32, #tpu.memory_space<hbm>>)
      tpu.yield
    }) : () -> ()
    return
  }
}

#map = affine_map<(d0, d1) -> (0, 0)>
#map1 = affine_map<(d0, d1) -> (0)>
module attributes {stable_mosaic.version = 14 : i64} {
  func.func @_gather_body(%arg0: i32, %arg1: i32, %arg2: memref<10000x128xf32, #tpu.memory_space<hbm>>, %arg3: memref<10000x128xf32, #tpu.memory_space<hbm>>, %arg4: memref<10000x128xf32, #tpu.memory_space<hbm>>, %arg5: memref<320000xi32, #tpu.memory_space<hbm>>, %arg6: memref<320000xi32, #tpu.memory_space<hbm>>, %arg7: memref<320000x128xf32, #tpu.memory_space<hbm>>, %arg8: memref<320000x128xf32, #tpu.memory_space<hbm>>, %arg9: memref<320000x128xf32, #tpu.memory_space<hbm>>, %arg10: memref<200xi32, #tpu.memory_space<vmem>>, %arg11: memref<200xi32, #tpu.memory_space<vmem>>, %arg12: memref<200x128xf32, #tpu.memory_space<vmem>>, %arg13: memref<200x128xf32, #tpu.memory_space<vmem>>, %arg14: memref<200x128xf32, #tpu.memory_space<vmem>>, %arg15: memref<!tpu.dma_semaphore, #tpu.memory_space<semaphore_mem>>, %arg16: memref<!tpu.dma_semaphore, #tpu.memory_space<semaphore_mem>>, %arg17: memref<!tpu.dma_semaphore, #tpu.memory_space<semaphore_mem>>) attributes {dimension_semantics = [#tpu.dimension_semantics<core_parallel>, #tpu.dimension_semantics<subcore_parallel>], iteration_bounds = array<i64: 2, 16>, scalar_prefetch = 0 : i64, scratch_operands = 8 : i64, tpu.core_type = #tpu.core_type<sc_vector_subcore>, window_params = [{transform_indices = #map}, {transform_indices = #map}, {transform_indices = #map}, {transform_indices = #map1}, {transform_indices = #map1}, {transform_indices = #map}, {transform_indices = #map}, {transform_indices = #map}]} {
    %mul3A = arith.constant 16 : i32
    %mul3A_0 = arith.muli %arg0, %mul3A : i32
    %add3A = arith.addi %mul3A_0, %arg1 : i32
    %scan3A = arith.constant 0 : i32
    %scan3A_1 = arith.constant 0 : i32
    %scan3A_2 = arith.constant 50 : i32
    %scan3A_3 = arith.addi %scan3A_1, %scan3A_2 : i32
    %scan3A_4 = arith.constant 1 : i32
    %scan3A_5 = scf.for %scan3A_7 = %scan3A_1 to %scan3A_3 step %scan3A_4 iter_args(%scan3A_8 = %scan3A) -> (i32)  : i32 {
      %mul3A_9 = arith.constant 10000 : i32
      %mul3A_10 = arith.muli %add3A, %mul3A_9 : i32
      %mul3A_11 = arith.constant 200 : i32
      %mul3A_12 = arith.muli %scan3A_7, %mul3A_11 : i32
      %add3A_13 = arith.addi %mul3A_10, %mul3A_12 : i32
      "tpu.region"() ({
        %run_scoped3A = tpu.sem_alloc : memref<!tpu.dma_semaphore, #tpu.memory_space<semaphore_mem>>
        %dma_start3A_31 = tpu.memref_slice %arg5[%add3A_13] : memref<320000xi32, #tpu.memory_space<hbm>> -> memref<200xi32, #tpu.memory_space<hbm>>
        %dma_start3A_32 = tpu.memref_slice %arg5[%add3A_13] : memref<320000xi32, #tpu.memory_space<hbm>> -> memref<200xi32, #tpu.memory_space<hbm>>
        tpu.enqueue_dma source(%dma_start3A_32 : memref<200xi32, #tpu.memory_space<hbm>>) target(%arg10 : memref<200xi32, #tpu.memory_space<vmem>>) target_semaphore(%run_scoped3A : memref<!tpu.dma_semaphore, #tpu.memory_space<semaphore_mem>>)
        %dma_wait3A_33 = tpu.memref_slice %arg5[%add3A_13] : memref<320000xi32, #tpu.memory_space<hbm>> -> memref<200xi32, #tpu.memory_space<hbm>>
        %dma_wait3A_34 = tpu.memref_slice %arg5[%add3A_13] : memref<320000xi32, #tpu.memory_space<hbm>> -> memref<200xi32, #tpu.memory_space<hbm>>
        tpu.wait_dma2 semaphore(%run_scoped3A : memref<!tpu.dma_semaphore, #tpu.memory_space<semaphore_mem>>) src(%dma_wait3A_34 : memref<200xi32, #tpu.memory_space<hbm>>) dst(%arg10 : memref<200xi32, #tpu.memory_space<vmem>>)
        tpu.yield
      }) : () -> ()
      "tpu.region"() ({
        %run_scoped3A = tpu.sem_alloc : memref<!tpu.dma_semaphore, #tpu.memory_space<semaphore_mem>>
        %dma_start3A_31 = tpu.memref_slice %arg6[%add3A_13] : memref<320000xi32, #tpu.memory_space<hbm>> -> memref<200xi32, #tpu.memory_space<hbm>>
        %dma_start3A_32 = tpu.memref_slice %arg6[%add3A_13] : memref<320000xi32, #tpu.memory_space<hbm>> -> memref<200xi32, #tpu.memory_space<hbm>>
        tpu.enqueue_dma source(%dma_start3A_32 : memref<200xi32, #tpu.memory_space<hbm>>) target(%arg11 : memref<200xi32, #tpu.memory_space<vmem>>) target_semaphore(%run_scoped3A : memref<!tpu.dma_semaphore, #tpu.memory_space<semaphore_mem>>)
        %dma_wait3A_33 = tpu.memref_slice %arg6[%add3A_13] : memref<320000xi32, #tpu.memory_space<hbm>> -> memref<200xi32, #tpu.memory_space<hbm>>
        %dma_wait3A_34 = tpu.memref_slice %arg6[%add3A_13] : memref<320000xi32, #tpu.memory_space<hbm>> -> memref<200xi32, #tpu.memory_space<hbm>>
        tpu.wait_dma2 semaphore(%run_scoped3A : memref<!tpu.dma_semaphore, #tpu.memory_space<semaphore_mem>>) src(%dma_wait3A_34 : memref<200xi32, #tpu.memory_space<hbm>>) dst(%arg11 : memref<200xi32, #tpu.memory_space<vmem>>)
        tpu.yield
      }) : () -> ()
      %dma_start3A = arith.constant 0 : i32
      %dma_start3A_14 = arith.constant 0 : i32
      %dma_start3A_15 = tpu.memref_slice %arg2[%dma_start3A, %dma_start3A_14] : memref<10000x128xf32, #tpu.memory_space<hbm>> -> memref<10000x128xf32, #tpu.memory_space<hbm>>
      tpu.enqueue_indirect_dma source(%dma_start3A_15 : memref<10000x128xf32, #tpu.memory_space<hbm>>) target(%arg12 : memref<200x128xf32, #tpu.memory_space<vmem>>) offsets(%arg10 : memref<200xi32, #tpu.memory_space<vmem>>) semaphore(%arg15 : memref<!tpu.dma_semaphore, #tpu.memory_space<semaphore_mem>>)
      %dma_start3A_16 = arith.constant 0 : i32
      %dma_start3A_17 = arith.constant 0 : i32
      %dma_start3A_18 = tpu.memref_slice %arg3[%dma_start3A_16, %dma_start3A_17] : memref<10000x128xf32, #tpu.memory_space<hbm>> -> memref<10000x128xf32, #tpu.memory_space<hbm>>
      tpu.enqueue_indirect_dma source(%dma_start3A_18 : memref<10000x128xf32, #tpu.memory_space<hbm>>) target(%arg13 : memref<200x128xf32, #tpu.memory_space<vmem>>) offsets(%arg11 : memref<200xi32, #tpu.memory_space<vmem>>) semaphore(%arg16 : memref<!tpu.dma_semaphore, #tpu.memory_space<semaphore_mem>>)
      %dma_start3A_19 = arith.constant 0 : i32
      %dma_start3A_20 = arith.constant 0 : i32
      %dma_start3A_21 = tpu.memref_slice %arg4[%dma_start3A_19, %dma_start3A_20] : memref<10000x128xf32, #tpu.memory_space<hbm>> -> memref<10000x128xf32, #tpu.memory_space<hbm>>
      tpu.enqueue_indirect_dma source(%dma_start3A_21 : memref<10000x128xf32, #tpu.memory_space<hbm>>) target(%arg14 : memref<200x128xf32, #tpu.memory_space<vmem>>) offsets(%arg11 : memref<200xi32, #tpu.memory_space<vmem>>) semaphore(%arg17 : memref<!tpu.dma_semaphore, #tpu.memory_space<semaphore_mem>>)
      %dma_wait3A = arith.constant 0 : i32
      %dma_wait3A_22 = arith.constant 0 : i32
      %dma_wait3A_23 = tpu.memref_slice %arg2[%dma_wait3A, %dma_wait3A_22] : memref<10000x128xf32, #tpu.memory_space<hbm>> -> memref<10000x128xf32, #tpu.memory_space<hbm>>
      tpu.wait_indirect_dma semaphore(%arg15 : memref<!tpu.dma_semaphore, #tpu.memory_space<semaphore_mem>>) src(%dma_wait3A_23 : memref<10000x128xf32, #tpu.memory_space<hbm>>) dst(%arg12 : memref<200x128xf32, #tpu.memory_space<vmem>>)
      %dma_wait3A_24 = arith.constant 0 : i32
      %dma_wait3A_25 = arith.constant 0 : i32
      %dma_wait3A_26 = tpu.memref_slice %arg3[%dma_wait3A_24, %dma_wait3A_25] : memref<10000x128xf32, #tpu.memory_space<hbm>> -> memref<10000x128xf32, #tpu.memory_space<hbm>>
      tpu.wait_indirect_dma semaphore(%arg16 : memref<!tpu.dma_semaphore, #tpu.memory_space<semaphore_mem>>) src(%dma_wait3A_26 : memref<10000x128xf32, #tpu.memory_space<hbm>>) dst(%arg13 : memref<200x128xf32, #tpu.memory_space<vmem>>)
      %dma_wait3A_27 = arith.constant 0 : i32
      %dma_wait3A_28 = arith.constant 0 : i32
      %dma_wait3A_29 = tpu.memref_slice %arg4[%dma_wait3A_27, %dma_wait3A_28] : memref<10000x128xf32, #tpu.memory_space<hbm>> -> memref<10000x128xf32, #tpu.memory_space<hbm>>
      tpu.wait_indirect_dma semaphore(%arg17 : memref<!tpu.dma_semaphore, #tpu.memory_space<semaphore_mem>>) src(%dma_wait3A_29 : memref<10000x128xf32, #tpu.memory_space<hbm>>) dst(%arg14 : memref<200x128xf32, #tpu.memory_space<vmem>>)
      "tpu.region"() ({
        %run_scoped3A = tpu.sem_alloc : memref<!tpu.dma_semaphore, #tpu.memory_space<semaphore_mem>>
        %dma_start3A_31 = arith.constant 0 : i32
        %dma_start3A_32 = tpu.memref_slice %arg7[%add3A_13, %dma_start3A_31] : memref<320000x128xf32, #tpu.memory_space<hbm>> -> memref<200x128xf32, #tpu.memory_space<hbm>>
        %dma_start3A_33 = arith.constant 0 : i32
        %dma_start3A_34 = tpu.memref_slice %arg7[%add3A_13, %dma_start3A_33] : memref<320000x128xf32, #tpu.memory_space<hbm>> -> memref<200x128xf32, #tpu.memory_space<hbm>>
        tpu.enqueue_dma source(%arg12 : memref<200x128xf32, #tpu.memory_space<vmem>>) target(%dma_start3A_34 : memref<200x128xf32, #tpu.memory_space<hbm>>) target_semaphore(%run_scoped3A : memref<!tpu.dma_semaphore, #tpu.memory_space<semaphore_mem>>)
        %dma_wait3A_35 = arith.constant 0 : i32
        %dma_wait3A_36 = tpu.memref_slice %arg7[%add3A_13, %dma_wait3A_35] : memref<320000x128xf32, #tpu.memory_space<hbm>> -> memref<200x128xf32, #tpu.memory_space<hbm>>
        %dma_wait3A_37 = arith.constant 0 : i32
        %dma_wait3A_38 = tpu.memref_slice %arg7[%add3A_13, %dma_wait3A_37] : memref<320000x128xf32, #tpu.memory_space<hbm>> -> memref<200x128xf32, #tpu.memory_space<hbm>>
        tpu.wait_dma2 semaphore(%run_scoped3A : memref<!tpu.dma_semaphore, #tpu.memory_space<semaphore_mem>>) src(%arg12 : memref<200x128xf32, #tpu.memory_space<vmem>>) dst(%dma_wait3A_38 : memref<200x128xf32, #tpu.memory_space<hbm>>)
        tpu.yield
      }) : () -> ()
      "tpu.region"() ({
        %run_scoped3A = tpu.sem_alloc : memref<!tpu.dma_semaphore, #tpu.memory_space<semaphore_mem>>
        %dma_start3A_31 = arith.constant 0 : i32
        %dma_start3A_32 = tpu.memref_slice %arg8[%add3A_13, %dma_start3A_31] : memref<320000x128xf32, #tpu.memory_space<hbm>> -> memref<200x128xf32, #tpu.memory_space<hbm>>
        %dma_start3A_33 = arith.constant 0 : i32
        %dma_start3A_34 = tpu.memref_slice %arg8[%add3A_13, %dma_start3A_33] : memref<320000x128xf32, #tpu.memory_space<hbm>> -> memref<200x128xf32, #tpu.memory_space<hbm>>
        tpu.enqueue_dma source(%arg13 : memref<200x128xf32, #tpu.memory_space<vmem>>) target(%dma_start3A_34 : memref<200x128xf32, #tpu.memory_space<hbm>>) target_semaphore(%run_scoped3A : memref<!tpu.dma_semaphore, #tpu.memory_space<semaphore_mem>>)
        %dma_wait3A_35 = arith.constant 0 : i32
        %dma_wait3A_36 = tpu.memref_slice %arg8[%add3A_13, %dma_wait3A_35] : memref<320000x128xf32, #tpu.memory_space<hbm>> -> memref<200x128xf32, #tpu.memory_space<hbm>>
        %dma_wait3A_37 = arith.constant 0 : i32
        %dma_wait3A_38 = tpu.memref_slice %arg8[%add3A_13, %dma_wait3A_37] : memref<320000x128xf32, #tpu.memory_space<hbm>> -> memref<200x128xf32, #tpu.memory_space<hbm>>
        tpu.wait_dma2 semaphore(%run_scoped3A : memref<!tpu.dma_semaphore, #tpu.memory_space<semaphore_mem>>) src(%arg13 : memref<200x128xf32, #tpu.memory_space<vmem>>) dst(%dma_wait3A_38 : memref<200x128xf32, #tpu.memory_space<hbm>>)
        tpu.yield
      }) : () -> ()
      "tpu.region"() ({
        %run_scoped3A = tpu.sem_alloc : memref<!tpu.dma_semaphore, #tpu.memory_space<semaphore_mem>>
        %dma_start3A_31 = arith.constant 0 : i32
        %dma_start3A_32 = tpu.memref_slice %arg9[%add3A_13, %dma_start3A_31] : memref<320000x128xf32, #tpu.memory_space<hbm>> -> memref<200x128xf32, #tpu.memory_space<hbm>>
        %dma_start3A_33 = arith.constant 0 : i32
        %dma_start3A_34 = tpu.memref_slice %arg9[%add3A_13, %dma_start3A_33] : memref<320000x128xf32, #tpu.memory_space<hbm>> -> memref<200x128xf32, #tpu.memory_space<hbm>>
        tpu.enqueue_dma source(%arg14 : memref<200x128xf32, #tpu.memory_space<vmem>>) target(%dma_start3A_34 : memref<200x128xf32, #tpu.memory_space<hbm>>) target_semaphore(%run_scoped3A : memref<!tpu.dma_semaphore, #tpu.memory_space<semaphore_mem>>)
        %dma_wait3A_35 = arith.constant 0 : i32
        %dma_wait3A_36 = tpu.memref_slice %arg9[%add3A_13, %dma_wait3A_35] : memref<320000x128xf32, #tpu.memory_space<hbm>> -> memref<200x128xf32, #tpu.memory_space<hbm>>
        %dma_wait3A_37 = arith.constant 0 : i32
        %dma_wait3A_38 = tpu.memref_slice %arg9[%add3A_13, %dma_wait3A_37] : memref<320000x128xf32, #tpu.memory_space<hbm>> -> memref<200x128xf32, #tpu.memory_space<hbm>>
        tpu.wait_dma2 semaphore(%run_scoped3A : memref<!tpu.dma_semaphore, #tpu.memory_space<semaphore_mem>>) src(%arg14 : memref<200x128xf32, #tpu.memory_space<vmem>>) dst(%dma_wait3A_38 : memref<200x128xf32, #tpu.memory_space<hbm>>)
        tpu.yield
      }) : () -> ()
      %scan3A_30 = arith.constant 0 : i32
      scf.yield %scan3A_30 : i32
    }
    %scan3A_6 = arith.constant 50 : i32
    return
  }
}

module attributes {stable_mosaic.version = 14 : i64} {
  func.func @_qkv_body(%arg0: i32, %arg1: memref<1000x128xf32, #tpu.memory_space<vmem>>, %arg2: memref<128x128xf32, #tpu.memory_space<vmem>>, %arg3: memref<1x128xf32, #tpu.memory_space<vmem>>, %arg4: memref<128x128xf32, #tpu.memory_space<vmem>>, %arg5: memref<1x128xf32, #tpu.memory_space<vmem>>, %arg6: memref<128x128xf32, #tpu.memory_space<vmem>>, %arg7: memref<1x128xf32, #tpu.memory_space<vmem>>, %arg8: memref<1000x128xf32, #tpu.memory_space<vmem>>, %arg9: memref<1000x128xf32, #tpu.memory_space<vmem>>, %arg10: memref<1000x128xf32, #tpu.memory_space<vmem>>) attributes {dimension_semantics = [#tpu.dimension_semantics<arbitrary>], iteration_bounds = array<i64: 10>, scalar_prefetch = 0 : i64, scratch_operands = 0 : i64, tpu.core_type = #tpu.core_type<tc>, window_params = [{transform_indices = @transform_0, window_bounds = array<i64: 1000, 128>}, {pipeline_mode = #tpu.pipeline_mode<synchronous>, transform_indices = @transform_1, window_bounds = array<i64: 128, 128>}, {pipeline_mode = #tpu.pipeline_mode<synchronous>, transform_indices = @transform_2, window_bounds = array<i64: 1, 128>}, {pipeline_mode = #tpu.pipeline_mode<synchronous>, transform_indices = @transform_3, window_bounds = array<i64: 128, 128>}, {pipeline_mode = #tpu.pipeline_mode<synchronous>, transform_indices = @transform_4, window_bounds = array<i64: 1, 128>}, {pipeline_mode = #tpu.pipeline_mode<synchronous>, transform_indices = @transform_5, window_bounds = array<i64: 128, 128>}, {pipeline_mode = #tpu.pipeline_mode<synchronous>, transform_indices = @transform_6, window_bounds = array<i64: 1, 128>}, {transform_indices = @transform_7, window_bounds = array<i64: 1000, 128>}, {transform_indices = @transform_8, window_bounds = array<i64: 1000, 128>}, {transform_indices = @transform_9, window_bounds = array<i64: 1000, 128>}]} {
    %get3A = arith.constant 0 : index
    %get3A_0 = arith.constant 0 : index
    %get3A_1 = vector.load %arg1[%get3A, %get3A_0] : memref<1000x128xf32, #tpu.memory_space<vmem>>, vector<1000x128xf32>
    %get3A_2 = arith.constant 0 : index
    %get3A_3 = arith.constant 0 : index
    %get3A_4 = vector.load %arg2[%get3A_2, %get3A_3] : memref<128x128xf32, #tpu.memory_space<vmem>>, vector<128x128xf32>
    %dot_general3A = arith.constant dense<0.000000e+00> : vector<1000x128xf32>
    %dot_general3A_5 = tpu.matmul %get3A_1, %get3A_4, %dot_general3A {dimension_numbers = #tpu.dot_dimension_numbers<[1], [0], [0], [1], [0, 0, 1, 1], [], []>, transpose_lhs_hint = false} : vector<1000x128xf32>, vector<128x128xf32>, vector<1000x128xf32> -> vector<1000x128xf32>
    %get3A_6 = arith.constant 0 : index
    %get3A_7 = arith.constant 0 : index
    %get3A_8 = vector.load %arg3[%get3A_6, %get3A_7] : memref<1x128xf32, #tpu.memory_space<vmem>>, vector<1x128xf32>
    %add3A = vector.broadcast %get3A_8 : vector<1x128xf32> to vector<1000x128xf32>
    %add3A_9 = arith.addf %dot_general3A_5, %add3A : vector<1000x128xf32>
    %swap3A = arith.constant 0 : index
    %swap3A_10 = arith.constant 0 : index
    %swap3A_11 = vector.load %arg8[%swap3A, %swap3A_10] : memref<1000x128xf32, #tpu.memory_space<vmem>>, vector<1000x128xf32>
    tpu.vector_store %arg8[%swap3A, %swap3A_10], %add3A_9 {strides = array<i32>} : memref<1000x128xf32, #tpu.memory_space<vmem>>, vector<1000x128xf32>,
    %get3A_12 = arith.constant 0 : index
    %get3A_13 = arith.constant 0 : index
    %get3A_14 = vector.load %arg4[%get3A_12, %get3A_13] : memref<128x128xf32, #tpu.memory_space<vmem>>, vector<128x128xf32>
    %dot_general3A_15 = arith.constant dense<0.000000e+00> : vector<1000x128xf32>
    %dot_general3A_16 = tpu.matmul %get3A_1, %get3A_14, %dot_general3A_15 {dimension_numbers = #tpu.dot_dimension_numbers<[1], [0], [0], [1], [0, 0, 1, 1], [], []>, transpose_lhs_hint = false} : vector<1000x128xf32>, vector<128x128xf32>, vector<1000x128xf32> -> vector<1000x128xf32>
    %get3A_17 = arith.constant 0 : index
    %get3A_18 = arith.constant 0 : index
    %get3A_19 = vector.load %arg5[%get3A_17, %get3A_18] : memref<1x128xf32, #tpu.memory_space<vmem>>, vector<1x128xf32>
    %add3A_20 = vector.broadcast %get3A_19 : vector<1x128xf32> to vector<1000x128xf32>
    %add3A_21 = arith.addf %dot_general3A_16, %add3A_20 : vector<1000x128xf32>
    %swap3A_22 = arith.constant 0 : index
    %swap3A_23 = arith.constant 0 : index
    %swap3A_24 = vector.load %arg9[%swap3A_22, %swap3A_23] : memref<1000x128xf32, #tpu.memory_space<vmem>>, vector<1000x128xf32>
    tpu.vector_store %arg9[%swap3A_22, %swap3A_23], %add3A_21 {strides = array<i32>} : memref<1000x128xf32, #tpu.memory_space<vmem>>, vector<1000x128xf32>,
    %get3A_25 = arith.constant 0 : index
    %get3A_26 = arith.constant 0 : index
    %get3A_27 = vector.load %arg6[%get3A_25, %get3A_26] : memref<128x128xf32, #tpu.memory_space<vmem>>, vector<128x128xf32>
    %dot_general3A_28 = arith.constant dense<0.000000e+00> : vector<1000x128xf32>
    %dot_general3A_29 = tpu.matmul %get3A_1, %get3A_27, %dot_general3A_28 {dimension_numbers = #tpu.dot_dimension_numbers<[1], [0], [0], [1], [0, 0, 1, 1], [], []>, transpose_lhs_hint = false} : vector<1000x128xf32>, vector<128x128xf32>, vector<1000x128xf32> -> vector<1000x128xf32>
    %get3A_30 = arith.constant 0 : index
    %get3A_31 = arith.constant 0 : index
    %get3A_32 = vector.load %arg7[%get3A_30, %get3A_31] : memref<1x128xf32, #tpu.memory_space<vmem>>, vector<1x128xf32>
    %add3A_33 = vector.broadcast %get3A_32 : vector<1x128xf32> to vector<1000x128xf32>
    %add3A_34 = arith.addf %dot_general3A_29, %add3A_33 : vector<1000x128xf32>
    %swap3A_35 = arith.constant 0 : index
    %swap3A_36 = arith.constant 0 : index
    %swap3A_37 = vector.load %arg10[%swap3A_35, %swap3A_36] : memref<1000x128xf32, #tpu.memory_space<vmem>>, vector<1000x128xf32>
    tpu.vector_store %arg10[%swap3A_35, %swap3A_36], %add3A_34 {strides = array<i32>} : memref<1000x128xf32, #tpu.memory_space<vmem>>, vector<1000x128xf32>,
    return
  }
  func.func @transform_0(%arg0: i32) -> (i32, i32) {
    %c0_i32 = arith.constant 0 : i32
    %c0_i32_0 = arith.constant 0 : i32
    return %arg0, %c0_i32 : i32, i32
  }
  func.func @transform_1(%arg0: i32) -> (i32, i32) {
    %c0_i32 = arith.constant 0 : i32
    %c0_i32_0 = arith.constant 0 : i32
    %c0_i32_1 = arith.constant 0 : i32
    return %c0_i32, %c0_i32_0 : i32, i32
  }
  func.func @transform_2(%arg0: i32) -> (i32, i32) {
    %c0_i32 = arith.constant 0 : i32
    %c0_i32_0 = arith.constant 0 : i32
    %c0_i32_1 = arith.constant 0 : i32
    return %c0_i32, %c0_i32_0 : i32, i32
  }
  func.func @transform_3(%arg0: i32) -> (i32, i32) {
    %c0_i32 = arith.constant 0 : i32
    %c0_i32_0 = arith.constant 0 : i32
    %c0_i32_1 = arith.constant 0 : i32
    return %c0_i32, %c0_i32_0 : i32, i32
  }
  func.func @transform_4(%arg0: i32) -> (i32, i32) {
    %c0_i32 = arith.constant 0 : i32
    %c0_i32_0 = arith.constant 0 : i32
    %c0_i32_1 = arith.constant 0 : i32
    return %c0_i32, %c0_i32_0 : i32, i32
  }
  func.func @transform_5(%arg0: i32) -> (i32, i32) {
    %c0_i32 = arith.constant 0 : i32
    %c0_i32_0 = arith.constant 0 : i32
    %c0_i32_1 = arith.constant 0 : i32
    return %c0_i32, %c0_i32_0 : i32, i32
  }
  func.func @transform_6(%arg0: i32) -> (i32, i32) {
    %c0_i32 = arith.constant 0 : i32
    %c0_i32_0 = arith.constant 0 : i32
    %c0_i32_1 = arith.constant 0 : i32
    return %c0_i32, %c0_i32_0 : i32, i32
  }
  func.func @transform_7(%arg0: i32) -> (i32, i32) {
    %c0_i32 = arith.constant 0 : i32
    %c0_i32_0 = arith.constant 0 : i32
    return %arg0, %c0_i32 : i32, i32
  }
  func.func @transform_8(%arg0: i32) -> (i32, i32) {
    %c0_i32 = arith.constant 0 : i32
    %c0_i32_0 = arith.constant 0 : i32
    return %arg0, %c0_i32 : i32, i32
  }
  func.func @transform_9(%arg0: i32) -> (i32, i32) {
    %c0_i32 = arith.constant 0 : i32
    %c0_i32_0 = arith.constant 0 : i32
    return %arg0, %c0_i32 : i32, i32
  }
}

module attributes {stable_mosaic.version = 14 : i64} {
  func.func @_edge_math_body(%arg0: i32, %arg1: memref<4000x128xf32, #tpu.memory_space<vmem>>, %arg2: memref<4000x128xf32, #tpu.memory_space<vmem>>, %arg3: memref<4000x128xf32, #tpu.memory_space<vmem>>, %arg4: memref<4000x128xf32, #tpu.memory_space<vmem>>, %arg5: memref<4000x16xf32, #tpu.memory_space<vmem>>) attributes {dimension_semantics = [#tpu.dimension_semantics<arbitrary>], iteration_bounds = array<i64: 80>, scalar_prefetch = 0 : i64, scratch_operands = 0 : i64, tpu.core_type = #tpu.core_type<tc>, window_params = [{transform_indices = @transform_0, window_bounds = array<i64: 4000, 128>}, {transform_indices = @transform_1, window_bounds = array<i64: 4000, 128>}, {transform_indices = @transform_2, window_bounds = array<i64: 4000, 128>}, {transform_indices = @transform_3, window_bounds = array<i64: 4000, 128>}, {transform_indices = @transform_4, window_bounds = array<i64: 4000, 16>}]} {
    %get3A = arith.constant 0 : index
    %get3A_0 = arith.constant 0 : index
    %get3A_1 = vector.load %arg1[%get3A, %get3A_0] : memref<4000x128xf32, #tpu.memory_space<vmem>>, vector<4000x128xf32>
    %get3A_2 = arith.constant 0 : index
    %get3A_3 = arith.constant 0 : index
    %get3A_4 = vector.load %arg2[%get3A_2, %get3A_3] : memref<4000x128xf32, #tpu.memory_space<vmem>>, vector<4000x128xf32>
    %mul3A = arith.mulf %get3A_1, %get3A_4 : vector<4000x128xf32>
    %iota3A = tpu.iota {dimensions = array<i32: 0>} : vector<128x128xi32>
    %iota3A_5 = tpu.iota {dimensions = array<i32: 1>} : vector<128x128xi32>
    %jit3A = arith.constant 16 : i32
    %div3A = vector.broadcast %jit3A : i32 to vector<128x128xi32>
    %div3A_6 = arith.divsi %iota3A, %div3A : vector<128x128xi32>
    %sign3A = arith.constant 0 : i32
    %sign3A_7 = vector.broadcast %sign3A : i32 to vector<128x128xi32>
    %sign3A_8 = arith.cmpi sgt, %iota3A, %sign3A_7 : vector<128x128xi32>
    %sign3A_9 = arith.extui %sign3A_8 : vector<128x128xi1> to vector<128x128xi32>
    %sign3A_10 = arith.constant 0 : i32
    %sign3A_11 = vector.broadcast %sign3A_10 : i32 to vector<128x128xi32>
    %sign3A_12 = arith.cmpi slt, %iota3A, %sign3A_11 : vector<128x128xi32>
    %sign3A_13 = arith.extui %sign3A_12 : vector<128x128xi1> to vector<128x128xi32>
    %sign3A_14 = arith.subi %sign3A_9, %sign3A_13 : vector<128x128xi32>
    %sign3A_15 = arith.constant 0 : i32
    %sign3A_16 = arith.cmpi sgt, %jit3A, %sign3A_15 : i32
    %sign3A_17 = arith.extui %sign3A_16 : i1 to i32
    %sign3A_18 = arith.constant 0 : i32
    %sign3A_19 = arith.cmpi slt, %jit3A, %sign3A_18 : i32
    %sign3A_20 = arith.extui %sign3A_19 : i1 to i32
    %sign3A_21 = arith.subi %sign3A_17, %sign3A_20 : i32
    %ne3A = vector.broadcast %sign3A_21 : i32 to vector<128x128xi32>
    %ne3A_22 = arith.cmpi ne, %sign3A_14, %ne3A : vector<128x128xi32>
    %rem3A = vector.broadcast %jit3A : i32 to vector<128x128xi32>
    %rem3A_23 = arith.remsi %iota3A, %rem3A : vector<128x128xi32>
    %ne3A_24 = arith.constant 0 : i32
    %ne3A_25 = vector.broadcast %ne3A_24 : i32 to vector<128x128xi32>
    %ne3A_26 = arith.cmpi ne, %rem3A_23, %ne3A_25 : vector<128x128xi32>
    %and3A = arith.andi %ne3A_22, %ne3A_26 : vector<128x128xi1>
    %sub3A = arith.constant 1 : i32
    %sub3A_27 = vector.broadcast %sub3A : i32 to vector<128x128xi32>
    %sub3A_28 = arith.subi %div3A_6, %sub3A_27 : vector<128x128xi32>
    %select_n3A = arith.select %and3A, %sub3A_28, %div3A_6 : vector<128x128xi1>, vector<128x128xi32>
    %jit3A_29 = arith.constant 16 : i32
    %div3A_30 = vector.broadcast %jit3A_29 : i32 to vector<128x128xi32>
    %div3A_31 = arith.divsi %iota3A_5, %div3A_30 : vector<128x128xi32>
    %sign3A_32 = arith.constant 0 : i32
    %sign3A_33 = vector.broadcast %sign3A_32 : i32 to vector<128x128xi32>
    %sign3A_34 = arith.cmpi sgt, %iota3A_5, %sign3A_33 : vector<128x128xi32>
    %sign3A_35 = arith.extui %sign3A_34 : vector<128x128xi1> to vector<128x128xi32>
    %sign3A_36 = arith.constant 0 : i32
    %sign3A_37 = vector.broadcast %sign3A_36 : i32 to vector<128x128xi32>
    %sign3A_38 = arith.cmpi slt, %iota3A_5, %sign3A_37 : vector<128x128xi32>
    %sign3A_39 = arith.extui %sign3A_38 : vector<128x128xi1> to vector<128x128xi32>
    %sign3A_40 = arith.subi %sign3A_35, %sign3A_39 : vector<128x128xi32>
    %sign3A_41 = arith.constant 0 : i32
    %sign3A_42 = arith.cmpi sgt, %jit3A_29, %sign3A_41 : i32
    %sign3A_43 = arith.extui %sign3A_42 : i1 to i32
    %sign3A_44 = arith.constant 0 : i32
    %sign3A_45 = arith.cmpi slt, %jit3A_29, %sign3A_44 : i32
    %sign3A_46 = arith.extui %sign3A_45 : i1 to i32
    %sign3A_47 = arith.subi %sign3A_43, %sign3A_46 : i32
    %ne3A_48 = vector.broadcast %sign3A_47 : i32 to vector<128x128xi32>
    %ne3A_49 = arith.cmpi ne, %sign3A_40, %ne3A_48 : vector<128x128xi32>
    %rem3A_50 = vector.broadcast %jit3A_29 : i32 to vector<128x128xi32>
    %rem3A_51 = arith.remsi %iota3A_5, %rem3A_50 : vector<128x128xi32>
    %ne3A_52 = arith.constant 0 : i32
    %ne3A_53 = vector.broadcast %ne3A_52 : i32 to vector<128x128xi32>
    %ne3A_54 = arith.cmpi ne, %rem3A_51, %ne3A_53 : vector<128x128xi32>
    %and3A_55 = arith.andi %ne3A_49, %ne3A_54 : vector<128x128xi1>
    %sub3A_56 = arith.constant 1 : i32
    %sub3A_57 = vector.broadcast %sub3A_56 : i32 to vector<128x128xi32>
    %sub3A_58 = arith.subi %div3A_31, %sub3A_57 : vector<128x128xi32>
    %select_n3A_59 = arith.select %and3A_55, %sub3A_58, %div3A_31 : vector<128x128xi1>, vector<128x128xi32>
    %eq3A = arith.cmpi eq, %select_n3A, %select_n3A_59 : vector<128x128xi32>
    %convert_element_type3A = arith.extui %eq3A : vector<128x128xi1> to vector<128x128xi32>
    %convert_element_type3A_60 = arith.sitofp %convert_element_type3A : vector<128x128xi32> to vector<128x128xf32>
    %dot_general3A = arith.constant dense<0.000000e+00> : vector<4000x128xf32>
    %dot_general3A_61 = tpu.matmul %mul3A, %convert_element_type3A_60, %dot_general3A {dimension_numbers = #tpu.dot_dimension_numbers<[1], [0], [0], [1], [0, 0, 1, 1], [], []>, transpose_lhs_hint = false} : vector<4000x128xf32>, vector<128x128xf32>, vector<4000x128xf32> -> vector<4000x128xf32>
    %mul3A_62 = arith.constant 2.500000e-01 : f32
    %mul3A_63 = vector.broadcast %mul3A_62 : f32 to vector<4000x128xf32>
    %mul3A_64 = arith.mulf %dot_general3A_61, %mul3A_63 : vector<4000x128xf32>
    %exp3A = math.exp %mul3A_64 : vector<4000x128xf32>
    %get3A_65 = arith.constant 0 : index
    %get3A_66 = arith.constant 0 : index
    %get3A_67 = vector.load %arg3[%get3A_65, %get3A_66] : memref<4000x128xf32, #tpu.memory_space<vmem>>, vector<4000x128xf32>
    %mul3A_68 = arith.mulf %exp3A, %get3A_67 : vector<4000x128xf32>
    %swap3A = arith.constant 0 : index
    %swap3A_69 = arith.constant 0 : index
    %swap3A_70 = vector.load %arg4[%swap3A, %swap3A_69] : memref<4000x128xf32, #tpu.memory_space<vmem>>, vector<4000x128xf32>
    tpu.vector_store %arg4[%swap3A, %swap3A_69], %mul3A_68 {strides = array<i32>} : memref<4000x128xf32, #tpu.memory_space<vmem>>, vector<4000x128xf32>,
    %iota3A_71 = tpu.iota {dimensions = array<i32: 0>} : vector<128x16xi32>
    %iota3A_72 = tpu.iota {dimensions = array<i32: 1>} : vector<128x16xi32>
    %jit3A_73 = arith.constant 16 : i32
    %div3A_74 = vector.broadcast %jit3A_73 : i32 to vector<128x16xi32>
    %div3A_75 = arith.divsi %iota3A_71, %div3A_74 : vector<128x16xi32>
    %sign3A_76 = arith.constant 0 : i32
    %sign3A_77 = vector.broadcast %sign3A_76 : i32 to vector<128x16xi32>
    %sign3A_78 = arith.cmpi sgt, %iota3A_71, %sign3A_77 : vector<128x16xi32>
    %sign3A_79 = arith.extui %sign3A_78 : vector<128x16xi1> to vector<128x16xi32>
    %sign3A_80 = arith.constant 0 : i32
    %sign3A_81 = vector.broadcast %sign3A_80 : i32 to vector<128x16xi32>
    %sign3A_82 = arith.cmpi slt, %iota3A_71, %sign3A_81 : vector<128x16xi32>
    %sign3A_83 = arith.extui %sign3A_82 : vector<128x16xi1> to vector<128x16xi32>
    %sign3A_84 = arith.subi %sign3A_79, %sign3A_83 : vector<128x16xi32>
    %sign3A_85 = arith.constant 0 : i32
    %sign3A_86 = arith.cmpi sgt, %jit3A_73, %sign3A_85 : i32
    %sign3A_87 = arith.extui %sign3A_86 : i1 to i32
    %sign3A_88 = arith.constant 0 : i32
    %sign3A_89 = arith.cmpi slt, %jit3A_73, %sign3A_88 : i32
    %sign3A_90 = arith.extui %sign3A_89 : i1 to i32
    %sign3A_91 = arith.subi %sign3A_87, %sign3A_90 : i32
    %ne3A_92 = vector.broadcast %sign3A_91 : i32 to vector<128x16xi32>
    %ne3A_93 = arith.cmpi ne, %sign3A_84, %ne3A_92 : vector<128x16xi32>
    %rem3A_94 = vector.broadcast %jit3A_73 : i32 to vector<128x16xi32>
    %rem3A_95 = arith.remsi %iota3A_71, %rem3A_94 : vector<128x16xi32>
    %ne3A_96 = arith.constant 0 : i32
    %ne3A_97 = vector.broadcast %ne3A_96 : i32 to vector<128x16xi32>
    %ne3A_98 = arith.cmpi ne, %rem3A_95, %ne3A_97 : vector<128x16xi32>
    %and3A_99 = arith.andi %ne3A_93, %ne3A_98 : vector<128x16xi1>
    %sub3A_100 = arith.constant 1 : i32
    %sub3A_101 = vector.broadcast %sub3A_100 : i32 to vector<128x16xi32>
    %sub3A_102 = arith.subi %div3A_75, %sub3A_101 : vector<128x16xi32>
    %select_n3A_103 = arith.select %and3A_99, %sub3A_102, %div3A_75 : vector<128x16xi1>, vector<128x16xi32>
    %eq3A_104 = arith.cmpi eq, %select_n3A_103, %iota3A_72 : vector<128x16xi32>
    %lt3A = arith.constant 8 : i32
    %lt3A_105 = vector.broadcast %lt3A : i32 to vector<128x16xi32>
    %lt3A_106 = arith.cmpi slt, %iota3A_72, %lt3A_105 : vector<128x16xi32>
    %and3A_107 = arith.andi %eq3A_104, %lt3A_106 : vector<128x16xi1>
    %convert_element_type3A_108 = arith.extui %and3A_107 : vector<128x16xi1> to vector<128x16xi32>
    %convert_element_type3A_109 = arith.sitofp %convert_element_type3A_108 : vector<128x16xi32> to vector<128x16xf32>
    %mul3A_110 = arith.constant 6.250000e-02 : f32
    %mul3A_111 = vector.broadcast %mul3A_110 : f32 to vector<128x16xf32>
    %mul3A_112 = arith.mulf %convert_element_type3A_109, %mul3A_111 : vector<128x16xf32>
    %dot_general3A_113 = arith.constant dense<0.000000e+00> : vector<4000x16xf32>
    %dot_general3A_114 = tpu.matmul %exp3A, %mul3A_112, %dot_general3A_113 {dimension_numbers = #tpu.dot_dimension_numbers<[1], [0], [0], [1], [0, 0, 1, 1], [], []>, transpose_lhs_hint = false} : vector<4000x128xf32>, vector<128x16xf32>, vector<4000x16xf32> -> vector<4000x16xf32>
    %swap3A_115 = arith.constant 0 : index
    %swap3A_116 = arith.constant 0 : index
    %swap3A_117 = vector.load %arg5[%swap3A_115, %swap3A_116] : memref<4000x16xf32, #tpu.memory_space<vmem>>, vector<4000x16xf32>
    tpu.vector_store %arg5[%swap3A_115, %swap3A_116], %dot_general3A_114 {strides = array<i32>} : memref<4000x16xf32, #tpu.memory_space<vmem>>, vector<4000x16xf32>,
    return
  }
  func.func @transform_0(%arg0: i32) -> (i32, i32) {
    %c0_i32 = arith.constant 0 : i32
    %c0_i32_0 = arith.constant 0 : i32
    return %arg0, %c0_i32 : i32, i32
  }
  func.func @transform_1(%arg0: i32) -> (i32, i32) {
    %c0_i32 = arith.constant 0 : i32
    %c0_i32_0 = arith.constant 0 : i32
    return %arg0, %c0_i32 : i32, i32
  }
  func.func @transform_2(%arg0: i32) -> (i32, i32) {
    %c0_i32 = arith.constant 0 : i32
    %c0_i32_0 = arith.constant 0 : i32
    return %arg0, %c0_i32 : i32, i32
  }
  func.func @transform_3(%arg0: i32) -> (i32, i32) {
    %c0_i32 = arith.constant 0 : i32
    %c0_i32_0 = arith.constant 0 : i32
    return %arg0, %c0_i32 : i32, i32
  }
  func.func @transform_4(%arg0: i32) -> (i32, i32) {
    %c0_i32 = arith.constant 0 : i32
    %c0_i32_0 = arith.constant 0 : i32
    return %arg0, %c0_i32 : i32, i32
  }
}

module attributes {stable_mosaic.version = 14 : i64} {
  func.func @_merge_body(%arg0: memref<2x10000x128xf32, #tpu.memory_space<vmem>>, %arg1: memref<2x10000x16xf32, #tpu.memory_space<vmem>>, %arg2: memref<256x128xf32, #tpu.memory_space<vmem>>, %arg3: memref<256x16xf32, #tpu.memory_space<vmem>>, %arg4: memref<256xi32, #tpu.memory_space<smem>>, %arg5: memref<10000x128xf32, #tpu.memory_space<vmem>>, %arg6: memref<10000x16xf32, #tpu.memory_space<vmem>>) attributes {dimension_semantics = [], scalar_prefetch = 0 : i64, scratch_operands = 0 : i64, tpu.core_type = #tpu.core_type<tc>} {
    %get3A = arith.constant 0 : index
    %get3A_0 = arith.constant 0 : index
    %get3A_1 = arith.constant 0 : index
    %get3A_2 = vector.load %arg0[%get3A, %get3A_0, %get3A_1] : memref<2x10000x128xf32, #tpu.memory_space<vmem>>, vector<1x10000x128xf32>
    %get3A_3 = vector.shape_cast %get3A_2 : vector<1x10000x128xf32> to vector<10000x128xf32>
    %get3A_4 = arith.constant 1 : index
    %get3A_5 = arith.constant 0 : index
    %get3A_6 = arith.constant 0 : index
    %get3A_7 = vector.load %arg0[%get3A_4, %get3A_5, %get3A_6] : memref<2x10000x128xf32, #tpu.memory_space<vmem>>, vector<1x10000x128xf32>
    %get3A_8 = vector.shape_cast %get3A_7 : vector<1x10000x128xf32> to vector<10000x128xf32>
    %add3A = arith.addf %get3A_3, %get3A_8 : vector<10000x128xf32>
    %swap3A = arith.constant 0 : index
    %swap3A_9 = arith.constant 0 : index
    %swap3A_10 = vector.load %arg5[%swap3A, %swap3A_9] : memref<10000x128xf32, #tpu.memory_space<vmem>>, vector<10000x128xf32>
    tpu.vector_store %arg5[%swap3A, %swap3A_9], %add3A {strides = array<i32>} : memref<10000x128xf32, #tpu.memory_space<vmem>>, vector<10000x128xf32>,
    %get3A_11 = arith.constant 0 : index
    %get3A_12 = arith.constant 0 : index
    %get3A_13 = arith.constant 0 : index
    %get3A_14 = vector.load %arg1[%get3A_11, %get3A_12, %get3A_13] : memref<2x10000x16xf32, #tpu.memory_space<vmem>>, vector<1x10000x16xf32>
    %get3A_15 = vector.shape_cast %get3A_14 : vector<1x10000x16xf32> to vector<10000x16xf32>
    %get3A_16 = arith.constant 1 : index
    %get3A_17 = arith.constant 0 : index
    %get3A_18 = arith.constant 0 : index
    %get3A_19 = vector.load %arg1[%get3A_16, %get3A_17, %get3A_18] : memref<2x10000x16xf32, #tpu.memory_space<vmem>>, vector<1x10000x16xf32>
    %get3A_20 = vector.shape_cast %get3A_19 : vector<1x10000x16xf32> to vector<10000x16xf32>
    %add3A_21 = arith.addf %get3A_15, %get3A_20 : vector<10000x16xf32>
    %swap3A_22 = arith.constant 0 : index
    %swap3A_23 = arith.constant 0 : index
    %swap3A_24 = vector.load %arg6[%swap3A_22, %swap3A_23] : memref<10000x16xf32, #tpu.memory_space<vmem>>, vector<10000x16xf32>
    tpu.vector_store %arg6[%swap3A_22, %swap3A_23], %add3A_21 {strides = array<i32>} : memref<10000x16xf32, #tpu.memory_space<vmem>>, vector<10000x16xf32>,
    %scan3A = arith.constant 0 : i32
    %scan3A_25 = arith.constant 256 : i32
    %scan3A_26 = arith.addi %scan3A, %scan3A_25 : i32
    %scan3A_27 = arith.constant 1 : i32
    scf.for %scan3A_29 = %scan3A to %scan3A_26 step %scan3A_27  : i32 {
      %get3A_30 = arith.index_cast %scan3A_29 : i32 to index
      %get3A_31 = memref.load %arg4[%get3A_30] : memref<256xi32, #tpu.memory_space<smem>>
      %ge3A = arith.constant 0 : i32
      %ge3A_32 = arith.cmpi sge, %get3A_31, %ge3A : i32
      %convert_element_type3A = arith.extui %ge3A_32 : i1 to i32
      %cond3A = arith.constant 0 : i32
      %cond3A_33 = arith.cmpi ne, %convert_element_type3A, %cond3A : i32
      scf.if %cond3A_33 {
        %get3A_34 = arith.index_cast %get3A_31 : i32 to index
        %get3A_35 = arith.constant 0 : index
        %get3A_36 = vector.load %arg5[%get3A_34, %get3A_35] : memref<10000x128xf32, #tpu.memory_space<vmem>>, vector<1x128xf32>
        %get3A_37 = arith.index_cast %scan3A_29 : i32 to index
        %get3A_38 = arith.constant 0 : index
        %get3A_39 = vector.load %arg2[%get3A_37, %get3A_38] : memref<256x128xf32, #tpu.memory_space<vmem>>, vector<1x128xf32>
        %add3A_40 = arith.addf %get3A_36, %get3A_39 : vector<1x128xf32>
        %swap3A_41 = arith.index_cast %get3A_31 : i32 to index
        %swap3A_42 = arith.constant 0 : index
        %swap3A_43 = vector.load %arg5[%swap3A_41, %swap3A_42] : memref<10000x128xf32, #tpu.memory_space<vmem>>, vector<1x128xf32>
        tpu.vector_store %arg5[%swap3A_41, %swap3A_42], %add3A_40 {strides = array<i32>} : memref<10000x128xf32, #tpu.memory_space<vmem>>, vector<1x128xf32>,
        %get3A_44 = arith.index_cast %get3A_31 : i32 to index
        %get3A_45 = arith.constant 0 : index
        %get3A_46 = vector.load %arg6[%get3A_44, %get3A_45] : memref<10000x16xf32, #tpu.memory_space<vmem>>, vector<1x16xf32>
        %get3A_47 = arith.index_cast %scan3A_29 : i32 to index
        %get3A_48 = arith.constant 0 : index
        %get3A_49 = vector.load %arg3[%get3A_47, %get3A_48] : memref<256x16xf32, #tpu.memory_space<vmem>>, vector<1x16xf32>
        %add3A_50 = arith.addf %get3A_46, %get3A_49 : vector<1x16xf32>
        %swap3A_51 = arith.index_cast %get3A_31 : i32 to index
        %swap3A_52 = arith.constant 0 : index
        %swap3A_53 = vector.load %arg6[%swap3A_51, %swap3A_52] : memref<10000x16xf32, #tpu.memory_space<vmem>>, vector<1x16xf32>
        tpu.vector_store %arg6[%swap3A_51, %swap3A_52], %add3A_50 {strides = array<i32>} : memref<10000x16xf32, #tpu.memory_space<vmem>>, vector<1x16xf32>,
      } else {
      }
    }
    %scan3A_28 = arith.constant 256 : i32
    return
  }
}

module attributes {stable_mosaic.version = 14 : i64} {
  func.func @_out_body(%arg0: i32, %arg1: memref<1000x128xf32, #tpu.memory_space<vmem>>, %arg2: memref<1000x16xf32, #tpu.memory_space<vmem>>, %arg3: memref<128x128xf32, #tpu.memory_space<vmem>>, %arg4: memref<1x128xf32, #tpu.memory_space<vmem>>, %arg5: memref<1x128xf32, #tpu.memory_space<vmem>>, %arg6: memref<1x128xf32, #tpu.memory_space<vmem>>, %arg7: memref<1x128xf32, #tpu.memory_space<vmem>>, %arg8: memref<1x128xf32, #tpu.memory_space<vmem>>, %arg9: memref<1000x128xf32, #tpu.memory_space<vmem>>) attributes {dimension_semantics = [#tpu.dimension_semantics<arbitrary>], iteration_bounds = array<i64: 10>, scalar_prefetch = 0 : i64, scratch_operands = 0 : i64, tpu.core_type = #tpu.core_type<tc>, window_params = [{transform_indices = @transform_0, window_bounds = array<i64: 1000, 128>}, {transform_indices = @transform_1, window_bounds = array<i64: 1000, 16>}, {pipeline_mode = #tpu.pipeline_mode<synchronous>, transform_indices = @transform_2, window_bounds = array<i64: 128, 128>}, {pipeline_mode = #tpu.pipeline_mode<synchronous>, transform_indices = @transform_3, window_bounds = array<i64: 1, 128>}, {pipeline_mode = #tpu.pipeline_mode<synchronous>, transform_indices = @transform_4, window_bounds = array<i64: 1, 128>}, {pipeline_mode = #tpu.pipeline_mode<synchronous>, transform_indices = @transform_5, window_bounds = array<i64: 1, 128>}, {pipeline_mode = #tpu.pipeline_mode<synchronous>, transform_indices = @transform_6, window_bounds = array<i64: 1, 128>}, {pipeline_mode = #tpu.pipeline_mode<synchronous>, transform_indices = @transform_7, window_bounds = array<i64: 1, 128>}, {transform_indices = @transform_8, window_bounds = array<i64: 1000, 128>}]} {
    %get3A = arith.constant 0 : index
    %get3A_0 = arith.constant 0 : index
    %get3A_1 = vector.load %arg1[%get3A, %get3A_0] : memref<1000x128xf32, #tpu.memory_space<vmem>>, vector<1000x128xf32>
    %get3A_2 = arith.constant 0 : index
    %get3A_3 = arith.constant 0 : index
    %get3A_4 = vector.load %arg2[%get3A_2, %get3A_3] : memref<1000x16xf32, #tpu.memory_space<vmem>>, vector<1000x16xf32>
    %iota3A = tpu.iota {dimensions = array<i32: 0>} : vector<16x128xi32>
    %iota3A_5 = tpu.iota {dimensions = array<i32: 1>} : vector<16x128xi32>
    %jit3A = arith.constant 16 : i32
    %div3A = vector.broadcast %jit3A : i32 to vector<16x128xi32>
    %div3A_6 = arith.divsi %iota3A_5, %div3A : vector<16x128xi32>
    %sign3A = arith.constant 0 : i32
    %sign3A_7 = vector.broadcast %sign3A : i32 to vector<16x128xi32>
    %sign3A_8 = arith.cmpi sgt, %iota3A_5, %sign3A_7 : vector<16x128xi32>
    %sign3A_9 = arith.extui %sign3A_8 : vector<16x128xi1> to vector<16x128xi32>
    %sign3A_10 = arith.constant 0 : i32
    %sign3A_11 = vector.broadcast %sign3A_10 : i32 to vector<16x128xi32>
    %sign3A_12 = arith.cmpi slt, %iota3A_5, %sign3A_11 : vector<16x128xi32>
    %sign3A_13 = arith.extui %sign3A_12 : vector<16x128xi1> to vector<16x128xi32>
    %sign3A_14 = arith.subi %sign3A_9, %sign3A_13 : vector<16x128xi32>
    %sign3A_15 = arith.constant 0 : i32
    %sign3A_16 = arith.cmpi sgt, %jit3A, %sign3A_15 : i32
    %sign3A_17 = arith.extui %sign3A_16 : i1 to i32
    %sign3A_18 = arith.constant 0 : i32
    %sign3A_19 = arith.cmpi slt, %jit3A, %sign3A_18 : i32
    %sign3A_20 = arith.extui %sign3A_19 : i1 to i32
    %sign3A_21 = arith.subi %sign3A_17, %sign3A_20 : i32
    %ne3A = vector.broadcast %sign3A_21 : i32 to vector<16x128xi32>
    %ne3A_22 = arith.cmpi ne, %sign3A_14, %ne3A : vector<16x128xi32>
    %rem3A = vector.broadcast %jit3A : i32 to vector<16x128xi32>
    %rem3A_23 = arith.remsi %iota3A_5, %rem3A : vector<16x128xi32>
    %ne3A_24 = arith.constant 0 : i32
    %ne3A_25 = vector.broadcast %ne3A_24 : i32 to vector<16x128xi32>
    %ne3A_26 = arith.cmpi ne, %rem3A_23, %ne3A_25 : vector<16x128xi32>
    %and3A = arith.andi %ne3A_22, %ne3A_26 : vector<16x128xi1>
    %sub3A = arith.constant 1 : i32
    %sub3A_27 = vector.broadcast %sub3A : i32 to vector<16x128xi32>
    %sub3A_28 = arith.subi %div3A_6, %sub3A_27 : vector<16x128xi32>
    %select_n3A = arith.select %and3A, %sub3A_28, %div3A_6 : vector<16x128xi1>, vector<16x128xi32>
    %eq3A = arith.cmpi eq, %select_n3A, %iota3A : vector<16x128xi32>
    %convert_element_type3A = arith.extui %eq3A : vector<16x128xi1> to vector<16x128xi32>
    %convert_element_type3A_29 = arith.sitofp %convert_element_type3A : vector<16x128xi32> to vector<16x128xf32>
    %dot_general3A = arith.constant dense<0.000000e+00> : vector<1000x128xf32>
    %dot_general3A_30 = tpu.matmul %get3A_4, %convert_element_type3A_29, %dot_general3A {dimension_numbers = #tpu.dot_dimension_numbers<[1], [0], [0], [1], [0, 0, 1, 1], [], []>, transpose_lhs_hint = false} : vector<1000x16xf32>, vector<16x128xf32>, vector<1000x128xf32> -> vector<1000x128xf32>
    %add3A = arith.constant 1.000000e-16 : f32
    %add3A_31 = vector.broadcast %add3A : f32 to vector<1000x128xf32>
    %add3A_32 = arith.addf %dot_general3A_30, %add3A_31 : vector<1000x128xf32>
    %div3A_33 = arith.divf %get3A_1, %add3A_32 : vector<1000x128xf32>
    %reduce_sum3A = arith.constant dense<0.000000e+00> : vector<1000xf32>
    %reduce_sum3A_34 = vector.multi_reduction <add>, %div3A_33, %reduce_sum3A [1] : vector<1000x128xf32> to vector<1000xf32>
    %broadcast_in_dim3A = vector.shape_cast %reduce_sum3A_34 : vector<1000xf32> to vector<1000x1xf32>
    %div3A_35 = arith.constant 1.280000e+02 : f32
    %div3A_36 = vector.broadcast %div3A_35 : f32 to vector<1000x1xf32>
    %div3A_37 = arith.divf %broadcast_in_dim3A, %div3A_36 : vector<1000x1xf32>
    %sub3A_38 = vector.broadcast %div3A_37 : vector<1000x1xf32> to vector<1000x128xf32>
    %sub3A_39 = arith.subf %div3A_33, %sub3A_38 : vector<1000x128xf32>
    %mul3A = arith.mulf %sub3A_39, %sub3A_39 : vector<1000x128xf32>
    %reduce_sum3A_40 = arith.constant dense<0.000000e+00> : vector<1000xf32>
    %reduce_sum3A_41 = vector.multi_reduction <add>, %mul3A, %reduce_sum3A_40 [1] : vector<1000x128xf32> to vector<1000xf32>
    %broadcast_in_dim3A_42 = vector.shape_cast %reduce_sum3A_41 : vector<1000xf32> to vector<1000x1xf32>
    %div3A_43 = arith.constant 1.280000e+02 : f32
    %div3A_44 = vector.broadcast %div3A_43 : f32 to vector<1000x1xf32>
    %div3A_45 = arith.divf %broadcast_in_dim3A_42, %div3A_44 : vector<1000x1xf32>
    %add3A_46 = arith.constant 9.99999974E-6 : f32
    %add3A_47 = vector.broadcast %add3A_46 : f32 to vector<1000x1xf32>
    %add3A_48 = arith.addf %div3A_45, %add3A_47 : vector<1000x1xf32>
    %sqrt3A = math.sqrt %add3A_48 : vector<1000x1xf32>
    %div3A_49 = vector.broadcast %sqrt3A : vector<1000x1xf32> to vector<1000x128xf32>
    %div3A_50 = arith.divf %sub3A_39, %div3A_49 : vector<1000x128xf32>
    %get3A_51 = arith.constant 0 : index
    %get3A_52 = arith.constant 0 : index
    %get3A_53 = vector.load %arg5[%get3A_51, %get3A_52] : memref<1x128xf32, #tpu.memory_space<vmem>>, vector<1x128xf32>
    %mul3A_54 = vector.broadcast %get3A_53 : vector<1x128xf32> to vector<1000x128xf32>
    %mul3A_55 = arith.mulf %div3A_50, %mul3A_54 : vector<1000x128xf32>
    %get3A_56 = arith.constant 0 : index
    %get3A_57 = arith.constant 0 : index
    %get3A_58 = vector.load %arg6[%get3A_56, %get3A_57] : memref<1x128xf32, #tpu.memory_space<vmem>>, vector<1x128xf32>
    %add3A_59 = vector.broadcast %get3A_58 : vector<1x128xf32> to vector<1000x128xf32>
    %add3A_60 = arith.addf %mul3A_55, %add3A_59 : vector<1000x128xf32>
    %get3A_61 = arith.constant 0 : index
    %get3A_62 = arith.constant 0 : index
    %get3A_63 = vector.load %arg3[%get3A_61, %get3A_62] : memref<128x128xf32, #tpu.memory_space<vmem>>, vector<128x128xf32>
    %dot_general3A_64 = arith.constant dense<0.000000e+00> : vector<1000x128xf32>
    %dot_general3A_65 = tpu.matmul %add3A_60, %get3A_63, %dot_general3A_64 {dimension_numbers = #tpu.dot_dimension_numbers<[1], [0], [0], [1], [0, 0, 1, 1], [], []>, transpose_lhs_hint = false} : vector<1000x128xf32>, vector<128x128xf32>, vector<1000x128xf32> -> vector<1000x128xf32>
    %get3A_66 = arith.constant 0 : index
    %get3A_67 = arith.constant 0 : index
    %get3A_68 = vector.load %arg4[%get3A_66, %get3A_67] : memref<1x128xf32, #tpu.memory_space<vmem>>, vector<1x128xf32>
    %add3A_69 = vector.broadcast %get3A_68 : vector<1x128xf32> to vector<1000x128xf32>
    %add3A_70 = arith.addf %dot_general3A_65, %add3A_69 : vector<1000x128xf32>
    %reduce_sum3A_71 = arith.constant dense<0.000000e+00> : vector<1000xf32>
    %reduce_sum3A_72 = vector.multi_reduction <add>, %add3A_70, %reduce_sum3A_71 [1] : vector<1000x128xf32> to vector<1000xf32>
    %broadcast_in_dim3A_73 = vector.shape_cast %reduce_sum3A_72 : vector<1000xf32> to vector<1000x1xf32>
    %div3A_74 = arith.constant 1.280000e+02 : f32
    %div3A_75 = vector.broadcast %div3A_74 : f32 to vector<1000x1xf32>
    %div3A_76 = arith.divf %broadcast_in_dim3A_73, %div3A_75 : vector<1000x1xf32>
    %sub3A_77 = vector.broadcast %div3A_76 : vector<1000x1xf32> to vector<1000x128xf32>
    %sub3A_78 = arith.subf %add3A_70, %sub3A_77 : vector<1000x128xf32>
    %mul3A_79 = arith.mulf %sub3A_78, %sub3A_78 : vector<1000x128xf32>
    %reduce_sum3A_80 = arith.constant dense<0.000000e+00> : vector<1000xf32>
    %reduce_sum3A_81 = vector.multi_reduction <add>, %mul3A_79, %reduce_sum3A_80 [1] : vector<1000x128xf32> to vector<1000xf32>
    %broadcast_in_dim3A_82 = vector.shape_cast %reduce_sum3A_81 : vector<1000xf32> to vector<1000x1xf32>
    %div3A_83 = arith.constant 1.280000e+02 : f32
    %div3A_84 = vector.broadcast %div3A_83 : f32 to vector<1000x1xf32>
    %div3A_85 = arith.divf %broadcast_in_dim3A_82, %div3A_84 : vector<1000x1xf32>
    %add3A_86 = arith.constant 9.99999974E-6 : f32
    %add3A_87 = vector.broadcast %add3A_86 : f32 to vector<1000x1xf32>
    %add3A_88 = arith.addf %div3A_85, %add3A_87 : vector<1000x1xf32>
    %sqrt3A_89 = math.sqrt %add3A_88 : vector<1000x1xf32>
    %div3A_90 = vector.broadcast %sqrt3A_89 : vector<1000x1xf32> to vector<1000x128xf32>
    %div3A_91 = arith.divf %sub3A_78, %div3A_90 : vector<1000x128xf32>
    %get3A_92 = arith.constant 0 : index
    %get3A_93 = arith.constant 0 : index
    %get3A_94 = vector.load %arg7[%get3A_92, %get3A_93] : memref<1x128xf32, #tpu.memory_space<vmem>>, vector<1x128xf32>
    %mul3A_95 = vector.broadcast %get3A_94 : vector<1x128xf32> to vector<1000x128xf32>
    %mul3A_96 = arith.mulf %div3A_91, %mul3A_95 : vector<1000x128xf32>
    %get3A_97 = arith.constant 0 : index
    %get3A_98 = arith.constant 0 : index
    %get3A_99 = vector.load %arg8[%get3A_97, %get3A_98] : memref<1x128xf32, #tpu.memory_space<vmem>>, vector<1x128xf32>
    %add3A_100 = vector.broadcast %get3A_99 : vector<1x128xf32> to vector<1000x128xf32>
    %add3A_101 = arith.addf %mul3A_96, %add3A_100 : vector<1000x128xf32>
    %swap3A = arith.constant 0 : index
    %swap3A_102 = arith.constant 0 : index
    %swap3A_103 = vector.load %arg9[%swap3A, %swap3A_102] : memref<1000x128xf32, #tpu.memory_space<vmem>>, vector<1000x128xf32>
    tpu.vector_store %arg9[%swap3A, %swap3A_102], %add3A_101 {strides = array<i32>} : memref<1000x128xf32, #tpu.memory_space<vmem>>, vector<1000x128xf32>,
    return
  }
  func.func @transform_0(%arg0: i32) -> (i32, i32) {
    %c0_i32 = arith.constant 0 : i32
    %c0_i32_0 = arith.constant 0 : i32
    return %arg0, %c0_i32 : i32, i32
  }
  func.func @transform_1(%arg0: i32) -> (i32, i32) {
    %c0_i32 = arith.constant 0 : i32
    %c0_i32_0 = arith.constant 0 : i32
    return %arg0, %c0_i32 : i32, i32
  }
  func.func @transform_2(%arg0: i32) -> (i32, i32) {
    %c0_i32 = arith.constant 0 : i32
    %c0_i32_0 = arith.constant 0 : i32
    %c0_i32_1 = arith.constant 0 : i32
    return %c0_i32, %c0_i32_0 : i32, i32
  }
  func.func @transform_3(%arg0: i32) -> (i32, i32) {
    %c0_i32 = arith.constant 0 : i32
    %c0_i32_0 = arith.constant 0 : i32
    %c0_i32_1 = arith.constant 0 : i32
    return %c0_i32, %c0_i32_0 : i32, i32
  }
  func.func @transform_4(%arg0: i32) -> (i32, i32) {
    %c0_i32 = arith.constant 0 : i32
    %c0_i32_0 = arith.constant 0 : i32
    %c0_i32_1 = arith.constant 0 : i32
    return %c0_i32, %c0_i32_0 : i32, i32
  }
  func.func @transform_5(%arg0: i32) -> (i32, i32) {
    %c0_i32 = arith.constant 0 : i32
    %c0_i32_0 = arith.constant 0 : i32
    %c0_i32_1 = arith.constant 0 : i32
    return %c0_i32, %c0_i32_0 : i32, i32
  }
  func.func @transform_6(%arg0: i32) -> (i32, i32) {
    %c0_i32 = arith.constant 0 : i32
    %c0_i32_0 = arith.constant 0 : i32
    %c0_i32_1 = arith.constant 0 : i32
    return %c0_i32, %c0_i32_0 : i32, i32
  }
  func.func @transform_7(%arg0: i32) -> (i32, i32) {
    %c0_i32 = arith.constant 0 : i32
    %c0_i32_0 = arith.constant 0 : i32
    %c0_i32_1 = arith.constant 0 : i32
    return %c0_i32, %c0_i32_0 : i32, i32
  }
  func.func @transform_8(%arg0: i32) -> (i32, i32) {
    %c0_i32 = arith.constant 0 : i32
    %c0_i32_0 = arith.constant 0 : i32
    return %arg0, %c0_i32 : i32, i32
  }
}

</mosaic_0001>

<sc_bundles>
// kernel: gather_offload_async_start.1
scs
__scs_entry_jumppad:
0x0: {  	(pc) =	sbr.rel $0x88, $3  }
0x1: {  	(tag) =	ssettag $0x0;
	lr =	simm.s32 $0x1  }
0x2: {  	[smem:$0x3F93] =	sst lr;
	_ =	strace $0xD0000000  }
0x3: {  	_ = 	snop  }
0x4: {  	_ = 	snop  }
0x5: {  	_ = 	snop  }
0x6: {  	_ = 	snop  }
0x7: {  	_ = 	snop  }
__scs_overlays_trampoline_lowered:
0x8: {  	[smem:$0x3FA2] =	sst s0  }
0x9: {  	[smem:$0x3FA3] =	sst s1  }
0xa: {  	[smem:$0x3FA4] =	sst s2  }
0xb: {  	[smem:$0x3FA5] =	sst s3  }
0xc: {  	[smem:$0x3FA6] =	sst s4  }
0xd: {  	[smem:$0x3FA7] =	sst s5  }
0xe: {  	[smem:$0x3FA8] =	sst s6  }
0xf: {  	[smem:$0x3FA9] =	sst s7  }
0x10: {  	[smem:$0x3FAA] =	sst s8  }
0x11: {  	[smem:$0x3FAB] =	sst s9;
	s0 =	simm.s32 @!p0 $0x0  }
0x12: {  	s1 =	sld [smem:$0x3F91];
	s0 =	simm.s32 @p0 $0x1  }
0x13: {  	[smem:$0x3FAC] =	sst s0;
	s0 =	simm.s32 @!p1 $0x0  }
0x14: {  	s2 =	sld [smem:$0x3F90];
	s0 =	simm.s32 @p1 $0x1  }
0x15: {  	[smem:$0x3FAD] =	sst s0;
	s0 =	simm.s32 @!p2 $0x0  }
0x16: {  	s3 =	sld [smem:$0x3FDB];
	s0 =	simm.s32 @p2 $0x1  }
0x17: {  	s4 =	simm.s32 $0x1BF5;
	[smem:$0x3FAF] =	sst s0  }
0x18: {  	s0 =	sld [smem:$0x3F92];
	_ =	swait.ge [sflag:s4], $0x0  }
0x19: {  	s7 =	sld [smem:$0x3F93]  }
0x1a: {  	s8 =	sadd.s32 $0xFFFFE003, lr  }
0x1b: {  	s9 =	sadd.s32 $0xFFFFFEF7, lr;
	s5 =	simm.s32 $0xFFFFFFFF;
	p2 =	slt.u32 s8, $0xFFFFF086  }
0x1c: {  	p1 =	slt.u32 s9, $0xF7A;
	s5 =	simm.s32 @!p2 $0x0  }
0x1d: {  	s5 =	simm.s32 @p1 $0x1;
	p0 =	seq.s32 s7, s2  }
0x1e: {  	s7 =	smul.u32 @!p0 $0xF7A, s2;
	p2 =	seq.s32 @!p0 s5, $0x0  }
0x1f: {  	s9 =	smul.u32 $0xF7A, s1;
	s8 =	simm.s32 @!p0 $0x1BF5;
	p2 =	por !p2, p0  }
0x20: {  	[sflag:s8] =	ssyncset.s32 @!p0 $0xFFFFF086;
	s6 =	sadd.s32 @!p0 s3, s7;
	s7 =	simm.s32 @!p0 $0x108  }
0x21: {  	s3 =	sadd.s32 s3, s9;
	s6 =	sadd.s32 @!p0 $0x88, s6;
	s7 =	simm.s32 @p2 $0x1082  }
0x22: {  	[simem:s7], [sflag:s8] =	dma.local @!p0 [hbm:s6], $0xF7A  }
0x23: {  	s9 =	sor.u32 $0xD0000000, s2;
	s6 =	simm.s32 $0x108;
	_ =	swait.ge @!p0 [sflag:s8], $0x0  }
0x24: {  	s3 =	sadd.s32 $0x88, s3;
	s6 =	simm.s32 @!p1 $0x1082;
	[sflag:s4] =	ssyncset.s32 $0xFFFFF086  }
0x25: {  	[simem:s6], [sflag:s4] =	dma.local [hbm:s3], $0xF7A  }
0x26: {  	[smem:$0x3F93] =	sst s1;
	(tag) =	ssettag s2;
	_ =	strace s9  }
0x27: {  	s1 =	sld [smem:$0x3FA3]  }
0x28: {  	s2 =	sld [smem:$0x3FA4]  }
0x29: {  	s4 =	sld [smem:$0x3FA6]  }
0x2a: {  	p0 =	seq.s32 s5, $0x0;
	s5 =	sld [smem:$0x3FA7]  }
0x2b: {  	s6 =	sld [smem:$0x3FA8]  }
0x2c: {  	s7 =	sld [smem:$0x3FA9]  }
0x2d: {  	s3 =	simm.s32 $0x108;
	s8 =	sld [smem:$0x3FAA]  }
0x2e: {  	s3 =	simm.s32 @!p0 $0x1082;
	s9 =	sld [smem:$0x3FAB]  }
0x2f: {  	lr =	sadd.s32 s0, s3;
	s0 =	sld [smem:$0x3FA2]  }
0x30: {  	s3 =	sld [smem:$0x3FA5]  }
0x31: {  	[smem:$0x3FAE] =	sst s10  }
0x32: {  	s10 =	sld [smem:$0x3FAC];
	_ =	sdelay $0x3  }
0x33: {  	p0 =	seq.s32 s10, $0x1;
	s10 =	sld [smem:$0x3FAE];
	_ =	sdelay $0x3  }
0x34: {  	[smem:$0x3FAE] =	sst s10  }
0x35: {  	s10 =	sld [smem:$0x3FAD];
	_ =	sdelay $0x3  }
0x36: {  	p1 =	seq.s32 s10, $0x1;
	s10 =	sld [smem:$0x3FAE];
	_ =	sdelay $0x3  }
0x37: {  	[smem:$0x3FAE] =	sst s10  }
0x38: {  	s10 =	sld [smem:$0x3FAF]  }
0x39: {  	_ = 	snop;
	(pc) =	sbr.ind lr, $3  }
0x3a: {  	_ = 	snop  }
0x3b: {  	_ = 	snop  }
0x3c: {  	p2 =	seq.s32 s10, $0x1;
	s10 =	sld [smem:$0x3FAE]  }
0x3d: {  	_ =	shalt  }
0x3e: {  	_ =	shalt  }
0x3f: {  	_ =	shalt  }
0x40: {  	_ =	shalt  }
0x41: {  	_ =	shalt  }
0x42: {  	_ =	shalt  }
0x43: {  	_ =	shalt  }
0x44: {  	_ =	shalt  }
0x45: {  	_ =	shalt  }
0x46: {  	_ =	shalt  }
0x47: {  	_ =	shalt  }
0x48: {  	_ =	shalt  }
0x49: {  	_ =	shalt  }
0x4a: {  	_ =	shalt  }
0x4b: {  	_ =	shalt  }
0x4c: {  	_ =	shalt  }
0x4d: {  	_ =	shalt  }
0x4e: {  	_ =	shalt  }
0x4f: {  	_ =	shalt  }
0x50: {  	_ =	shalt  }
0x51: {  	_ =	shalt  }
0x52: {  	_ =	shalt  }
0x53: {  	_ =	shalt  }
0x54: {  	_ =	shalt  }
0x55: {  	_ =	shalt  }
0x56: {  	_ =	shalt  }
0x57: {  	_ =	shalt  }
0x58: {  	_ =	shalt  }
0x59: {  	_ =	shalt  }
0x5a: {  	_ =	shalt  }
0x5b: {  	_ =	shalt  }
0x5c: {  	_ =	shalt  }
0x5d: {  	_ =	shalt  }
0x5e: {  	_ =	shalt  }
0x5f: {  	_ =	shalt  }
0x60: {  	_ =	shalt  }
0x61: {  	_ =	shalt  }
0x62: {  	_ =	shalt  }
0x63: {  	_ =	shalt  }
0x64: {  	_ =	shalt  }
0x65: {  	_ =	shalt  }
0x66: {  	_ =	shalt  }
0x67: {  	_ =	shalt  }
0x68: {  	_ =	shalt  }
0x69: {  	_ =	shalt  }
0x6a: {  	_ =	shalt  }
0x6b: {  	_ =	shalt  }
0x6c: {  	_ =	shalt  }
0x6d: {  	_ =	shalt  }
0x6e: {  	_ =	shalt  }
0x6f: {  	_ =	shalt  }
0x70: {  	_ =	shalt  }
0x71: {  	_ =	shalt  }
0x72: {  	_ =	shalt  }
0x73: {  	_ =	shalt  }
0x74: {  	_ =	shalt  }
0x75: {  	_ =	shalt  }
0x76: {  	_ =	shalt  }
0x77: {  	_ =	shalt  }
0x78: {  	_ =	shalt  }
0x79: {  	_ =	shalt  }
0x7a: {  	_ =	shalt  }
0x7b: {  	_ =	shalt  }
0x7c: {  	_ =	shalt  }
0x7d: {  	_ =	shalt  }
0x7e: {  	_ =	shalt  }
0x7f: {  	_ =	shalt  }
0x80: {  	_ =	shalt  }
0x81: {  	_ =	shalt  }
0x82: {  	_ =	shalt  }
0x83: {  	_ =	shalt  }
0x84: {  	_ =	shalt  }
0x85: {  	_ =	shalt  }
0x86: {  	_ =	shalt  }
0x87: {  	_ =	shalt  }
.Lfunc_end0:
.L_simem_size_0:
called_computation.1_lowered:
.L_overlay_start_0:
0x88: {  	s2 =	sld [smem:$0x3FD9]  }
0x89: {  	s3 =	sld [smem:$0x3FFE];
	_ =	sdelay $0x1  }
0x8a: {  	s1 =	srdreg.scid  }
0x8b: {  	s0 =	sand.u32 $0x1, s1  }
0x8c: {  	s17 =	sshll.u32 s0, $0xA;
	s2 =	sadd.s32 s3, s2  }
0x8d: {  	s2 =	sadd.s32 s2, s17  }
0x8e: {  	[smem:$0x3FBA] =	sst s2  }
0x8f: {  	_ = 	snop  }
0x90: {  	(tm) =	ssettm $0x1  }
0x91: {  	s18 =	sld [smem:$0x3FFB];
	_ =	sdelay $0x3  }
0x92: {  	_ =	strace s18  }
0x93: {  	s2 =	sld [smem:$0x3FFC];
	_ =	sdelay $0x3  }
0x94: {  	_ =	strace s2  }
0x95: {  	s2 =	sld [smem:$0x3FFD];
	_ =	sdelay $0x3  }
0x96: {  	_ =	strace s2  }
0x97: {  	_ =	strace $0x8FFFFFFF  }
0x98: {  	s19 =	sld [smem:$0x3FDB];
	_ =	sdelay $0x1  }
0x99: {  	s20 =	simm.s32 $_scs_section_size  }
0x9a: {  	s4 =	simm.s32 $_size__tile_overlayer_lowered;
	s5 =	simm.s32 $_tile_overlayer_lowered  }
0x9b: {  	s6 =	simm.s32 $0x1BFF;
	s21 =	sshll.u32 s5, $0x1;
	s3 =	sadd.s32 s20, s19  }
0x9c: {  	s22 =	simm.s32 $0x0;
	s4 =	sshll.u32 s4, $0x1;
	s5 =	sadd.s32 s21, s3  }
0x9d: {  	[timem:s22], [sflag:s6] =	dma.local [hbm:s5], s4  }
0x9e: {  	_ =	swait.ge [sflag:s6], s4  }
0x9f: {  	s4 =	ssub.s32 $0x0, s4;
	[sflag:s6] =	ssyncset.done $0x0  }
0xa0: {  	[sflag:s6] =	ssyncadd.s32 s4;
	_ =	sdelay $0x1  }
0xa1: {  	s23 =	simm.s32 $0x1B8B  }
0xa2: {  	_ =	swait.ge [sflag:s23], $0x1  }
0xa3: {  	[sflag:s23] =	ssyncset.done $0x0  }
0xa4: {  	[sflag:s23] =	ssyncadd.s32 $0xFFFFFFFF  }
0xa5: {  	s4 =	sld [smem:$0x0]  }
0xa6: {  	s5 =	sand.u32 $0xFFFFFFFE, s1  }
0xa7: {  	p0 =	sne.s32 s1, s5  }
0xa8: {  	s5 =	sshll.u32 @p0 s5, $0xE  }
0xa9: {  	s5 =	sadd.s32 @p0 $0x11B8D, s5;
	s6 =	sshll.u32 @p0 s4, $0x11  }
0xaa: {  	s5 =	sor.u32 @p0 s6, s5  }
0xab: {  	[sflag:s5] =	ssyncadd.remote.s32 @p0 $0x1;
	_ =	sdelay $0x1  }
0xac: {  	s5 =	simm.s32 @p0 $0x1B8D  }
0xad: {  	_ =	swait.eq @p0 [sflag:s5], $0x1  }
0xae: {  	[sflag:s5] =	ssyncadd.s32 @p0 $0xFFFFFFFF  }
0xaf: {  	s6 =	sshll.u32 @!p0 s1, $0xE  }
0xb0: {  	s6 =	sor.u32 @!p0 $0x4000, s6;
	s5 =	simm.s32 @!p0 $0x1B8D  }
0xb1: {  	s4 =	sshll.u32 @!p0 s4, $0x11;
	s6 =	sadd.s32 @!p0 $0x11B8D, s6;
	_ =	swait.eq @!p0 [sflag:s5], $0x1  }
0xb2: {  	s4 =	sor.u32 @!p0 s4, s6;
	[sflag:s5] =	ssyncadd.s32 @!p0 $0xFFFFFFFF  }
0xb3: {  	s25 =	simm.s32 $0x1B8E;
	s24 =	sld [smem:$0x3FFE];
	[sflag:s4] =	ssyncadd.remote.s32 @!p0 $0x1  }
0xb4: {  	s26 =	simm.s32 $execute0_lowered;
	[smem:$0x3FD2] =	sst s25  }
0xb5: {  	s5 =	sshll.u32 s26, $0x1;
	_ =	strace $0x80000049;
	[dreg:$0x1] =	wrdreg $0xFFFFFFFF  }
0xb6: {  	s28 =	simm.s32 $_size_execute0_lowered;
	s3 =	sadd.s32 s3, s5;
	[dreg:$0x0] =	wrdreg $0x0  }
0xb7: {  	s5 =	sshll.u32 s28, $0x1;
	[dreg:$0x2] =	wrdreg s3  }
0xb8: {  	[dreg:$0x3] =	wrdreg s5  }
0xb9: {  	[dreg:$0x4] =	wrdreg $0xC0  }
0xba: {  	_ =	task [dreg:s22], $0x5FFFF  }
0xbb: {  	[dreg:$0x1] =	wrdreg $0xFFFFFFFF  }
0xbc: {  	[dreg:$0x0] =	wrdreg $0x60  }
0xbd: {  	[dreg:$0x2] =	wrdreg s24  }
0xbe: {  	[dreg:$0x3] =	wrdreg $0xA  }
0xbf: {  	_ =	task.clear_ibuf [dreg:s22], $0x4FFFF;
	_ =	strace $0x90000049  }
0xc0: {  	s29 =	simm.s32 $0xA;
	_ =	strace $0x8000004B  }
0xc1: {  	_ =	swait.ge [sflag:s29], $0x1  }
0xc2: {  	[sflag:s29] =	ssyncadd.s32 $0xFFFFFFFF  }
0xc3: {  	_ =	strace $0x9000004B  }
0xc4: {  	_ =	sfence  }
0xc5: {  	s30 =	sld [smem:$0x0];
	_ =	sdelay $0x2  }
0xc6: {  	s31 =	sshll.u32 s1, $0xD;
	s1 =	sshrl.u32 s1, $0x2  }
0xc7: {  	s4 =	sand.u32 $0x4000, s31;
	s1 =	sadd.s32 s1, s30  }
0xc8: {  	s0 =	sor.u32 s4, s0;
	s1 =	sshll.u32 s1, $0x11  }
0xc9: {  	s0 =	sor.u32 s1, s0  }
0xca: {  	s0 =	sadd.s32 $0x8F2B, s0  }
0xcb: {  	[sflag:s0] =	ssyncadd.remote.s32 $0x1  }
0xcc: {  	_ =	sfence.sel $0xFFFF  }
0xcd: {  	[dreg:$0x0] =	wrdreg $0xFFFFFFFF;
	(pc) =	sbr.abs _section_cstart, $3  }
0xce: {  	[dreg:$0x1] =	wrdreg $0xFFFFFFFF  }
0xcf: {  	_ =	task.clear_ibuf [dreg:s22], $0x2FFFF;
	_ =	strace $0x9FFFFFFF  }
0xd0: {  	(tm) =	ssettm $0x7FFFFFFF  }
0xd1: {  	_ =	shalt  }
tec
execute0_lowered:
.L_overlay_start_1:
0x0: {  	(tag) =	ssettag $0x1  }
0x1: {  	s8 =	rddreg [dreg:$0x0]  }
0x2: {  	s0 =	rddreg [dreg:$0x1];
	_ =	strace $0x8000004A;
	s1 =	stileid.u32  }
0x3: {  	s3 =	srdreg.scid;
	s4 =	simm.s32 $0x1;
	s7 =	simm.s32 $0x1  }
0x4: {  	s9 =	simm.s32 $0x1;
	s10 =	simm.s32 $0x3;
	s13 =	simm.s32 $0x0  }
0x5: {  	s12 =	simm.s32 $0x0;
	s5 =	sand.u32 $0x1, s3;
	s6 =	sshll.u32 s1, $0x1  }
0x6: {  	s2 =	sadd.s32 $0x4200, s8;
	s3 =	sadd.s32 $0x17E00, s8;
	s5 =	sor.u32 s6, s5  }
.Ltmp0:
0x7: {  	[sflag:s4] =	ssyncpa.u1 $0x0;
	p0 =	slt.u32 s5, $0x9;
	(pc) =	sbr.rel .LBB2_1-.Ltmp0, $4  }
0x8: {  	s6 =	simm.s32 $0x2;
	s7 =	simm.s32 @!p0 $0x0;
	p0 =	sne.s32 s5, $0x8  }
0x9: {  	[sflag:s6] =	ssyncpa.u1 $0x0;
	s5 =	smul.u32 $0x1F40, s5;
	s9 =	simm.s32 @!p0 $0x0  }
0xa: {  	s8 =	sadd.s32 $0x79E00, s8;
	[sflag:s10] =	ssyncpa.u1 $0x0;
	s7 =	sadd.s32 s9, s7  }
0xb: {  	vm0 =	vmmov $0xffff;
	s10 =	simm.s32 $0x0;
	s11 =	smov.u32 s5;
	s9 =	sadd.s32 $0x1, s7  }
.LBB2_4:
0xc: {  	v2 =	vnsel vm1, $0x0, v2  }
0xd: {  	vm1 =	vgt.s32 v0, $0x0;
	v2 =	vmin.u32 v2, $0x4E1FF  }
0xe: {  	v0 =	vnsel vm1, $0x0, v0  }
0xf: {  	v0 =	vmin.u32 v0, $0x4E1FF  }
0x10: {  	[tilespmem:s18], [sflag:$0x1] =	stream.indirect_vreg.gather [hbm4b:s2+s10], $0x1, v1, vm0, $0x4038;
	[tilespmem:$0x7D00] =	vst v63  }
0x11: {  	(ifvalue) =	ssetifvalue $0x7FFFFFFF  }
0x12: {  	[tilespmem:s15], [sflag:$0x1] =	stream.indirect_vreg.gather [hbm4b:s2+s10], $0x1, v2, vm0, $0x4038;
	[tilespmem:$0x7D00] =	vst v63  }
0x13: {  	s29 =	sadd.s32 $0x10, s15;
	(ifvalue) =	ssetifvalue $0x7FFFFFFF  }
0x14: {  	[tilespmem:s29], [sflag:$0x1] =	stream.indirect_vreg.gather [hbm4b:s2+s10], $0x1, v0, vm0, $0x4038;
	[tilespmem:$0x7D00] =	vst v63  }
0x15: {  	_ =	swait.ge [sflag:s4], $0x1F40  }
0x16: {  	s30 =	sshrl.u32 s13, $0x3;
	[sflag:s4] =	ssyncset.done $0x0  }
0x17: {  	s31 =	sand.u32 $0x7, s13;
	s15 =	sadd.s32 s8, s30;
	[sflag:s4] =	ssyncadd.s32 $0xFFFFE0C0  }
0x18: {  	[hbm4b:s15+s31] =	stream.linear.scatter [tilespmem:s14], [sflag:$0x3], $0x1F40, $0x38;
	[tilespmem:$0x7D00] =	vst v63  }
.LBB2_5:
0x19: {  	s15 =	sadd.s32 $0x3E800, s11  }
0x1a: {  	p1 =	sgt.s32 s15, $0x4E1FF  }
0x1b: {  	s15 =	smov.u32 @p1 s5;
	p1 =	sne.s32 s12, s9  }
.Ltmp1:
0x1c: {  	p0 =	slt.u32 s12, $0x2;
	(pc) =	sbr.rel @!p1 .LBB2_6-.Ltmp1, $4  }
0x1d: {  	s14 =	simm.s32 @!p0 $0x3  }
0x1e: {  	_ =	swait.ge @!p0 [sflag:s14], $0x1F40  }
0x1f: {  	s16 =	sadd.s32 $0x1, s12;
	s13 =	smov.u32 s11;
	[sflag:s14] =	ssyncset.done @!p0 $0x0  }
0x20: {  	s12 =	smov.u32 s16;
	s11 =	smov.u32 s15;
	[sflag:s14] =	ssyncadd.s32 @!p0 $0xFFFFE0C0  }
.LBB2_1:
0x21: {  	p0 =	sge.u32 s12, s7  }
0x22: {  	s14 =	sxor.u32 @!p0 $0x1, s12  }
0x23: {  	s14 =	smul.u32 @!p0 $0x7D00, s14  }
0x24: {  	s31 =	sadd.s32 $0xFFFFFFFF, s12;
	s15 =	sshrl.u32 @!p0 s11, $0x3  }
0x25: {  	s16 =	sand.u32 @!p0 $0x7, s11;
	s15 =	sadd.s32 @!p0 s3, s15;
	s14 =	sshra.s32 @!p0 s14, $0x2  }
0x26: {  	[tilespmem:s14], [sflag:$0x2] =	stream.linear.gather @!p0 [hbm4b:s15+s16], $0x1F40, $0x38;
	[tilespmem:$0x7D00] =	vst v63  }
0x27: {  	p0 =	sge.u32 s31, s7  }
.Ltmp2:
0x28: {  	_ = 	snop;
	(pc) =	sbr.rel @p0 .LBB2_5-.Ltmp2, $1  }
0x29: {  	_ =	sdelay $0x3  }
0x2a: {  	s14 =	sand.u32 $0x1, s12  }
0x2b: {  	_ =	swait.ge [sflag:s6], $0x1F40;
	p0 =	seq.s32 s14, $0x1;
	s14 =	simm.s32 $0x1F40  }
0x2c: {  	[sflag:s6] =	ssyncset.done $0x0;
	s14 =	simm.s32 @!p0 $0x0  }
0x2d: {  	[sflag:s6] =	ssyncadd.s32 $0xFFFFE0C0;
	(ifvalue) =	ssetifvalue $0x7FFFFFFF;
	v0 =	vld.msk [tilespmem:s14+$0x0 ss:$0x1], $0xffff;
	_ =	sdelay $0x4  }
0x2e: {  	s15 =	sadd.s32 $0x10, s14;
	vm1 =	vgt.s32 v0, $0x0  }
0x2f: {  	v2 =	vld.msk [tilespmem:s15+$0x0 ss:$0x1], $0xffff;
	v1 =	vnsel vm1, $0x0, v0  }
0x30: {  	v1 =	vmin.u32 v1, $0x4E1FF;
	_ =	sdelay $0x2  }
0x31: {  	s17 =	simm.s32 $0x20;
	s14 =	sadd.s32 $0x3E80, s14;
	s16 =	sadd.s32 $0x10, s15  }
0x32: {  	s15 =	sadd.s32 $0x10, s14;
	s18 =	smov.u32 s14;
	v0 =	vld.msk [tilespmem:s16+$0x0 ss:$0x1], $0xffff;
	vm1 =	vgt.s32 v2, $0x0;
	(ifvalue) =	ssetifvalue $0x7FFFFFFF  }
.LBB2_3:
0x33: {  	[tilespmem:s18], [sflag:$0x1] =	stream.indirect_vreg.gather [hbm4b:s2+s10], $0x1, v1, vm0, $0x4038;
	[tilespmem:$0x7D00] =	vst v63  }
0x34: {  	s17 =	sadd.s32 $0x10, s17  }
0x35: {  	v2 =	vnsel vm1, $0x0, v2;
	p0 =	slt.u32 s17, $0x1F30  }
.Ltmp3:
0x36: {  	s18 =	smov.u32 s15;
	v1 =	vmin.u32 v2, $0x4E1FF;
	(pc) =	sbr.rel @p0 .LBB2_3-.Ltmp3, $3  }
0x37: {  	_ =	sdelay $0x1  }
0x38: {  	s16 =	sadd.s32 $0x10, s16  }
0x39: {  	vm1 =	vgt.s32 v0, $0x0;
	s15 =	sadd.s32 $0x10, s15;
	v2 =	vmov v0;
	(ifvalue) =	ssetifvalue $0x7FFFFFFF;
	v0 =	vld.msk [tilespmem:s16+$0x0 ss:$0x1], $0xffff  }
.Ltmp4:
0x3a: {  	_ = 	snop;
	(pc) =	sbr.rel .LBB2_4-.Ltmp4, $1  }
0x3b: {  	_ =	sdelay $0x3  }
.LBB2_6:
0x3c: {  	_ =	sfence.sel $0x180000  }
0x3d: {  	s2 =	simm.s32 $0x2;
	[bflag:$0x0] =	sbarrier.arrive $0xFFFF  }
0x3e: {  	s30 =	simm.s32 $0x3;
	[sflag:s2] =	ssyncpa.u1 $0x1  }
0x3f: {  	s31 =	simm.s32 $0x1;
	[sflag:s30] =	ssyncpa.u1 $0x1  }
0x40: {  	[sflag:s31] =	ssyncpa.u1 $0x1  }
0x41: {  	p0 =	sne.s32 s1, $0x0;
	_ =	strace $0x9000004A  }
0x42: {  	s0 =	sadd.s32 @!p0 $0x100000, s0;
	[bflag:$0x2] =	sbarrier.arrive $0xFFFF  }
0x43: {  	[sflag:s0] =	ssyncadd.tile.s32 @!p0 $0x1;
	_ =	shalt  }
.Lfunc_end2:
_tile_overlayer_lowered:
.L_overlay_start_2:
0x44: {  	(tag) =	ssettag $0x2  }
0x45: {  	s0 =	rddreg [dreg:$0x0];
	s2 =	stileid.u32  }
0x46: {  	s1 =	rddreg [dreg:$0x1];
	p0 =	sne.s32 s2, $0x0  }
0x47: {  	s3 =	rddreg [dreg:$0x2];
	[bflag:$0x3] =	sbarrier.arrive $0xFFFF;
	s2 =	simm.s32 @!p0 $0x1C01  }
0x48: {  	[timem:s3], [sflag:s2] =	dma.local @!p0 [hbm:s0], s1  }
0x49: {  	s0 =	simm.s32 @!p0 $0x1  }
0x4a: {  	_ =	swait.ge @!p0 [sflag:s0], s1  }
0x4b: {  	s1 =	ssub.s32 @!p0 $0x0, s1;
	[sflag:s0] =	ssyncset.done @!p0 $0x0  }
0x4c: {  	[sflag:s0] =	ssyncadd.s32 @!p0 s1  }
0x4d: {  	[bflag:$0x3] =	sbarrier.arrive $0xFFFF  }
0x4e: {  	_ =	shalt  }

// kernel: gather_offload_async_start
scs
__scs_entry_jumppad:
0x0: {  	(pc) =	sbr.rel $0x88, $3  }
0x1: {  	(tag) =	ssettag $0x0;
	lr =	simm.s32 $0x1  }
0x2: {  	[smem:$0x3F93] =	sst lr;
	_ =	strace $0xD0000000  }
0x3: {  	_ = 	snop  }
0x4: {  	_ = 	snop  }
0x5: {  	_ = 	snop  }
0x6: {  	_ = 	snop  }
0x7: {  	_ = 	snop  }
__scs_overlays_trampoline_lowered:
0x8: {  	[smem:$0x3FA2] =	sst s0  }
0x9: {  	[smem:$0x3FA3] =	sst s1  }
0xa: {  	[smem:$0x3FA4] =	sst s2  }
0xb: {  	[smem:$0x3FA5] =	sst s3  }
0xc: {  	[smem:$0x3FA6] =	sst s4  }
0xd: {  	[smem:$0x3FA7] =	sst s5  }
0xe: {  	[smem:$0x3FA8] =	sst s6  }
0xf: {  	[smem:$0x3FA9] =	sst s7  }
0x10: {  	[smem:$0x3FAA] =	sst s8  }
0x11: {  	[smem:$0x3FAB] =	sst s9;
	s0 =	simm.s32 @!p0 $0x0  }
0x12: {  	s1 =	sld [smem:$0x3F91];
	s0 =	simm.s32 @p0 $0x1  }
0x13: {  	[smem:$0x3FAC] =	sst s0;
	s0 =	simm.s32 @!p1 $0x0  }
0x14: {  	s2 =	sld [smem:$0x3F90];
	s0 =	simm.s32 @p1 $0x1  }
0x15: {  	[smem:$0x3FAD] =	sst s0;
	s0 =	simm.s32 @!p2 $0x0  }
0x16: {  	s3 =	sld [smem:$0x3FDB];
	s0 =	simm.s32 @p2 $0x1  }
0x17: {  	s4 =	simm.s32 $0x1BF5;
	[smem:$0x3FAF] =	sst s0  }
0x18: {  	s0 =	sld [smem:$0x3F92];
	_ =	swait.ge [sflag:s4], $0x0  }
0x19: {  	s7 =	sld [smem:$0x3F93]  }
0x1a: {  	s8 =	sadd.s32 $0xFFFFE003, lr  }
0x1b: {  	s9 =	sadd.s32 $0xFFFFFEF7, lr;
	s5 =	simm.s32 $0xFFFFFFFF;
	p2 =	slt.u32 s8, $0xFFFFF086  }
0x1c: {  	p1 =	slt.u32 s9, $0xF7A;
	s5 =	simm.s32 @!p2 $0x0  }
0x1d: {  	s5 =	simm.s32 @p1 $0x1;
	p0 =	seq.s32 s7, s2  }
0x1e: {  	s7 =	smul.u32 @!p0 $0xF7A, s2;
	p2 =	seq.s32 @!p0 s5, $0x0  }
0x1f: {  	s9 =	smul.u32 $0xF7A, s1;
	s8 =	simm.s32 @!p0 $0x1BF5;
	p2 =	por !p2, p0  }
0x20: {  	[sflag:s8] =	ssyncset.s32 @!p0 $0xFFFFF086;
	s6 =	sadd.s32 @!p0 s3, s7;
	s7 =	simm.s32 @!p0 $0x108  }
0x21: {  	s3 =	sadd.s32 s3, s9;
	s6 =	sadd.s32 @!p0 $0x88, s6;
	s7 =	simm.s32 @p2 $0x1082  }
0x22: {  	[simem:s7], [sflag:s8] =	dma.local @!p0 [hbm:s6], $0xF7A  }
0x23: {  	s9 =	sor.u32 $0xD0000000, s2;
	s6 =	simm.s32 $0x108;
	_ =	swait.ge @!p0 [sflag:s8], $0x0  }
0x24: {  	s3 =	sadd.s32 $0x88, s3;
	s6 =	simm.s32 @!p1 $0x1082;
	[sflag:s4] =	ssyncset.s32 $0xFFFFF086  }
0x25: {  	[simem:s6], [sflag:s4] =	dma.local [hbm:s3], $0xF7A  }
0x26: {  	[smem:$0x3F93] =	sst s1;
	(tag) =	ssettag s2;
	_ =	strace s9  }
0x27: {  	s1 =	sld [smem:$0x3FA3]  }
0x28: {  	s2 =	sld [smem:$0x3FA4]  }
0x29: {  	s4 =	sld [smem:$0x3FA6]  }
0x2a: {  	p0 =	seq.s32 s5, $0x0;
	s5 =	sld [smem:$0x3FA7]  }
0x2b: {  	s6 =	sld [smem:$0x3FA8]  }
0x2c: {  	s7 =	sld [smem:$0x3FA9]  }
0x2d: {  	s3 =	simm.s32 $0x108;
	s8 =	sld [smem:$0x3FAA]  }
0x2e: {  	s3 =	simm.s32 @!p0 $0x1082;
	s9 =	sld [smem:$0x3FAB]  }
0x2f: {  	lr =	sadd.s32 s0, s3;
	s0 =	sld [smem:$0x3FA2]  }
0x30: {  	s3 =	sld [smem:$0x3FA5]  }
0x31: {  	[smem:$0x3FAE] =	sst s10  }
0x32: {  	s10 =	sld [smem:$0x3FAC];
	_ =	sdelay $0x3  }
0x33: {  	p0 =	seq.s32 s10, $0x1;
	s10 =	sld [smem:$0x3FAE];
	_ =	sdelay $0x3  }
0x34: {  	[smem:$0x3FAE] =	sst s10  }
0x35: {  	s10 =	sld [smem:$0x3FAD];
	_ =	sdelay $0x3  }
0x36: {  	p1 =	seq.s32 s10, $0x1;
	s10 =	sld [smem:$0x3FAE];
	_ =	sdelay $0x3  }
0x37: {  	[smem:$0x3FAE] =	sst s10  }
0x38: {  	s10 =	sld [smem:$0x3FAF]  }
0x39: {  	_ = 	snop;
	(pc) =	sbr.ind lr, $3  }
0x3a: {  	_ = 	snop  }
0x3b: {  	_ = 	snop  }
0x3c: {  	p2 =	seq.s32 s10, $0x1;
	s10 =	sld [smem:$0x3FAE]  }
0x3d: {  	_ =	shalt  }
0x3e: {  	_ =	shalt  }
0x3f: {  	_ =	shalt  }
0x40: {  	_ =	shalt  }
0x41: {  	_ =	shalt  }
0x42: {  	_ =	shalt  }
0x43: {  	_ =	shalt  }
0x44: {  	_ =	shalt  }
0x45: {  	_ =	shalt  }
0x46: {  	_ =	shalt  }
0x47: {  	_ =	shalt  }
0x48: {  	_ =	shalt  }
0x49: {  	_ =	shalt  }
0x4a: {  	_ =	shalt  }
0x4b: {  	_ =	shalt  }
0x4c: {  	_ =	shalt  }
0x4d: {  	_ =	shalt  }
0x4e: {  	_ =	shalt  }
0x4f: {  	_ =	shalt  }
0x50: {  	_ =	shalt  }
0x51: {  	_ =	shalt  }
0x52: {  	_ =	shalt  }
0x53: {  	_ =	shalt  }
0x54: {  	_ =	shalt  }
0x55: {  	_ =	shalt  }
0x56: {  	_ =	shalt  }
0x57: {  	_ =	shalt  }
0x58: {  	_ =	shalt  }
0x59: {  	_ =	shalt  }
0x5a: {  	_ =	shalt  }
0x5b: {  	_ =	shalt  }
0x5c: {  	_ =	shalt  }
0x5d: {  	_ =	shalt  }
0x5e: {  	_ =	shalt  }
0x5f: {  	_ =	shalt  }
0x60: {  	_ =	shalt  }
0x61: {  	_ =	shalt  }
0x62: {  	_ =	shalt  }
0x63: {  	_ =	shalt  }
0x64: {  	_ =	shalt  }
0x65: {  	_ =	shalt  }
0x66: {  	_ =	shalt  }
0x67: {  	_ =	shalt  }
0x68: {  	_ =	shalt  }
0x69: {  	_ =	shalt  }
0x6a: {  	_ =	shalt  }
0x6b: {  	_ =	shalt  }
0x6c: {  	_ =	shalt  }
0x6d: {  	_ =	shalt  }
0x6e: {  	_ =	shalt  }
0x6f: {  	_ =	shalt  }
0x70: {  	_ =	shalt  }
0x71: {  	_ =	shalt  }
0x72: {  	_ =	shalt  }
0x73: {  	_ =	shalt  }
0x74: {  	_ =	shalt  }
0x75: {  	_ =	shalt  }
0x76: {  	_ =	shalt  }
0x77: {  	_ =	shalt  }
0x78: {  	_ =	shalt  }
0x79: {  	_ =	shalt  }
0x7a: {  	_ =	shalt  }
0x7b: {  	_ =	shalt  }
0x7c: {  	_ =	shalt  }
0x7d: {  	_ =	shalt  }
0x7e: {  	_ =	shalt  }
0x7f: {  	_ =	shalt  }
0x80: {  	_ =	shalt  }
0x81: {  	_ =	shalt  }
0x82: {  	_ =	shalt  }
0x83: {  	_ =	shalt  }
0x84: {  	_ =	shalt  }
0x85: {  	_ =	shalt  }
0x86: {  	_ =	shalt  }
0x87: {  	_ =	shalt  }
.Lfunc_end0:
.L_simem_size_0:
called_computation_lowered:
.L_overlay_start_0:
0x88: {  	s2 =	sld [smem:$0x3FD9]  }
0x89: {  	s3 =	sld [smem:$0x3FFE];
	_ =	sdelay $0x1  }
0x8a: {  	s1 =	srdreg.scid  }
0x8b: {  	s0 =	sand.u32 $0x1, s1  }
0x8c: {  	s16 =	sshll.u32 s0, $0xA;
	s2 =	sadd.s32 s3, s2  }
0x8d: {  	s2 =	sadd.s32 s2, s16  }
0x8e: {  	[smem:$0x3FBA] =	sst s2  }
0x8f: {  	_ = 	snop  }
0x90: {  	(tm) =	ssettm $0x1  }
0x91: {  	s17 =	sld [smem:$0x3FFB];
	_ =	sdelay $0x3  }
0x92: {  	_ =	strace s17  }
0x93: {  	s2 =	sld [smem:$0x3FFC];
	_ =	sdelay $0x3  }
0x94: {  	_ =	strace s2  }
0x95: {  	s2 =	sld [smem:$0x3FFD];
	_ =	sdelay $0x3  }
0x96: {  	_ =	strace s2  }
0x97: {  	_ =	strace $0x8FFFFFFF  }
0x98: {  	s18 =	sld [smem:$0x3FDB];
	_ =	sdelay $0x1  }
0x99: {  	s19 =	simm.s32 $_scs_section_size  }
0x9a: {  	s4 =	simm.s32 $_size__tile_overlayer_lowered;
	s5 =	simm.s32 $_tile_overlayer_lowered  }
0x9b: {  	s22 =	simm.s32 $0x1BFF;
	s21 =	sshll.u32 s5, $0x1;
	s2 =	sadd.s32 s19, s18  }
0x9c: {  	s6 =	simm.s32 $0x0;
	s20 =	sshll.u32 s4, $0x1;
	s4 =	sadd.s32 s21, s2  }
0x9d: {  	[timem:s6], [sflag:s22] =	dma.local [hbm:s4], s20  }
0x9e: {  	_ =	swait.ge [sflag:s22], s20  }
0x9f: {  	s3 =	ssub.s32 $0x0, s20;
	[sflag:s22] =	ssyncset.done $0x0  }
0xa0: {  	[sflag:s22] =	ssyncadd.s32 s3;
	_ =	sdelay $0x1  }
0xa1: {  	s23 =	simm.s32 $0x1B8B  }
0xa2: {  	_ =	swait.ge [sflag:s23], $0x1  }
0xa3: {  	[sflag:s23] =	ssyncset.done $0x0  }
0xa4: {  	s25 =	simm.s32 $0x1B8E;
	s24 =	sld [smem:$0x3FFE];
	[sflag:s23] =	ssyncadd.s32 $0xFFFFFFFF  }
0xa5: {  	s26 =	simm.s32 $execute0_lowered;
	[smem:$0x3FD2] =	sst s25  }
0xa6: {  	s4 =	sshll.u32 s26, $0x1;
	_ =	strace $0x80000046;
	[dreg:$0x1] =	wrdreg $0xFFFFFFFF  }
0xa7: {  	s28 =	simm.s32 $_size_execute0_lowered;
	s2 =	sadd.s32 s2, s4;
	[dreg:$0x0] =	wrdreg $0x0  }
0xa8: {  	s4 =	sshll.u32 s28, $0x1;
	[dreg:$0x2] =	wrdreg s2  }
0xa9: {  	[dreg:$0x3] =	wrdreg s4  }
0xaa: {  	[dreg:$0x4] =	wrdreg $0xC0  }
0xab: {  	_ =	task [dreg:s6], $0x5FFFF  }
0xac: {  	[dreg:$0x1] =	wrdreg $0xFFFFFFFF  }
0xad: {  	[dreg:$0x0] =	wrdreg $0x60  }
0xae: {  	[dreg:$0x2] =	wrdreg s24  }
0xaf: {  	[dreg:$0x3] =	wrdreg $0x9  }
0xb0: {  	_ =	task.clear_ibuf [dreg:s6], $0x4FFFF;
	_ =	strace $0x90000046  }
0xb1: {  	s29 =	simm.s32 $0x9;
	_ =	strace $0x80000048  }
0xb2: {  	_ =	swait.ge [sflag:s29], $0x1  }
0xb3: {  	[sflag:s29] =	ssyncadd.s32 $0xFFFFFFFF  }
0xb4: {  	_ =	strace $0x90000048  }
0xb5: {  	_ =	sfence  }
0xb6: {  	s30 =	sld [smem:$0x0];
	_ =	sdelay $0x2  }
0xb7: {  	s31 =	sshll.u32 s1, $0xD;
	s1 =	sshrl.u32 s1, $0x2  }
0xb8: {  	s3 =	sand.u32 $0x4000, s31;
	s1 =	sadd.s32 s1, s30  }
0xb9: {  	s0 =	sor.u32 s3, s0;
	s1 =	sshll.u32 s1, $0x11  }
0xba: {  	s0 =	sor.u32 s1, s0  }
0xbb: {  	s0 =	sadd.s32 $0x8F2B, s0  }
0xbc: {  	[sflag:s0] =	ssyncadd.remote.s32 $0x1  }
0xbd: {  	_ =	sfence.sel $0xFFFF  }
0xbe: {  	[dreg:$0x0] =	wrdreg $0xFFFFFFFF;
	(pc) =	sbr.abs _section_cstart, $3  }
0xbf: {  	[dreg:$0x1] =	wrdreg $0xFFFFFFFF  }
0xc0: {  	_ =	task.clear_ibuf [dreg:s6], $0x2FFFF;
	_ =	strace $0x9FFFFFFF  }
0xc1: {  	(tm) =	ssettm $0x7FFFFFFF  }
tec
execute0_lowered:
.L_overlay_start_1:
0x0: {  	(tag) =	ssettag $0x1  }
0x1: {  	s8 =	rddreg [dreg:$0x0]  }
0x2: {  	s0 =	rddreg [dreg:$0x1];
	_ =	strace $0x80000047;
	s1 =	stileid.u32  }
0x3: {  	s3 =	srdreg.scid;
	s4 =	simm.s32 $0x1;
	s7 =	simm.s32 $0x1  }
0x4: {  	s9 =	simm.s32 $0x1;
	s10 =	simm.s32 $0x3;
	s13 =	simm.s32 $0x0  }
0x5: {  	s12 =	simm.s32 $0x0;
	s5 =	sand.u32 $0x1, s3;
	s6 =	sshll.u32 s1, $0x1  }
0x6: {  	s2 =	sadd.s32 $0xE000, s8;
	s3 =	sadd.s32 $0x17E00, s8;
	s5 =	sor.u32 s6, s5  }
.Ltmp0:
0x7: {  	[sflag:s4] =	ssyncpa.u1 $0x0;
	p0 =	slt.u32 s5, $0x9;
	(pc) =	sbr.rel .LBB2_1-.Ltmp0, $4  }
0x8: {  	s6 =	simm.s32 $0x2;
	s7 =	simm.s32 @!p0 $0x0;
	p0 =	sne.s32 s5, $0x8  }
0x9: {  	[sflag:s6] =	ssyncpa.u1 $0x0;
	s5 =	smul.u32 $0x1F40, s5;
	s9 =	simm.s32 @!p0 $0x0  }
0xa: {  	s8 =	sadd.s32 $0x70000, s8;
	[sflag:s10] =	ssyncpa.u1 $0x0;
	s7 =	sadd.s32 s9, s7  }
0xb: {  	vm0 =	vmmov $0xffff;
	s10 =	simm.s32 $0x0;
	s11 =	smov.u32 s5;
	s9 =	sadd.s32 $0x1, s7  }
.LBB2_4:
0xc: {  	v2 =	vnsel vm1, $0x0, v2  }
0xd: {  	vm1 =	vgt.s32 v0, $0x0;
	v2 =	vmin.u32 v2, $0x4E1FF  }
0xe: {  	v0 =	vnsel vm1, $0x0, v0  }
0xf: {  	v0 =	vmin.u32 v0, $0x4E1FF  }
0x10: {  	[tilespmem:s18], [sflag:$0x1] =	stream.indirect_vreg.gather [hbm4b:s2+s10], $0x1, v1, vm0, $0x4038;
	[tilespmem:$0x7D00] =	vst v63  }
0x11: {  	(ifvalue) =	ssetifvalue $0x7FFFFFFF  }
0x12: {  	[tilespmem:s15], [sflag:$0x1] =	stream.indirect_vreg.gather [hbm4b:s2+s10], $0x1, v2, vm0, $0x4038;
	[tilespmem:$0x7D00] =	vst v63  }
0x13: {  	s29 =	sadd.s32 $0x10, s15;
	(ifvalue) =	ssetifvalue $0x7FFFFFFF  }
0x14: {  	[tilespmem:s29], [sflag:$0x1] =	stream.indirect_vreg.gather [hbm4b:s2+s10], $0x1, v0, vm0, $0x4038;
	[tilespmem:$0x7D00] =	vst v63  }
0x15: {  	_ =	swait.ge [sflag:s4], $0x1F40  }
0x16: {  	s30 =	sshrl.u32 s13, $0x3;
	[sflag:s4] =	ssyncset.done $0x0  }
0x17: {  	s31 =	sand.u32 $0x7, s13;
	s15 =	sadd.s32 s8, s30;
	[sflag:s4] =	ssyncadd.s32 $0xFFFFE0C0  }
0x18: {  	[hbm4b:s15+s31] =	stream.linear.scatter [tilespmem:s14], [sflag:$0x3], $0x1F40, $0x38;
	[tilespmem:$0x7D00] =	vst v63  }
.LBB2_5:
0x19: {  	s15 =	sadd.s32 $0x3E800, s11  }
0x1a: {  	p1 =	sgt.s32 s15, $0x4E1FF  }
0x1b: {  	s15 =	smov.u32 @p1 s5;
	p1 =	sne.s32 s12, s9  }
.Ltmp1:
0x1c: {  	p0 =	slt.u32 s12, $0x2;
	(pc) =	sbr.rel @!p1 .LBB2_6-.Ltmp1, $4  }
0x1d: {  	s14 =	simm.s32 @!p0 $0x3  }
0x1e: {  	_ =	swait.ge @!p0 [sflag:s14], $0x1F40  }
0x1f: {  	s16 =	sadd.s32 $0x1, s12;
	s13 =	smov.u32 s11;
	[sflag:s14] =	ssyncset.done @!p0 $0x0  }
0x20: {  	s12 =	smov.u32 s16;
	s11 =	smov.u32 s15;
	[sflag:s14] =	ssyncadd.s32 @!p0 $0xFFFFE0C0  }
.LBB2_1:
0x21: {  	p0 =	sge.u32 s12, s7  }
0x22: {  	s14 =	sxor.u32 @!p0 $0x1, s12  }
0x23: {  	s14 =	smul.u32 @!p0 $0x7D00, s14  }
0x24: {  	s31 =	sadd.s32 $0xFFFFFFFF, s12;
	s15 =	sshrl.u32 @!p0 s11, $0x3  }
0x25: {  	s16 =	sand.u32 @!p0 $0x7, s11;
	s15 =	sadd.s32 @!p0 s3, s15;
	s14 =	sshra.s32 @!p0 s14, $0x2  }
0x26: {  	[tilespmem:s14], [sflag:$0x2] =	stream.linear.gather @!p0 [hbm4b:s15+s16], $0x1F40, $0x38;
	[tilespmem:$0x7D00] =	vst v63  }
0x27: {  	p0 =	sge.u32 s31, s7  }
.Ltmp2:
0x28: {  	_ = 	snop;
	(pc) =	sbr.rel @p0 .LBB2_5-.Ltmp2, $1  }
0x29: {  	_ =	sdelay $0x3  }
0x2a: {  	s14 =	sand.u32 $0x1, s12  }
0x2b: {  	_ =	swait.ge [sflag:s6], $0x1F40;
	p0 =	seq.s32 s14, $0x1;
	s14 =	simm.s32 $0x1F40  }
0x2c: {  	[sflag:s6] =	ssyncset.done $0x0;
	s14 =	simm.s32 @!p0 $0x0  }
0x2d: {  	[sflag:s6] =	ssyncadd.s32 $0xFFFFE0C0;
	(ifvalue) =	ssetifvalue $0x7FFFFFFF;
	v0 =	vld.msk [tilespmem:s14+$0x0 ss:$0x1], $0xffff;
	_ =	sdelay $0x4  }
0x2e: {  	s15 =	sadd.s32 $0x10, s14;
	vm1 =	vgt.s32 v0, $0x0  }
0x2f: {  	v2 =	vld.msk [tilespmem:s15+$0x0 ss:$0x1], $0xffff;
	v1 =	vnsel vm1, $0x0, v0  }
0x30: {  	v1 =	vmin.u32 v1, $0x4E1FF;
	_ =	sdelay $0x2  }
0x31: {  	s17 =	simm.s32 $0x20;
	s14 =	sadd.s32 $0x3E80, s14;
	s16 =	sadd.s32 $0x10, s15  }
0x32: {  	s15 =	sadd.s32 $0x10, s14;
	s18 =	smov.u32 s14;
	v0 =	vld.msk [tilespmem:s16+$0x0 ss:$0x1], $0xffff;
	vm1 =	vgt.s32 v2, $0x0;
	(ifvalue) =	ssetifvalue $0x7FFFFFFF  }
.LBB2_3:
0x33: {  	[tilespmem:s18], [sflag:$0x1] =	stream.indirect_vreg.gather [hbm4b:s2+s10], $0x1, v1, vm0, $0x4038;
	[tilespmem:$0x7D00] =	vst v63  }
0x34: {  	s17 =	sadd.s32 $0x10, s17  }
0x35: {  	v2 =	vnsel vm1, $0x0, v2;
	p0 =	slt.u32 s17, $0x1F30  }
.Ltmp3:
0x36: {  	s18 =	smov.u32 s15;
	v1 =	vmin.u32 v2, $0x4E1FF;
	(pc) =	sbr.rel @p0 .LBB2_3-.Ltmp3, $3  }
0x37: {  	_ =	sdelay $0x1  }
0x38: {  	s16 =	sadd.s32 $0x10, s16  }
0x39: {  	vm1 =	vgt.s32 v0, $0x0;
	s15 =	sadd.s32 $0x10, s15;
	v2 =	vmov v0;
	(ifvalue) =	ssetifvalue $0x7FFFFFFF;
	v0 =	vld.msk [tilespmem:s16+$0x0 ss:$0x1], $0xffff  }
.Ltmp4:
0x3a: {  	_ = 	snop;
	(pc) =	sbr.rel .LBB2_4-.Ltmp4, $1  }
0x3b: {  	_ =	sdelay $0x3  }
.LBB2_6:
0x3c: {  	_ =	sfence.sel $0x180000  }
0x3d: {  	s2 =	simm.s32 $0x2;
	[bflag:$0x0] =	sbarrier.arrive $0xFFFF  }
0x3e: {  	s30 =	simm.s32 $0x3;
	[sflag:s2] =	ssyncpa.u1 $0x1  }
0x3f: {  	s31 =	simm.s32 $0x1;
	[sflag:s30] =	ssyncpa.u1 $0x1  }
0x40: {  	[sflag:s31] =	ssyncpa.u1 $0x1  }
0x41: {  	p0 =	sne.s32 s1, $0x0;
	_ =	strace $0x90000047  }
0x42: {  	s0 =	sadd.s32 @!p0 $0x100000, s0;
	[bflag:$0x2] =	sbarrier.arrive $0xFFFF  }
0x43: {  	[sflag:s0] =	ssyncadd.tile.s32 @!p0 $0x1;
	_ =	shalt  }
.Lfunc_end2:
_tile_overlayer_lowered:
.L_overlay_start_2:
0x44: {  	(tag) =	ssettag $0x2  }
0x45: {  	s0 =	rddreg [dreg:$0x0];
	s2 =	stileid.u32  }
0x46: {  	s1 =	rddreg [dreg:$0x1];
	p0 =	sne.s32 s2, $0x0  }
0x47: {  	s3 =	rddreg [dreg:$0x2];
	[bflag:$0x3] =	sbarrier.arrive $0xFFFF;
	s2 =	simm.s32 @!p0 $0x1C01  }
0x48: {  	[timem:s3], [sflag:s2] =	dma.local @!p0 [hbm:s0], s1  }
0x49: {  	s0 =	simm.s32 @!p0 $0x1  }
0x4a: {  	_ =	swait.ge @!p0 [sflag:s0], s1  }
0x4b: {  	s1 =	ssub.s32 @!p0 $0x0, s1;
	[sflag:s0] =	ssyncset.done @!p0 $0x0  }
0x4c: {  	[sflag:s0] =	ssyncadd.s32 @!p0 s1  }
0x4d: {  	[bflag:$0x3] =	sbarrier.arrive $0xFFFF  }
0x4e: {  	_ =	shalt  }

// kernel: kernel.11.cloned.1.call-start
scs
__scs_entry_jumppad:
0x0: {  	(pc) =	sbr.rel $0x88, $3  }
0x1: {  	(tag) =	ssettag $0x0;
	lr =	simm.s32 $0x1  }
0x2: {  	[smem:$0x3F93] =	sst lr;
	_ =	strace $0xD0000000  }
0x3: {  	_ = 	snop  }
0x4: {  	_ = 	snop  }
0x5: {  	_ = 	snop  }
0x6: {  	_ = 	snop  }
0x7: {  	_ = 	snop  }
__scs_overlays_trampoline_lowered:
0x8: {  	[smem:$0x3FA2] =	sst s0  }
0x9: {  	[smem:$0x3FA3] =	sst s1  }
0xa: {  	[smem:$0x3FA4] =	sst s2  }
0xb: {  	[smem:$0x3FA5] =	sst s3  }
0xc: {  	[smem:$0x3FA6] =	sst s4  }
0xd: {  	[smem:$0x3FA7] =	sst s5  }
0xe: {  	[smem:$0x3FA8] =	sst s6  }
0xf: {  	[smem:$0x3FA9] =	sst s7  }
0x10: {  	[smem:$0x3FAA] =	sst s8  }
0x11: {  	[smem:$0x3FAB] =	sst s9;
	s0 =	simm.s32 @!p0 $0x0  }
0x12: {  	s1 =	sld [smem:$0x3F91];
	s0 =	simm.s32 @p0 $0x1  }
0x13: {  	[smem:$0x3FAC] =	sst s0;
	s0 =	simm.s32 @!p1 $0x0  }
0x14: {  	s2 =	sld [smem:$0x3F90];
	s0 =	simm.s32 @p1 $0x1  }
0x15: {  	[smem:$0x3FAD] =	sst s0;
	s0 =	simm.s32 @!p2 $0x0  }
0x16: {  	s3 =	sld [smem:$0x3FDB];
	s0 =	simm.s32 @p2 $0x1  }
0x17: {  	s4 =	simm.s32 $0x1BF5;
	[smem:$0x3FAF] =	sst s0  }
0x18: {  	s0 =	sld [smem:$0x3F92];
	_ =	swait.ge [sflag:s4], $0x0  }
0x19: {  	s7 =	sld [smem:$0x3F93]  }
0x1a: {  	s8 =	sadd.s32 $0xFFFFE003, lr  }
0x1b: {  	s9 =	sadd.s32 $0xFFFFFEF7, lr;
	s5 =	simm.s32 $0xFFFFFFFF;
	p2 =	slt.u32 s8, $0xFFFFF086  }
0x1c: {  	p1 =	slt.u32 s9, $0xF7A;
	s5 =	simm.s32 @!p2 $0x0  }
0x1d: {  	s5 =	simm.s32 @p1 $0x1;
	p0 =	seq.s32 s7, s2  }
0x1e: {  	s7 =	smul.u32 @!p0 $0xF7A, s2;
	p2 =	seq.s32 @!p0 s5, $0x0  }
0x1f: {  	s9 =	smul.u32 $0xF7A, s1;
	s8 =	simm.s32 @!p0 $0x1BF5;
	p2 =	por !p2, p0  }
0x20: {  	[sflag:s8] =	ssyncset.s32 @!p0 $0xFFFFF086;
	s6 =	sadd.s32 @!p0 s3, s7;
	s7 =	simm.s32 @!p0 $0x108  }
0x21: {  	s3 =	sadd.s32 s3, s9;
	s6 =	sadd.s32 @!p0 $0x88, s6;
	s7 =	simm.s32 @p2 $0x1082  }
0x22: {  	[simem:s7], [sflag:s8] =	dma.local @!p0 [hbm:s6], $0xF7A  }
0x23: {  	s9 =	sor.u32 $0xD0000000, s2;
	s6 =	simm.s32 $0x108;
	_ =	swait.ge @!p0 [sflag:s8], $0x0  }
0x24: {  	s3 =	sadd.s32 $0x88, s3;
	s6 =	simm.s32 @!p1 $0x1082;
	[sflag:s4] =	ssyncset.s32 $0xFFFFF086  }
0x25: {  	[simem:s6], [sflag:s4] =	dma.local [hbm:s3], $0xF7A  }
0x26: {  	[smem:$0x3F93] =	sst s1;
	(tag) =	ssettag s2;
	_ =	strace s9  }
0x27: {  	s1 =	sld [smem:$0x3FA3]  }
0x28: {  	s2 =	sld [smem:$0x3FA4]  }
0x29: {  	s4 =	sld [smem:$0x3FA6]  }
0x2a: {  	p0 =	seq.s32 s5, $0x0;
	s5 =	sld [smem:$0x3FA7]  }
0x2b: {  	s6 =	sld [smem:$0x3FA8]  }
0x2c: {  	s7 =	sld [smem:$0x3FA9]  }
0x2d: {  	s3 =	simm.s32 $0x108;
	s8 =	sld [smem:$0x3FAA]  }
0x2e: {  	s3 =	simm.s32 @!p0 $0x1082;
	s9 =	sld [smem:$0x3FAB]  }
0x2f: {  	lr =	sadd.s32 s0, s3;
	s0 =	sld [smem:$0x3FA2]  }
0x30: {  	s3 =	sld [smem:$0x3FA5]  }
0x31: {  	[smem:$0x3FAE] =	sst s10  }
0x32: {  	s10 =	sld [smem:$0x3FAC];
	_ =	sdelay $0x3  }
0x33: {  	p0 =	seq.s32 s10, $0x1;
	s10 =	sld [smem:$0x3FAE];
	_ =	sdelay $0x3  }
0x34: {  	[smem:$0x3FAE] =	sst s10  }
0x35: {  	s10 =	sld [smem:$0x3FAD];
	_ =	sdelay $0x3  }
0x36: {  	p1 =	seq.s32 s10, $0x1;
	s10 =	sld [smem:$0x3FAE];
	_ =	sdelay $0x3  }
0x37: {  	[smem:$0x3FAE] =	sst s10  }
0x38: {  	s10 =	sld [smem:$0x3FAF]  }
0x39: {  	_ = 	snop;
	(pc) =	sbr.ind lr, $3  }
0x3a: {  	_ = 	snop  }
0x3b: {  	_ = 	snop  }
0x3c: {  	p2 =	seq.s32 s10, $0x1;
	s10 =	sld [smem:$0x3FAE]  }
0x3d: {  	_ =	shalt  }
0x3e: {  	_ =	shalt  }
0x3f: {  	_ =	shalt  }
0x40: {  	_ =	shalt  }
0x41: {  	_ =	shalt  }
0x42: {  	_ =	shalt  }
0x43: {  	_ =	shalt  }
0x44: {  	_ =	shalt  }
0x45: {  	_ =	shalt  }
0x46: {  	_ =	shalt  }
0x47: {  	_ =	shalt  }
0x48: {  	_ =	shalt  }
0x49: {  	_ =	shalt  }
0x4a: {  	_ =	shalt  }
0x4b: {  	_ =	shalt  }
0x4c: {  	_ =	shalt  }
0x4d: {  	_ =	shalt  }
0x4e: {  	_ =	shalt  }
0x4f: {  	_ =	shalt  }
0x50: {  	_ =	shalt  }
0x51: {  	_ =	shalt  }
0x52: {  	_ =	shalt  }
0x53: {  	_ =	shalt  }
0x54: {  	_ =	shalt  }
0x55: {  	_ =	shalt  }
0x56: {  	_ =	shalt  }
0x57: {  	_ =	shalt  }
0x58: {  	_ =	shalt  }
0x59: {  	_ =	shalt  }
0x5a: {  	_ =	shalt  }
0x5b: {  	_ =	shalt  }
0x5c: {  	_ =	shalt  }
0x5d: {  	_ =	shalt  }
0x5e: {  	_ =	shalt  }
0x5f: {  	_ =	shalt  }
0x60: {  	_ =	shalt  }
0x61: {  	_ =	shalt  }
0x62: {  	_ =	shalt  }
0x63: {  	_ =	shalt  }
0x64: {  	_ =	shalt  }
0x65: {  	_ =	shalt  }
0x66: {  	_ =	shalt  }
0x67: {  	_ =	shalt  }
0x68: {  	_ =	shalt  }
0x69: {  	_ =	shalt  }
0x6a: {  	_ =	shalt  }
0x6b: {  	_ =	shalt  }
0x6c: {  	_ =	shalt  }
0x6d: {  	_ =	shalt  }
0x6e: {  	_ =	shalt  }
0x6f: {  	_ =	shalt  }
0x70: {  	_ =	shalt  }
0x71: {  	_ =	shalt  }
0x72: {  	_ =	shalt  }
0x73: {  	_ =	shalt  }
0x74: {  	_ =	shalt  }
0x75: {  	_ =	shalt  }
0x76: {  	_ =	shalt  }
0x77: {  	_ =	shalt  }
0x78: {  	_ =	shalt  }
0x79: {  	_ =	shalt  }
0x7a: {  	_ =	shalt  }
0x7b: {  	_ =	shalt  }
0x7c: {  	_ =	shalt  }
0x7d: {  	_ =	shalt  }
0x7e: {  	_ =	shalt  }
0x7f: {  	_ =	shalt  }
0x80: {  	_ =	shalt  }
0x81: {  	_ =	shalt  }
0x82: {  	_ =	shalt  }
0x83: {  	_ =	shalt  }
0x84: {  	_ =	shalt  }
0x85: {  	_ =	shalt  }
0x86: {  	_ =	shalt  }
0x87: {  	_ =	shalt  }
.Lfunc_end0:
.L_simem_size_0:
called_computation.3_lowered:
.L_overlay_start_0:
0x88: {  	s2 =	sld [smem:$0x3FD9]  }
0x89: {  	s3 =	sld [smem:$0x3FFE];
	_ =	sdelay $0x1  }
0x8a: {  	s1 =	srdreg.scid  }
0x8b: {  	s0 =	sand.u32 $0x1, s1  }
0x8c: {  	s17 =	sshll.u32 s0, $0xA;
	s2 =	sadd.s32 s3, s2  }
0x8d: {  	s2 =	sadd.s32 s2, s17  }
0x8e: {  	[smem:$0x3FBA] =	sst s2  }
0x8f: {  	_ = 	snop  }
0x90: {  	s2 =	sld [smem:$0x3FD0];
	(tm) =	ssettm $0x1  }
0x91: {  	s18 =	sld [smem:$0x3FFB];
	_ =	sdelay $0x3  }
0x92: {  	_ =	strace s18  }
0x93: {  	s3 =	sld [smem:$0x3FFC];
	_ =	sdelay $0x3  }
0x94: {  	_ =	strace s3  }
0x95: {  	s3 =	sld [smem:$0x3FFD];
	_ =	sdelay $0x3  }
0x96: {  	_ =	strace s3  }
0x97: {  	_ =	strace $0x8FFFFFFF  }
0x98: {  	s19 =	sld [smem:$0x3FDB];
	_ =	sdelay $0x1  }
0x99: {  	s4 =	simm.s32 $_scs_section_size  }
0x9a: {  	s5 =	simm.s32 $_size__tile_overlayer_lowered;
	s6 =	simm.s32 $_tile_overlayer_lowered  }
0x9b: {  	s22 =	simm.s32 $0x1BFF;
	s21 =	sshll.u32 s6, $0x1;
	s3 =	sadd.s32 s4, s19  }
0x9c: {  	s7 =	simm.s32 $0x0;
	s20 =	sshll.u32 s5, $0x1;
	s5 =	sadd.s32 s21, s3  }
0x9d: {  	[timem:s7], [sflag:s22] =	dma.local [hbm:s5], s20  }
0x9e: {  	_ =	swait.ge [sflag:s22], s20  }
0x9f: {  	s4 =	ssub.s32 $0x0, s20;
	[sflag:s22] =	ssyncset.done $0x0  }
0xa0: {  	[sflag:s22] =	ssyncadd.s32 s4;
	_ =	sdelay $0x1  }
0xa1: {  	s23 =	simm.s32 $0x1B8B  }
0xa2: {  	_ =	swait.ge [sflag:s23], $0x1  }
0xa3: {  	[sflag:s23] =	ssyncset.done $0x0  }
0xa4: {  	s25 =	simm.s32 $0x1B8E;
	s24 =	sld [smem:$0x3FFE];
	[sflag:s23] =	ssyncadd.s32 $0xFFFFFFFF  }
0xa5: {  	s26 =	simm.s32 $execute0_lowered;
	[smem:$0x3FD2] =	sst s25  }
0xa6: {  	s5 =	sshll.u32 s26, $0x1;
	_ =	strace $0x8000004F;
	[dreg:$0x1] =	wrdreg $0xFFFFFFFF  }
0xa7: {  	s28 =	simm.s32 $_size_execute0_lowered;
	s3 =	sadd.s32 s3, s5;
	[dreg:$0x0] =	wrdreg $0x0  }
0xa8: {  	s5 =	sshll.u32 s28, $0x1;
	[dreg:$0x2] =	wrdreg s3  }
0xa9: {  	[dreg:$0x3] =	wrdreg s5  }
0xaa: {  	[dreg:$0x4] =	wrdreg $0xC0  }
0xab: {  	_ =	task [dreg:s7], $0x5FFFF  }
0xac: {  	[dreg:$0x1] =	wrdreg $0xFFFFFFFF  }
0xad: {  	[dreg:$0x0] =	wrdreg $0x60  }
0xae: {  	[dreg:$0x2] =	wrdreg s24  }
0xaf: {  	[dreg:$0x3] =	wrdreg s2  }
0xb0: {  	[dreg:$0x4] =	wrdreg $0x9  }
0xb1: {  	_ =	task.clear_ibuf [dreg:s7], $0x5FFFF;
	_ =	strace $0x9000004F  }
0xb2: {  	s29 =	simm.s32 $0x9;
	_ =	strace $0x80000051  }
0xb3: {  	_ =	swait.ge [sflag:s29], $0x1  }
0xb4: {  	[sflag:s29] =	ssyncadd.s32 $0xFFFFFFFF  }
0xb5: {  	_ =	strace $0x90000051  }
0xb6: {  	_ =	sfence  }
0xb7: {  	s30 =	sld [smem:$0x0];
	_ =	sdelay $0x2  }
0xb8: {  	s31 =	sshll.u32 s1, $0xD;
	s1 =	sshrl.u32 s1, $0x2  }
0xb9: {  	s3 =	sand.u32 $0x4000, s31;
	s1 =	sadd.s32 s1, s30  }
0xba: {  	s0 =	sor.u32 s3, s0;
	s1 =	sshll.u32 s1, $0x11  }
0xbb: {  	s0 =	sor.u32 s1, s0  }
0xbc: {  	s0 =	sadd.s32 $0x8F2B, s0  }
0xbd: {  	[sflag:s0] =	ssyncadd.remote.s32 $0x1  }
0xbe: {  	_ =	sfence.sel $0xFFFF  }
0xbf: {  	[dreg:$0x0] =	wrdreg $0xFFFFFFFF;
	(pc) =	sbr.abs _section_cstart, $3  }
0xc0: {  	[dreg:$0x1] =	wrdreg $0xFFFFFFFF  }
0xc1: {  	_ =	task.clear_ibuf [dreg:s7], $0x2FFFF;
	_ =	strace $0x9FFFFFFF  }
0xc2: {  	(tm) =	ssettm $0x7FFFFFFF  }
0xc3: {  	_ =	shalt  }
tec
execute0_lowered:
.L_overlay_start_1:
0x0: {  	(tag) =	ssettag $0x1  }
0x1: {  	s0 =	rddreg [dreg:$0x0]  }
0x2: {  	s4 =	rddreg [dreg:$0x1];
	s1 =	simm.s32 $0x0;
	s7 =	srdreg.scid  }
0x3: {  	s17 =	stileid.u32;
	s28 =	simm.s32 $0xC900;
	s29 =	simm.s32 $0x6500  }
0x4: {  	s30 =	simm.s32 $0x2;
	s31 =	simm.s32 $0x3;
	s2 =	sadd.s32 $0xF29C00, s0  }
0x5: {  	[smem:$0x7FF] =	sst s1;
	s3 =	sadd.s32 $0x140BC00, s0;
	s5 =	sadd.s32 $0xE000, s0  }
0x6: {  	s6 =	sadd.s32 $0x4200, s0;
	s9 =	sand.u32 $0x1, s7;
	s7 =	sadd.s32 $0x4F0000, s0  }
0x7: {  	s12 =	smul.u32 $0x270, s17;
	p0 =	sne.s32 s17, $0xF;
	_ =	strace $0x80000050  }
0x8: {  	s8 =	sshll.u32 s9, $0x4;
	s10 =	smul.u32 $0x2718, s9;
	s14 =	ssub.s32 $0x2, s9  }
0x9: {  	s9 =	smul.u32 $0x138C00, s9;
	s11 =	sor.u32 s17, s8;
	s8 =	sadd.s32 $0x53E400, s0  }
0xa: {  	s16 =	sshrl.u32 s14, $0x1;
	s13 =	sshll.u32 s11, $0x7;
	s10 =	sadd.s32 s12, s10  }
0xb: {  	s12 =	ssub.s32 s14, s16;
	s9 =	sshrl.u32 s9, $0x3;
	s15 =	sadd.s32 s13, s0  }
0xc: {  	s0 =	sadd.s32 s11, s0;
	s10 =	sshll.u32 s10, $0x4;
	s4 =	sadd.s32 s4, s13  }
0xd: {  	s9 =	sadd.s32 $0x27000, s9;
	s18 =	sadd.s32 s7, s10;
	[dreg:$0xd] =	wrdreg s4  }
0xe: {  	s13 =	simm.s32 $0x0;
	s20 =	sadd.s32 s8, s10;
	[dreg:$0x3] =	wrdreg s18  }
0xf: {  	s19 =	sadd.s32 $0xC80, s10;
	s26 =	sadd.s32 s7, s9;
	[dreg:$0x4] =	wrdreg s20  }
0x10: {  	s22 =	sadd.s32 $0x1900, s10;
	s9 =	sadd.s32 s8, s9;
	[dreg:$0xb] =	wrdreg s26  }
0x11: {  	s10 =	sadd.s32 $0x2580, s10;
	s21 =	sadd.s32 s7, s19;
	[dreg:$0xc] =	wrdreg s9  }
0x12: {  	s4 =	simm.s32 $0x1;
	s14 =	sadd.s32 s8, s19;
	[dreg:$0x5] =	wrdreg s21  }
0x13: {  	s23 =	sadd.s32 s7, s22;
	s24 =	sadd.s32 s8, s22;
	[dreg:$0x6] =	wrdreg s14  }
0x14: {  	s25 =	sadd.s32 s7, s10;
	s10 =	sadd.s32 s8, s10;
	[dreg:$0x7] =	wrdreg s23  }
0x15: {  	s19 =	smul.u32 $0x2710, s11;
	s22 =	sadd.s32 $0x58D800, s0;
	[dreg:$0x8] =	wrdreg s24  }
0x16: {  	s26 =	simm.s32 $0x19100;
	s0 =	simm.s32 $0x4;
	[dreg:$0x9] =	wrdreg s25  }
0x17: {  	s9 =	simm.s32 $0xC8;
	s11 =	simm.s32 $0x5;
	[dreg:$0xa] =	wrdreg s10  }
0x18: {  	s21 =	sadd.s32 $0x58C800, s15;
	s23 =	smax.u32 s12, $0x1;
	s24 =	simm.s32 $0x100  }
0x19: {  	v0 =	vimm.f32 $0.0e+00;
	vm0 =	vcmask $0x308;
	s25 =	simm.s32 $0x7;
	s10 =	simm.s32 $0x12D00;
	s12 =	simm.s32 $0x6  }
.LBB2_1:
0x1a: {  	s14 =	simm.s32 $0x0;
	s15 =	simm.s32 $0x200  }
.LBB2_2:
0x1b: {  	p1 =	sne.s32 s15, $0x18E00;
	[tilespmem:s14+$0x6500] =	vst v0  }
0x1c: {  	[tilespmem:s14+$0x100] =	vst v0  }
0x1d: {  	[tilespmem:s14+$0x19100] =	vst v0  }
0x1e: {  	[tilespmem:s14+$0x110] =	vst v0  }
0x1f: {  	[tilespmem:s14+$0x19110] =	vst v0  }
0x20: {  	[tilespmem:s14+$0x120] =	vst v0  }
0x21: {  	[tilespmem:s14+$0x19120] =	vst v0  }
0x22: {  	[tilespmem:s14+$0x130] =	vst v0  }
0x23: {  	[tilespmem:s14+$0x19130] =	vst v0  }
0x24: {  	[tilespmem:s14+$0x140] =	vst v0  }
0x25: {  	[tilespmem:s14+$0x19140] =	vst v0  }
0x26: {  	[tilespmem:s14+$0x150] =	vst v0  }
.Ltmp0:
0x27: {  	[tilespmem:s14+$0x19150] =	vst v0;
	(pc) =	sbr.rel @p1 .LBB2_2-.Ltmp0, $4  }
0x28: {  	[tilespmem:s14+$0x160] =	vst v0  }
0x29: {  	[tilespmem:s14+$0x19160] =	vst v0  }
0x2a: {  	[tilespmem:s14+$0x170] =	vst v0  }
0x2b: {  	[tilespmem:s14+$0x19170] =	vst v0;
	s14 =	sshra.s32 s15, $0x2;
	s15 =	sadd.s32 $0x200, s15  }
0x2c: {  	[tilespmem:s14+$0x6500] =	vst v0  }
0x2d: {  	[tilespmem:s14+$0x100] =	vst v0  }
0x2e: {  	[tilespmem:s14+$0x19100] =	vst v0  }
0x2f: {  	[tilespmem:s14+$0x110] =	vst v0  }
0x30: {  	[tilespmem:s14+$0x19110] =	vst v0  }
0x31: {  	[tilespmem:s14+$0x120] =	vst v0  }
0x32: {  	[tilespmem:s14+$0x19120] =	vst v0  }
0x33: {  	[tilespmem:s14+$0x130] =	vst v0  }
0x34: {  	[tilespmem:s14+$0x19130] =	vst v0  }
0x35: {  	[tilespmem:s14+$0x140] =	vst v0  }
0x36: {  	[tilespmem:s14+$0x19140] =	vst v0  }
0x37: {  	[tilespmem:s14+$0x150] =	vst v0  }
0x38: {  	[tilespmem:s14+$0x19150] =	vst v0  }
0x39: {  	[tilespmem:s14+$0x160] =	vst v0  }
0x3a: {  	[tilespmem:s14+$0x19160] =	vst v0  }
0x3b: {  	[tilespmem:s14+$0x170] =	vst v0  }
0x3c: {  	[tilespmem:s14+$0x19170] =	vst v0;
	s17 =	rddreg [dreg:$0x3]  }
0x3d: {  	[hbm4b:s17+s1] =	stream.linear.scatter [tilespmem:s24], [sflag:$0x7], $0x6400, $0x38;
	[tilespmem:$0x1FD80] =	vst v63  }
0x3e: {  	_ =	swait.ge [sflag:s25], $0x6400  }
0x3f: {  	[sflag:s25] =	ssyncset.done $0x0  }
0x40: {  	s18 =	rddreg [dreg:$0x4];
	[sflag:s25] =	ssyncadd.s32 $0xFFFF9C00  }
0x41: {  	[hbm4b:s18+s1] =	stream.linear.scatter [tilespmem:s26], [sflag:$0x7], $0x6400, $0x38;
	[tilespmem:$0x1FD80] =	vst v63  }
0x42: {  	_ =	swait.ge [sflag:s25], $0x6400  }
0x43: {  	[sflag:s25] =	ssyncset.done $0x0  }
0x44: {  	s20 =	rddreg [dreg:$0x5];
	[sflag:s25] =	ssyncadd.s32 $0xFFFF9C00  }
0x45: {  	[hbm4b:s20+s1] =	stream.linear.scatter [tilespmem:s24], [sflag:$0x7], $0x6400, $0x38;
	[tilespmem:$0x1FD80] =	vst v63  }
0x46: {  	_ =	swait.ge [sflag:s25], $0x6400  }
0x47: {  	[sflag:s25] =	ssyncset.done $0x0  }
0x48: {  	s15 =	rddreg [dreg:$0x6];
	[sflag:s25] =	ssyncadd.s32 $0xFFFF9C00  }
0x49: {  	[hbm4b:s15+s1] =	stream.linear.scatter [tilespmem:s26], [sflag:$0x7], $0x6400, $0x38;
	[tilespmem:$0x1FD80] =	vst v63  }
0x4a: {  	_ =	swait.ge [sflag:s25], $0x6400  }
0x4b: {  	[sflag:s25] =	ssyncset.done $0x0  }
0x4c: {  	s16 =	rddreg [dreg:$0x7];
	[sflag:s25] =	ssyncadd.s32 $0xFFFF9C00  }
0x4d: {  	[hbm4b:s16+s1] =	stream.linear.scatter [tilespmem:s24], [sflag:$0x7], $0x6400, $0x38;
	[tilespmem:$0x1FD80] =	vst v63  }
0x4e: {  	_ =	swait.ge [sflag:s25], $0x6400  }
0x4f: {  	[sflag:s25] =	ssyncset.done $0x0  }
0x50: {  	s17 =	rddreg [dreg:$0x8];
	[sflag:s25] =	ssyncadd.s32 $0xFFFF9C00  }
0x51: {  	[hbm4b:s17+s1] =	stream.linear.scatter [tilespmem:s26], [sflag:$0x7], $0x6400, $0x38;
	[tilespmem:$0x1FD80] =	vst v63  }
0x52: {  	_ =	swait.ge [sflag:s25], $0x6400  }
0x53: {  	[sflag:s25] =	ssyncset.done $0x0  }
0x54: {  	s18 =	rddreg [dreg:$0x9];
	[sflag:s25] =	ssyncadd.s32 $0xFFFF9C00  }
0x55: {  	[hbm4b:s18+s1] =	stream.linear.scatter [tilespmem:s24], [sflag:$0x7], $0xC00, $0x38;
	[tilespmem:$0x1FD80] =	vst v63  }
0x56: {  	_ =	swait.ge [sflag:s25], $0xC00  }
0x57: {  	[sflag:s25] =	ssyncset.done $0x0  }
0x58: {  	s20 =	rddreg [dreg:$0xa];
	[sflag:s25] =	ssyncadd.s32 $0xFFFFF400  }
0x59: {  	[hbm4b:s20+s1] =	stream.linear.scatter [tilespmem:s26], [sflag:$0x7], $0xC00, $0x38;
	[tilespmem:$0x1FD80] =	vst v63  }
0x5a: {  	_ =	swait.ge [sflag:s25], $0xC00  }
0x5b: {  	s14 =	simm.s32 @!p0 $0x0;
	[sflag:s25] =	ssyncset.done $0x0  }
0x5c: {  	s15 =	simm.s32 @!p0 $0x100;
	s16 =	rddreg [dreg:$0xb];
	[sflag:s25] =	ssyncadd.s32 $0xFFFFF400  }
0x5d: {  	[hbm4b:s16+s14] =	stream.linear.scatter @!p0 [tilespmem:s15], [sflag:$0x7], $0xC00, $0x38;
	[tilespmem:$0x1FD80] =	vst v63  }
0x5e: {  	s15 =	simm.s32 @!p0 $0x7  }
0x5f: {  	_ =	swait.ge @!p0 [sflag:s15], $0xC00  }
0x60: {  	[sflag:s15] =	ssyncset.done @!p0 $0x0  }
0x61: {  	s16 =	simm.s32 @!p0 $0x19100;
	s17 =	rddreg [dreg:$0xc];
	[sflag:s15] =	ssyncadd.s32 @!p0 $0xFFFFF400  }
0x62: {  	[hbm4b:s17+s14] =	stream.linear.scatter @!p0 [tilespmem:s16], [sflag:$0x7], $0xC00, $0x38;
	[tilespmem:$0x1FD80] =	vst v63  }
0x63: {  	v1 =	vimm.s32 $0xFFFFFFFF;
	_ =	swait.ge @!p0 [sflag:s15], $0xC00  }
0x64: {  	v3 =	vimm.f32 $0.0e+00;
	v2 =	vimm.f32 $0.0e+00;
	v5 =	vimm.f32 $0.0e+00;
	[sflag:s15] =	ssyncset.done @!p0 $0x0  }
0x65: {  	v4 =	vimm.f32 $0.0e+00;
	v8 =	vimm.f32 $0.0e+00;
	v6 =	vimm.f32 $0.0e+00;
	[sflag:s15] =	ssyncadd.s32 @!p0 $0xFFFFF400  }
0x66: {  	v7 =	vimm.f32 $0.0e+00;
	v11 =	vimm.f32 $0.0e+00;
	v10 =	vimm.f32 $0.0e+00;
	s14 =	simm.s32 $0x0;
	s15 =	simm.s32 $0x0;
	[bflag:$0x0] =	sbarrier.arrive $0xFFFF  }
.LBB2_4:
0x67: {  	s16 =	smul.u32 $0xC8, s15;
	_ =	sdelay $0x1  }
0x68: {  	s16 =	sadd.s32 s19, s16  }
0x69: {  	s17 =	sshll.u32 s16, $0x4  }
0x6a: {  	s18 =	sadd.s32 s5, s17  }
0x6b: {  	[tilespmem:s28], [sflag:$0x2] =	stream.linear.gather [hbm4b:s18+s1], $0x6400, $0x38;
	[tilespmem:$0x1FD80] =	vst v63  }
0x6c: {  	s20 =	sadd.s32 s2, s17  }
0x6d: {  	[tilespmem:s24], [sflag:$0x3] =	stream.linear.gather [hbm4b:s20+s1], $0x6400, $0x38;
	[tilespmem:$0x1FD80] =	vst v63  }
0x6e: {  	p1 =	seq.s32 s15, $0x0;
	s17 =	sadd.s32 s3, s17  }
0x6f: {  	[tilespmem:s29], [sflag:$0x4] =	stream.linear.gather [hbm4b:s17+s1], $0x6400, $0x38;
	[tilespmem:$0x1FD80] =	vst v63  }
0x70: {  	s17 =	simm.s32 @!p1 $0x5  }
0x71: {  	_ =	swait.ge @!p1 [sflag:s17], $0x6400  }
0x72: {  	[sflag:s17] =	ssyncset.done @!p1 $0x0  }
0x73: {  	[sflag:s17] =	ssyncadd.s32 @!p1 $0xFFFF9C00;
	s17 =	simm.s32 @!p1 $0x6  }
0x74: {  	_ =	swait.ge @!p1 [sflag:s17], $0x6400  }
0x75: {  	s16 =	sshrl.u32 s16, $0x3;
	[sflag:s17] =	ssyncset.done @!p1 $0x0  }
0x76: {  	s16 =	sadd.s32 s6, s16;
	[sflag:s17] =	ssyncadd.s32 @!p1 $0xFFFF9C00  }
0x77: {  	[tilespmem:s14], [sflag:$0x1] =	stream.linear.gather [hbm4b:s16+s14], $0xC8, $0x38;
	[tilespmem:$0x1FD80] =	vst v63  }
0x78: {  	_ =	swait.ge [sflag:s30], $0x6400  }
0x79: {  	[sflag:s30] =	ssyncset.done $0x0  }
0x7a: {  	[sflag:s30] =	ssyncadd.s32 $0xFFFF9C00  }
0x7b: {  	_ =	swait.ge [sflag:s31], $0x6400  }
0x7c: {  	[sflag:s31] =	ssyncset.done $0x0  }
0x7d: {  	[sflag:s31] =	ssyncadd.s32 $0xFFFF9C00  }
0x7e: {  	_ =	swait.ge [sflag:s0], $0x6400  }
0x7f: {  	[sflag:s0] =	ssyncset.done $0x0  }
0x80: {  	s17 =	simm.s32 $0x0;
	[sflag:s0] =	ssyncadd.s32 $0xFFFF9C00  }
0x81: {  	v16 =	vld [tilespmem:s17+$0xC900]  }
0x82: {  	v9 =	vld [tilespmem:s17+$0x170]  }
0x83: {  	v12 =	vld [tilespmem:s17+$0x140]  }
0x84: {  	v13 =	vld [tilespmem:s17+$0x110]  }
0x85: {  	v14 =	vld [tilespmem:s17+$0x6500]  }
0x86: {  	v15 =	vld [tilespmem:s17+$0x160]  }
0x87: {  	v17 =	vld [tilespmem:s17+$0x120]  }
0x88: {  	v18 =	vld [tilespmem:s17+$0x150];
	v8 =	vadd.f32 v12, v8  }
0x89: {  	v19 =	vld [tilespmem:s17+$0x130];
	vm1 =	veq.s32 v16, v1;
	v11 =	vadd.f32 v13, v11  }
0x8a: {  	s16 =	simm.s32 $0x80;
	v20 =	vld [tilespmem:s17+$0x100];
	v3 =	vadd.f32 v14, v3;
	v21 =	vsel vm1, v8, v12  }
0x8b: {  	v1 =	vld [tilespmem:s16+$0xC900];
	v5 =	vadd.f32 v15, v5;
	v22 =	vsel vm1, v11, v13;
	[tilespmem:s17+$0x12D40] =	vst v21  }
0x8c: {  	v2 =	vadd.f32 v9, v2;
	v11 =	vsel vm1, v3, v14;
	v23 =	vld [tilespmem:s16+$0x170];
	[tilespmem:s17+$0x12D10] =	vst v22  }
0x8d: {  	v3 =	vsel vm1, v5, v15;
	v8 =	vld [tilespmem:s16+$0x140];
	[tilespmem:s17+$0x19100] =	vst v11  }
0x8e: {  	v2 =	vsel vm1, v2, v9;
	v9 =	vadd.f32 v18, v4;
	v12 =	vld [tilespmem:s16+$0x110];
	[tilespmem:s17+$0x12D60] =	vst v3  }
0x8f: {  	v7 =	vadd.f32 v17, v7;
	v13 =	vadd.f32 v20, v10;
	v5 =	vld [tilespmem:s16+$0x6500]  }
0x90: {  	v15 =	vadd.f32 v19, v6;
	v10 =	vsel vm1, v9, v18;
	v4 =	vld [tilespmem:s16+$0x160];
	[tilespmem:s17+$0x12D70] =	vst v2  }
0x91: {  	v6 =	vsel vm1, v7, v17;
	v13 =	vsel vm1, v13, v20;
	v9 =	vld [tilespmem:s16+$0x120];
	[tilespmem:s17+$0x12D50] =	vst v10;
	v2 =	vadd.f32 v23, v2  }
0x92: {  	v15 =	vsel vm1, v15, v19;
	vm1 =	veq.s32 v1, v16;
	v14 =	vld [tilespmem:s16+$0x150];
	[tilespmem:s17+$0x12D00] =	vst v13;
	v17 =	vadd.f32 v8, v21  }
0x93: {  	s18 =	simm.s32 $0x400;
	v7 =	vld [tilespmem:s16+$0x130];
	[tilespmem:s17+$0x12D30] =	vst v15;
	v16 =	vadd.f32 v12, v22;
	v2 =	vsel vm1, v2, v23  }
.LBB2_5:
0x94: {  	s20 =	sshra.s32 s18, $0x2;
	p1 =	sne.s32 s18, $0x18E00;
	s18 =	sadd.s32 $0x200, s18;
	v18 =	vld [tilespmem:s16+$0x100];
	v17 =	vsel vm1, v17, v8;
	v8 =	vadd.f32 v5, v11;
	[tilespmem:s17+$0x12D20] =	vst v6;
	v19 =	vmov v1  }
0x95: {  	s17 =	smov.u32 s16;
	v1 =	vld [tilespmem:s20+$0xC900];
	v16 =	vsel vm1, v16, v12;
	[tilespmem:s16+$0x12D40] =	vst v17;
	v3 =	vadd.f32 v4, v3;
	s16 =	smov.u32 s20  }
0x96: {  	v20 =	vld [tilespmem:s16+$0x170];
	[tilespmem:s17+$0x12D10] =	vst v16;
	v11 =	vsel vm1, v8, v5  }
0x97: {  	v8 =	vld [tilespmem:s16+$0x140];
	v10 =	vadd.f32 v14, v10;
	v3 =	vsel vm1, v3, v4;
	[tilespmem:s17+$0x19100] =	vst v11  }
0x98: {  	v6 =	vadd.f32 v9, v6;
	v12 =	vld [tilespmem:s16+$0x110];
	[tilespmem:s17+$0x12D60] =	vst v3  }
.Ltmp1:
0x99: {  	v15 =	vadd.f32 v7, v15;
	v5 =	vld [tilespmem:s16+$0x6500];
	v13 =	vadd.f32 v18, v13;
	v10 =	vsel vm1, v10, v14;
	(pc) =	sbr.rel @p1 .LBB2_5-.Ltmp1, $4  }
0x9a: {  	v6 =	vsel vm1, v6, v9;
	v4 =	vld [tilespmem:s16+$0x160];
	[tilespmem:s17+$0x12D70] =	vst v2  }
0x9b: {  	v15 =	vsel vm1, v15, v7;
	v9 =	vld [tilespmem:s16+$0x120];
	v2 =	vadd.f32 v20, v2;
	v13 =	vsel vm1, v13, v18;
	[tilespmem:s17+$0x12D50] =	vst v10  }
0x9c: {  	vm1 =	veq.s32 v1, v19;
	v17 =	vadd.f32 v8, v17;
	v14 =	vld [tilespmem:s16+$0x150];
	[tilespmem:s17+$0x12D00] =	vst v13  }
0x9d: {  	v16 =	vadd.f32 v12, v16;
	v7 =	vld [tilespmem:s16+$0x130];
	v2 =	vsel vm1, v2, v20;
	[tilespmem:s17+$0x12D30] =	vst v15  }
0x9e: {  	v18 =	vld [tilespmem:s16+$0x100];
	v8 =	vsel vm1, v17, v8;
	[tilespmem:s17+$0x12D20] =	vst v6  }
0x9f: {  	v59 =	vadd.f32 v5, v11;
	[tilespmem:s16+$0x12D40] =	vst v8  }
0xa0: {  	v11 =	vsel vm1, v16, v12;
	v60 =	vadd.f32 v4, v3;
	[tilespmem:s16+$0x12D70] =	vst v2  }
0xa1: {  	[tilespmem:s16+$0x12D10] =	vst v11;
	v3 =	vsel vm1, v59, v5;
	v10 =	vadd.f32 v14, v10  }
0xa2: {  	v5 =	vsel vm1, v60, v4;
	[tilespmem:s16+$0x19100] =	vst v3;
	v62 =	vadd.f32 v7, v15  }
0xa3: {  	v63 =	vadd.f32 v9, v6;
	[tilespmem:s16+$0x12D60] =	vst v5;
	v4 =	vsel vm1, v10, v14  }
0xa4: {  	v61 =	vadd.f32 v18, v13;
	[tilespmem:s16+$0x12D50] =	vst v4;
	v6 =	vsel vm1, v62, v7  }
0xa5: {  	v7 =	vsel vm1, v63, v9;
	[tilespmem:s16+$0x12D30] =	vst v6  }
0xa6: {  	v10 =	vsel vm1, v61, v18;
	[tilespmem:s16+$0x12D20] =	vst v7  }
0xa7: {  	s15 =	sadd.s32 $0x1, s15;
	[tilespmem:s16+$0x12D00] =	vst v10  }
0xa8: {  	p1 =	sne.s32 s15, $0x32;
	_ =	swait.ge [sflag:s4], $0xC8  }
.Ltmp2:
0xa9: {  	[sflag:s4] =	ssyncset.done $0x0;
	(pc) =	sbr.rel @p1 .LBB2_4-.Ltmp2, $4  }
0xaa: {  	[sflag:s4] =	ssyncadd.s32 $0xFFFFFF38  }
0xab: {  	[hbm4b:s7+s9] =	stream.indirect.scatter [tilespmem:s10], [sflag:$0x5], $0x80, s1, s9, $0xb8;
	[tilespmem:$0x1FD80] =	vst v63  }
0xac: {  	_ = 	snop  }
0xad: {  	[hbm4b:s8+s9] =	stream.indirect.scatter [tilespmem:s26], [sflag:$0x6], $0x80, s1, s9, $0xb8;
	[tilespmem:$0x1FD80] =	vst v63  }
0xae: {  	_ =	swait.ge [sflag:s11], $0x6400  }
0xaf: {  	[sflag:s11] =	ssyncset.done $0x0  }
0xb0: {  	[sflag:s11] =	ssyncadd.s32 $0xFFFF9C00  }
0xb1: {  	_ =	swait.ge [sflag:s12], $0x6400  }
0xb2: {  	[sflag:s12] =	ssyncset.done $0x0  }
0xb3: {  	[sflag:s12] =	ssyncadd.s32 $0xFFFF9C00  }
0xb4: {  	[tilespmem:$0x1F580] =	vst v10  }
0xb5: {  	[tilespmem:$0x1F500] =	vst v0  }
0xb6: {  	[tilespmem:$0x1F590] =	vst v11  }
0xb7: {  	[tilespmem:$0x1F510] =	vst v0  }
0xb8: {  	[tilespmem:$0x1F5A0] =	vst v7  }
0xb9: {  	[tilespmem:$0x1F520] =	vst v0  }
0xba: {  	[tilespmem:$0x1F5B0] =	vst v6  }
0xbb: {  	[tilespmem:$0x1F530] =	vst v0  }
0xbc: {  	[tilespmem:$0x1F5C0] =	vst v8  }
0xbd: {  	[tilespmem:$0x1F540] =	vst v0  }
0xbe: {  	[tilespmem:$0x1F5D0] =	vst v4  }
0xbf: {  	[tilespmem:$0x1F550] =	vst v0  }
0xc0: {  	[tilespmem:$0x1F5E0] =	vst v5  }
0xc1: {  	[tilespmem:$0x1F560] =	vst v0  }
0xc2: {  	[tilespmem:$0x1F5F0] =	vst v2  }
0xc3: {  	[tilespmem:$0x1F570] =	vst v0  }
0xc4: {  	[tilespmem:$0x1F980] =	vst v3  }
0xc5: {  	v1 =	vsel vm0, $0xFFFFFFFF, v1;
	[tilespmem:$0x1F900] =	vst v0  }
0xc6: {  	s15 =	simm.s32 $0x1F500;
	s14 =	rddreg [dreg:$0xd];
	[tilespmem:$0x1FD00] =	vst v1  }
0xc7: {  	[hbm4b:s14+s1] =	stream.linear.scatter [tilespmem:s15], [sflag:$0x7], $0x400, $0x38;
	[tilespmem:$0x1FD80] =	vst v63  }
0xc8: {  	_ =	swait.ge [sflag:s25], $0x400  }
0xc9: {  	[sflag:s25] =	ssyncset.done $0x0  }
0xca: {  	s18 =	simm.s32 $0x1F900;
	[sflag:s25] =	ssyncadd.s32 $0xFFFFFC00  }
0xcb: {  	[hbm4b:s21+s1] =	stream.linear.scatter [tilespmem:s18], [sflag:$0x7], $0x400, $0x38;
	[tilespmem:$0x1FD80] =	vst v63  }
0xcc: {  	s13 =	sadd.s32 $0x1, s13;
	_ =	swait.ge [sflag:s25], $0x400  }
0xcd: {  	p1 =	sne.s32 s13, s23;
	[sflag:s25] =	ssyncset.done $0x0  }
.Ltmp3:
0xce: {  	s20 =	simm.s32 $0x1FD00;
	[sflag:s25] =	ssyncadd.s32 $0xFFFFFC00;
	(pc) =	sbr.rel @p1 .LBB2_1-.Ltmp3, $4  }
0xcf: {  	[hbm4b:s22+s1] =	stream.linear.scatter [tilespmem:s20], [sflag:$0x7], $0x8, $0x38;
	[tilespmem:$0x1FD80] =	vst v63  }
0xd0: {  	_ =	swait.ge [sflag:s25], $0x8  }
0xd1: {  	[sflag:s25] =	ssyncset.done $0x0  }
0xd2: {  	[sflag:s25] =	ssyncadd.s32 $0xFFFFFFF8  }
0xd3: {  	_ =	sfence.sel $0x180000  }
0xd4: {  	[bflag:$0x0] =	sbarrier.arrive $0xFFFF  }
0xd5: {  	_ =	strace $0x90000050  }
0xd6: {  	s0 =	stileid.u32;
	[bflag:$0x2] =	sbarrier.arrive $0xFFFF  }
0xd7: {  	p0 =	sne.s32 s0, $0x0;
	s0 =	rddreg [dreg:$0x2]  }
0xd8: {  	s0 =	sadd.s32 @!p0 $0x100000, s0  }
0xd9: {  	[sflag:s0] =	ssyncadd.tile.s32 @!p0 $0x1;
	_ =	shalt  }
.Lfunc_end2:
_tile_overlayer_lowered:
.L_overlay_start_2:
0xda: {  	(tag) =	ssettag $0x2  }
0xdb: {  	s0 =	rddreg [dreg:$0x0];
	s2 =	stileid.u32  }
0xdc: {  	s1 =	rddreg [dreg:$0x1];
	p0 =	sne.s32 s2, $0x0  }
0xdd: {  	s3 =	rddreg [dreg:$0x2];
	[bflag:$0x3] =	sbarrier.arrive $0xFFFF;
	s2 =	simm.s32 @!p0 $0x1C07  }
0xde: {  	[timem:s3], [sflag:s2] =	dma.local @!p0 [hbm:s0], s1  }
0xdf: {  	s0 =	simm.s32 @!p0 $0x7  }
0xe0: {  	_ =	swait.ge @!p0 [sflag:s0], s1  }
0xe1: {  	s1 =	ssub.s32 @!p0 $0x0, s1;
	[sflag:s0] =	ssyncset.done @!p0 $0x0  }
0xe2: {  	[sflag:s0] =	ssyncadd.s32 @!p0 s1  }
0xe3: {  	[bflag:$0x3] =	sbarrier.arrive $0xFFFF  }
0xe4: {  	_ =	shalt  }

// kernel: kernel.8.cloned.1.call-start
scs
__scs_entry_jumppad:
0x0: {  	(pc) =	sbr.rel $0x88, $3  }
0x1: {  	(tag) =	ssettag $0x0;
	lr =	simm.s32 $0x1  }
0x2: {  	[smem:$0x3F93] =	sst lr;
	_ =	strace $0xD0000000  }
0x3: {  	_ = 	snop  }
0x4: {  	_ = 	snop  }
0x5: {  	_ = 	snop  }
0x6: {  	_ = 	snop  }
0x7: {  	_ = 	snop  }
__scs_overlays_trampoline_lowered:
0x8: {  	[smem:$0x3FA2] =	sst s0  }
0x9: {  	[smem:$0x3FA3] =	sst s1  }
0xa: {  	[smem:$0x3FA4] =	sst s2  }
0xb: {  	[smem:$0x3FA5] =	sst s3  }
0xc: {  	[smem:$0x3FA6] =	sst s4  }
0xd: {  	[smem:$0x3FA7] =	sst s5  }
0xe: {  	[smem:$0x3FA8] =	sst s6  }
0xf: {  	[smem:$0x3FA9] =	sst s7  }
0x10: {  	[smem:$0x3FAA] =	sst s8  }
0x11: {  	[smem:$0x3FAB] =	sst s9;
	s0 =	simm.s32 @!p0 $0x0  }
0x12: {  	s1 =	sld [smem:$0x3F91];
	s0 =	simm.s32 @p0 $0x1  }
0x13: {  	[smem:$0x3FAC] =	sst s0;
	s0 =	simm.s32 @!p1 $0x0  }
0x14: {  	s2 =	sld [smem:$0x3F90];
	s0 =	simm.s32 @p1 $0x1  }
0x15: {  	[smem:$0x3FAD] =	sst s0;
	s0 =	simm.s32 @!p2 $0x0  }
0x16: {  	s3 =	sld [smem:$0x3FDB];
	s0 =	simm.s32 @p2 $0x1  }
0x17: {  	s4 =	simm.s32 $0x1BF5;
	[smem:$0x3FAF] =	sst s0  }
0x18: {  	s0 =	sld [smem:$0x3F92];
	_ =	swait.ge [sflag:s4], $0x0  }
0x19: {  	s7 =	sld [smem:$0x3F93]  }
0x1a: {  	s8 =	sadd.s32 $0xFFFFE003, lr  }
0x1b: {  	s9 =	sadd.s32 $0xFFFFFEF7, lr;
	s5 =	simm.s32 $0xFFFFFFFF;
	p2 =	slt.u32 s8, $0xFFFFF086  }
0x1c: {  	p1 =	slt.u32 s9, $0xF7A;
	s5 =	simm.s32 @!p2 $0x0  }
0x1d: {  	s5 =	simm.s32 @p1 $0x1;
	p0 =	seq.s32 s7, s2  }
0x1e: {  	s7 =	smul.u32 @!p0 $0xF7A, s2;
	p2 =	seq.s32 @!p0 s5, $0x0  }
0x1f: {  	s9 =	smul.u32 $0xF7A, s1;
	s8 =	simm.s32 @!p0 $0x1BF5;
	p2 =	por !p2, p0  }
0x20: {  	[sflag:s8] =	ssyncset.s32 @!p0 $0xFFFFF086;
	s6 =	sadd.s32 @!p0 s3, s7;
	s7 =	simm.s32 @!p0 $0x108  }
0x21: {  	s3 =	sadd.s32 s3, s9;
	s6 =	sadd.s32 @!p0 $0x88, s6;
	s7 =	simm.s32 @p2 $0x1082  }
0x22: {  	[simem:s7], [sflag:s8] =	dma.local @!p0 [hbm:s6], $0xF7A  }
0x23: {  	s9 =	sor.u32 $0xD0000000, s2;
	s6 =	simm.s32 $0x108;
	_ =	swait.ge @!p0 [sflag:s8], $0x0  }
0x24: {  	s3 =	sadd.s32 $0x88, s3;
	s6 =	simm.s32 @!p1 $0x1082;
	[sflag:s4] =	ssyncset.s32 $0xFFFFF086  }
0x25: {  	[simem:s6], [sflag:s4] =	dma.local [hbm:s3], $0xF7A  }
0x26: {  	[smem:$0x3F93] =	sst s1;
	(tag) =	ssettag s2;
	_ =	strace s9  }
0x27: {  	s1 =	sld [smem:$0x3FA3]  }
0x28: {  	s2 =	sld [smem:$0x3FA4]  }
0x29: {  	s4 =	sld [smem:$0x3FA6]  }
0x2a: {  	p0 =	seq.s32 s5, $0x0;
	s5 =	sld [smem:$0x3FA7]  }
0x2b: {  	s6 =	sld [smem:$0x3FA8]  }
0x2c: {  	s7 =	sld [smem:$0x3FA9]  }
0x2d: {  	s3 =	simm.s32 $0x108;
	s8 =	sld [smem:$0x3FAA]  }
0x2e: {  	s3 =	simm.s32 @!p0 $0x1082;
	s9 =	sld [smem:$0x3FAB]  }
0x2f: {  	lr =	sadd.s32 s0, s3;
	s0 =	sld [smem:$0x3FA2]  }
0x30: {  	s3 =	sld [smem:$0x3FA5]  }
0x31: {  	[smem:$0x3FAE] =	sst s10  }
0x32: {  	s10 =	sld [smem:$0x3FAC];
	_ =	sdelay $0x3  }
0x33: {  	p0 =	seq.s32 s10, $0x1;
	s10 =	sld [smem:$0x3FAE];
	_ =	sdelay $0x3  }
0x34: {  	[smem:$0x3FAE] =	sst s10  }
0x35: {  	s10 =	sld [smem:$0x3FAD];
	_ =	sdelay $0x3  }
0x36: {  	p1 =	seq.s32 s10, $0x1;
	s10 =	sld [smem:$0x3FAE];
	_ =	sdelay $0x3  }
0x37: {  	[smem:$0x3FAE] =	sst s10  }
0x38: {  	s10 =	sld [smem:$0x3FAF]  }
0x39: {  	_ = 	snop;
	(pc) =	sbr.ind lr, $3  }
0x3a: {  	_ = 	snop  }
0x3b: {  	_ = 	snop  }
0x3c: {  	p2 =	seq.s32 s10, $0x1;
	s10 =	sld [smem:$0x3FAE]  }
0x3d: {  	_ =	shalt  }
0x3e: {  	_ =	shalt  }
0x3f: {  	_ =	shalt  }
0x40: {  	_ =	shalt  }
0x41: {  	_ =	shalt  }
0x42: {  	_ =	shalt  }
0x43: {  	_ =	shalt  }
0x44: {  	_ =	shalt  }
0x45: {  	_ =	shalt  }
0x46: {  	_ =	shalt  }
0x47: {  	_ =	shalt  }
0x48: {  	_ =	shalt  }
0x49: {  	_ =	shalt  }
0x4a: {  	_ =	shalt  }
0x4b: {  	_ =	shalt  }
0x4c: {  	_ =	shalt  }
0x4d: {  	_ =	shalt  }
0x4e: {  	_ =	shalt  }
0x4f: {  	_ =	shalt  }
0x50: {  	_ =	shalt  }
0x51: {  	_ =	shalt  }
0x52: {  	_ =	shalt  }
0x53: {  	_ =	shalt  }
0x54: {  	_ =	shalt  }
0x55: {  	_ =	shalt  }
0x56: {  	_ =	shalt  }
0x57: {  	_ =	shalt  }
0x58: {  	_ =	shalt  }
0x59: {  	_ =	shalt  }
0x5a: {  	_ =	shalt  }
0x5b: {  	_ =	shalt  }
0x5c: {  	_ =	shalt  }
0x5d: {  	_ =	shalt  }
0x5e: {  	_ =	shalt  }
0x5f: {  	_ =	shalt  }
0x60: {  	_ =	shalt  }
0x61: {  	_ =	shalt  }
0x62: {  	_ =	shalt  }
0x63: {  	_ =	shalt  }
0x64: {  	_ =	shalt  }
0x65: {  	_ =	shalt  }
0x66: {  	_ =	shalt  }
0x67: {  	_ =	shalt  }
0x68: {  	_ =	shalt  }
0x69: {  	_ =	shalt  }
0x6a: {  	_ =	shalt  }
0x6b: {  	_ =	shalt  }
0x6c: {  	_ =	shalt  }
0x6d: {  	_ =	shalt  }
0x6e: {  	_ =	shalt  }
0x6f: {  	_ =	shalt  }
0x70: {  	_ =	shalt  }
0x71: {  	_ =	shalt  }
0x72: {  	_ =	shalt  }
0x73: {  	_ =	shalt  }
0x74: {  	_ =	shalt  }
0x75: {  	_ =	shalt  }
0x76: {  	_ =	shalt  }
0x77: {  	_ =	shalt  }
0x78: {  	_ =	shalt  }
0x79: {  	_ =	shalt  }
0x7a: {  	_ =	shalt  }
0x7b: {  	_ =	shalt  }
0x7c: {  	_ =	shalt  }
0x7d: {  	_ =	shalt  }
0x7e: {  	_ =	shalt  }
0x7f: {  	_ =	shalt  }
0x80: {  	_ =	shalt  }
0x81: {  	_ =	shalt  }
0x82: {  	_ =	shalt  }
0x83: {  	_ =	shalt  }
0x84: {  	_ =	shalt  }
0x85: {  	_ =	shalt  }
0x86: {  	_ =	shalt  }
0x87: {  	_ =	shalt  }
.Lfunc_end0:
.L_simem_size_0:
called_computation.2_lowered:
.L_overlay_start_0:
0x88: {  	s2 =	sld [smem:$0x3FD9]  }
0x89: {  	s3 =	sld [smem:$0x3FFE];
	_ =	sdelay $0x1  }
0x8a: {  	s1 =	srdreg.scid  }
0x8b: {  	s0 =	sand.u32 $0x1, s1  }
0x8c: {  	s17 =	sshll.u32 s0, $0xA;
	s2 =	sadd.s32 s3, s2  }
0x8d: {  	s2 =	sadd.s32 s2, s17  }
0x8e: {  	[smem:$0x3FBA] =	sst s2  }
0x8f: {  	_ = 	snop  }
0x90: {  	s2 =	sld [smem:$0x3FD0];
	(tm) =	ssettm $0x1  }
0x91: {  	s18 =	sld [smem:$0x3FFB];
	_ =	sdelay $0x3  }
0x92: {  	_ =	strace s18  }
0x93: {  	s3 =	sld [smem:$0x3FFC];
	_ =	sdelay $0x3  }
0x94: {  	_ =	strace s3  }
0x95: {  	s3 =	sld [smem:$0x3FFD];
	_ =	sdelay $0x3  }
0x96: {  	_ =	strace s3  }
0x97: {  	_ =	strace $0x8FFFFFFF  }
0x98: {  	s19 =	sld [smem:$0x3FDB];
	_ =	sdelay $0x1  }
0x99: {  	s4 =	simm.s32 $_scs_section_size  }
0x9a: {  	s5 =	simm.s32 $_size__tile_overlayer_lowered;
	s6 =	simm.s32 $_tile_overlayer_lowered  }
0x9b: {  	s22 =	simm.s32 $0x1BFF;
	s21 =	sshll.u32 s6, $0x1;
	s3 =	sadd.s32 s4, s19  }
0x9c: {  	s7 =	simm.s32 $0x0;
	s20 =	sshll.u32 s5, $0x1;
	s5 =	sadd.s32 s21, s3  }
0x9d: {  	[timem:s7], [sflag:s22] =	dma.local [hbm:s5], s20  }
0x9e: {  	_ =	swait.ge [sflag:s22], s20  }
0x9f: {  	s4 =	ssub.s32 $0x0, s20;
	[sflag:s22] =	ssyncset.done $0x0  }
0xa0: {  	[sflag:s22] =	ssyncadd.s32 s4;
	_ =	sdelay $0x1  }
0xa1: {  	s23 =	simm.s32 $0x1B8B  }
0xa2: {  	_ =	swait.ge [sflag:s23], $0x1  }
0xa3: {  	[sflag:s23] =	ssyncset.done $0x0  }
0xa4: {  	s25 =	simm.s32 $0x1B8E;
	s24 =	sld [smem:$0x3FFE];
	[sflag:s23] =	ssyncadd.s32 $0xFFFFFFFF  }
0xa5: {  	s26 =	simm.s32 $execute0_lowered;
	[smem:$0x3FD2] =	sst s25  }
0xa6: {  	s5 =	sshll.u32 s26, $0x1;
	_ =	strace $0x8000004C;
	[dreg:$0x1] =	wrdreg $0xFFFFFFFF  }
0xa7: {  	s28 =	simm.s32 $_size_execute0_lowered;
	s3 =	sadd.s32 s3, s5;
	[dreg:$0x0] =	wrdreg $0x0  }
0xa8: {  	s5 =	sshll.u32 s28, $0x1;
	[dreg:$0x2] =	wrdreg s3  }
0xa9: {  	[dreg:$0x3] =	wrdreg s5  }
0xaa: {  	[dreg:$0x4] =	wrdreg $0xC0  }
0xab: {  	_ =	task [dreg:s7], $0x5FFFF  }
0xac: {  	[dreg:$0x1] =	wrdreg $0xFFFFFFFF  }
0xad: {  	[dreg:$0x0] =	wrdreg $0x60  }
0xae: {  	[dreg:$0x2] =	wrdreg s2  }
0xaf: {  	[dreg:$0x3] =	wrdreg s24  }
0xb0: {  	[dreg:$0x4] =	wrdreg $0x9  }
0xb1: {  	_ =	task.clear_ibuf [dreg:s7], $0x5FFFF;
	_ =	strace $0x9000004C  }
0xb2: {  	s29 =	simm.s32 $0x9;
	_ =	strace $0x8000004E  }
0xb3: {  	_ =	swait.ge [sflag:s29], $0x1  }
0xb4: {  	[sflag:s29] =	ssyncadd.s32 $0xFFFFFFFF  }
0xb5: {  	_ =	strace $0x9000004E  }
0xb6: {  	_ =	sfence  }
0xb7: {  	s30 =	sld [smem:$0x0];
	_ =	sdelay $0x2  }
0xb8: {  	s31 =	sshll.u32 s1, $0xD;
	s1 =	sshrl.u32 s1, $0x2  }
0xb9: {  	s3 =	sand.u32 $0x4000, s31;
	s1 =	sadd.s32 s1, s30  }
0xba: {  	s0 =	sor.u32 s3, s0;
	s1 =	sshll.u32 s1, $0x11  }
0xbb: {  	s0 =	sor.u32 s1, s0  }
0xbc: {  	s0 =	sadd.s32 $0x8F2B, s0  }
0xbd: {  	[sflag:s0] =	ssyncadd.remote.s32 $0x1  }
0xbe: {  	_ =	sfence.sel $0xFFFF  }
0xbf: {  	[dreg:$0x0] =	wrdreg $0xFFFFFFFF;
	(pc) =	sbr.abs _section_cstart, $3  }
0xc0: {  	[dreg:$0x1] =	wrdreg $0xFFFFFFFF  }
0xc1: {  	_ =	task.clear_ibuf [dreg:s7], $0x2FFFF;
	_ =	strace $0x9FFFFFFF  }
0xc2: {  	(tm) =	ssettm $0x7FFFFFFF  }
0xc3: {  	_ =	shalt  }
tec
execute0_lowered:
.L_overlay_start_1:
0x0: {  	(tag) =	ssettag $0x1  }
0x1: {  	s1 =	rddreg [dreg:$0x0]  }
0x2: {  	s6 =	rddreg [dreg:$0x1];
	s2 =	srdreg.scid  }
0x3: {  	s0 =	rddreg [dreg:$0x2];
	s3 =	simm.s32 $0x0;
	s12 =	simm.s32 $0x4  }
0x4: {  	s13 =	simm.s32 $0x100;
	s14 =	simm.s32 $0xC8;
	s15 =	simm.s32 $0x200  }
0x5: {  	s16 =	simm.s32 $0x6600;
	s17 =	simm.s32 $0xCA00;
	s18 =	simm.s32 $0x1  }
0x6: {  	s19 =	simm.s32 $0x2;
	s20 =	simm.s32 $0x3;
	s7 =	sand.u32 $0x1, s2  }
0x7: {  	s21 =	simm.s32 $0x0;
	s2 =	stileid.u32;
	s8 =	smul.u32 $0x27100, s7  }
0x8: {  	[smem:$0x7FF] =	sst s3;
	s4 =	sadd.s32 $0x21C00, s6;
	s9 =	smul.u32 $0x2710, s2  }
0x9: {  	s5 =	sadd.s32 $0x48E00, s6;
	s10 =	smul.u32 $0x271000, s7;
	s7 =	ssub.s32 $0x2, s7  }
0xa: {  	_ =	strace $0x8000004D;
	s11 =	smul.u32 $0x27100, s2;
	s30 =	sshrl.u32 s7, $0x1  }
0xb: {  	s8 =	sadd.s32 s9, s8;
	s29 =	sadd.s32 s10, s6;
	s7 =	ssub.s32 s7, s30  }
0xc: {  	s8 =	sshrl.u32 s8, $0x3;
	s9 =	sadd.s32 s11, s29;
	s7 =	smax.u32 s7, $0x1  }
0xd: {  	s31 =	sadd.s32 s8, s6;
	s6 =	sadd.s32 $0x83C00, s9;
	s8 =	sadd.s32 $0x565C00, s9  }
0xe: {  	s9 =	sadd.s32 $0xA47C00, s9;
	s10 =	sadd.s32 $0x79E00, s31;
	s11 =	sadd.s32 $0x70000, s31  }
.LBB2_1:
0xf: {  	[tilespmem:s3], [sflag:$0x4] =	stream.linear.gather [hbm4b:s11+s3], $0xC8, $0x38;
	[tilespmem:$0x12E00] =	vst v63  }
0x10: {  	_ =	swait.ge [sflag:s12], $0xC8  }
0x11: {  	[sflag:s12] =	ssyncset.done $0x0  }
0x12: {  	[sflag:s12] =	ssyncadd.s32 $0xFFFFFF38  }
0x13: {  	[tilespmem:s13], [sflag:$0x4] =	stream.linear.gather [hbm4b:s10+s3], $0xC8, $0x38;
	[tilespmem:$0x12E00] =	vst v63  }
0x14: {  	_ =	swait.ge [sflag:s12], $0xC8  }
0x15: {  	[sflag:s12] =	ssyncset.done $0x0  }
0x16: {  	[sflag:s12] =	ssyncadd.s32 $0xFFFFFF38  }
0x17: {  	[tilespmem:s15], [sflag:$0x1] =	stream.indirect.gather [hbm4b:s1+s14], $0x80, s3, s14, $0xb8;
	[tilespmem:$0x12E00] =	vst v63  }
0x18: {  	_ = 	snop  }
0x19: {  	[tilespmem:s16], [sflag:$0x2] =	stream.indirect.gather [hbm4b:s4+s14], $0x80, s13, s14, $0xb8;
	[tilespmem:$0x12E00] =	vst v63  }
0x1a: {  	_ = 	snop  }
0x1b: {  	[tilespmem:s17], [sflag:$0x3] =	stream.indirect.gather [hbm4b:s5+s14], $0x80, s13, s14, $0xb8;
	[tilespmem:$0x12E00] =	vst v63  }
0x1c: {  	_ =	swait.ge [sflag:s18], $0x6400  }
0x1d: {  	[sflag:s18] =	ssyncset.done $0x0  }
0x1e: {  	[sflag:s18] =	ssyncadd.s32 $0xFFFF9C00  }
0x1f: {  	_ =	swait.ge [sflag:s19], $0x6400  }
0x20: {  	[sflag:s19] =	ssyncset.done $0x0  }
0x21: {  	[sflag:s19] =	ssyncadd.s32 $0xFFFF9C00  }
0x22: {  	_ =	swait.ge [sflag:s20], $0x6400  }
0x23: {  	[sflag:s20] =	ssyncset.done $0x0  }
0x24: {  	s22 =	sadd.s32 $0x0, s6;
	[sflag:s20] =	ssyncadd.s32 $0xFFFF9C00  }
0x25: {  	[hbm4b:s22+s3] =	stream.linear.scatter [tilespmem:s15], [sflag:$0x4], $0x6400, $0x38;
	[tilespmem:$0x12E00] =	vst v63  }
0x26: {  	_ =	swait.ge [sflag:s12], $0x6400  }
0x27: {  	[sflag:s12] =	ssyncset.done $0x0  }
0x28: {  	s30 =	sadd.s32 $0x0, s8;
	[sflag:s12] =	ssyncadd.s32 $0xFFFF9C00  }
0x29: {  	[hbm4b:s30+s3] =	stream.linear.scatter [tilespmem:s16], [sflag:$0x4], $0x6400, $0x38;
	[tilespmem:$0x12E00] =	vst v63  }
0x2a: {  	_ =	swait.ge [sflag:s12], $0x6400  }
0x2b: {  	[sflag:s12] =	ssyncset.done $0x0  }
0x2c: {  	s31 =	sadd.s32 $0x0, s9;
	[sflag:s12] =	ssyncadd.s32 $0xFFFF9C00  }
0x2d: {  	[hbm4b:s31+s3] =	stream.linear.scatter [tilespmem:s17], [sflag:$0x4], $0x6400, $0x38;
	[tilespmem:$0x12E00] =	vst v63  }
0x2e: {  	s23 =	smov.u32 s10;
	_ =	swait.ge [sflag:s12], $0x6400  }
0x2f: {  	s24 =	smov.u32 s11;
	s22 =	simm.s32 $0xC80;
	[sflag:s12] =	ssyncset.done $0x0  }
.LBB2_2:
0x30: {  	[sflag:s12] =	ssyncadd.s32 $0xFFFF9C00  }
0x31: {  	s23 =	sadd.s32 $0x19, s23;
	s24 =	sadd.s32 $0x19, s24;
	s25 =	smov.u32 s22  }
0x32: {  	[tilespmem:s3], [sflag:$0x4] =	stream.linear.gather [hbm4b:s24+s3], $0xC8, $0x38;
	[tilespmem:$0x12E00] =	vst v63  }
0x33: {  	p0 =	sne.s32 s22, $0x26480;
	s22 =	sadd.s32 $0xC80, s22;
	_ =	swait.ge [sflag:s12], $0xC8  }
0x34: {  	[sflag:s12] =	ssyncset.done $0x0  }
0x35: {  	[sflag:s12] =	ssyncadd.s32 $0xFFFFFF38  }
0x36: {  	[tilespmem:s13], [sflag:$0x4] =	stream.linear.gather [hbm4b:s23+s3], $0xC8, $0x38;
	[tilespmem:$0x12E00] =	vst v63  }
0x37: {  	_ =	swait.ge [sflag:s12], $0xC8  }
0x38: {  	[sflag:s12] =	ssyncset.done $0x0  }
0x39: {  	[sflag:s12] =	ssyncadd.s32 $0xFFFFFF38  }
0x3a: {  	[tilespmem:s15], [sflag:$0x1] =	stream.indirect.gather [hbm4b:s1+s14], $0x80, s3, s14, $0xb8;
	[tilespmem:$0x12E00] =	vst v63  }
0x3b: {  	_ = 	snop  }
0x3c: {  	[tilespmem:s16], [sflag:$0x2] =	stream.indirect.gather [hbm4b:s4+s14], $0x80, s13, s14, $0xb8;
	[tilespmem:$0x12E00] =	vst v63  }
0x3d: {  	_ = 	snop  }
0x3e: {  	[tilespmem:s17], [sflag:$0x3] =	stream.indirect.gather [hbm4b:s5+s14], $0x80, s13, s14, $0xb8;
	[tilespmem:$0x12E00] =	vst v63  }
0x3f: {  	_ =	swait.ge [sflag:s18], $0x6400  }
0x40: {  	[sflag:s18] =	ssyncset.done $0x0  }
0x41: {  	[sflag:s18] =	ssyncadd.s32 $0xFFFF9C00  }
0x42: {  	_ =	swait.ge [sflag:s19], $0x6400  }
0x43: {  	[sflag:s19] =	ssyncset.done $0x0  }
0x44: {  	[sflag:s19] =	ssyncadd.s32 $0xFFFF9C00  }
0x45: {  	_ =	swait.ge [sflag:s20], $0x6400  }
0x46: {  	[sflag:s20] =	ssyncset.done $0x0  }
0x47: {  	s26 =	sadd.s32 s25, s6;
	[sflag:s20] =	ssyncadd.s32 $0xFFFF9C00  }
0x48: {  	[hbm4b:s26+s3] =	stream.linear.scatter [tilespmem:s15], [sflag:$0x4], $0x6400, $0x38;
	[tilespmem:$0x12E00] =	vst v63  }
0x49: {  	_ =	swait.ge [sflag:s12], $0x6400  }
0x4a: {  	[sflag:s12] =	ssyncset.done $0x0  }
0x4b: {  	s26 =	sadd.s32 s25, s8;
	[sflag:s12] =	ssyncadd.s32 $0xFFFF9C00  }
0x4c: {  	[hbm4b:s26+s3] =	stream.linear.scatter [tilespmem:s16], [sflag:$0x4], $0x6400, $0x38;
	[tilespmem:$0x12E00] =	vst v63  }
0x4d: {  	_ =	swait.ge [sflag:s12], $0x6400  }
.Ltmp0:
0x4e: {  	[sflag:s12] =	ssyncset.done $0x0;
	(pc) =	sbr.rel @p0 .LBB2_2-.Ltmp0, $4  }
0x4f: {  	s25 =	sadd.s32 s25, s9;
	[sflag:s12] =	ssyncadd.s32 $0xFFFF9C00  }
0x50: {  	[hbm4b:s25+s3] =	stream.linear.scatter [tilespmem:s17], [sflag:$0x4], $0x6400, $0x38;
	[tilespmem:$0x12E00] =	vst v63  }
0x51: {  	_ =	swait.ge [sflag:s12], $0x6400  }
0x52: {  	[sflag:s12] =	ssyncset.done $0x0  }
0x53: {  	s21 =	sadd.s32 $0x1, s21  }
0x54: {  	p0 =	sne.s32 s21, s7  }
.Ltmp1:
0x55: {  	_ = 	snop;
	(pc) =	sbr.rel @p0 .LBB2_1-.Ltmp1, $2  }
0x56: {  	_ =	sdelay $0x2  }
0x57: {  	[sflag:s12] =	ssyncadd.s32 $0xFFFF9C00  }
0x58: {  	_ =	sfence.sel $0x180000  }
0x59: {  	[bflag:$0x0] =	sbarrier.arrive $0xFFFF  }
0x5a: {  	p0 =	sne.s32 s2, $0x0;
	_ =	strace $0x9000004D  }
0x5b: {  	s0 =	sadd.s32 @!p0 $0x100000, s0;
	[bflag:$0x2] =	sbarrier.arrive $0xFFFF  }
0x5c: {  	[sflag:s0] =	ssyncadd.tile.s32 @!p0 $0x1;
	_ =	shalt  }
.Lfunc_end2:
_tile_overlayer_lowered:
.L_overlay_start_2:
0x5d: {  	(tag) =	ssettag $0x2  }
0x5e: {  	s0 =	rddreg [dreg:$0x0];
	s2 =	stileid.u32  }
0x5f: {  	s1 =	rddreg [dreg:$0x1];
	p0 =	sne.s32 s2, $0x0  }
0x60: {  	s3 =	rddreg [dreg:$0x2];
	[bflag:$0x3] =	sbarrier.arrive $0xFFFF;
	s2 =	simm.s32 @!p0 $0x1C04  }
0x61: {  	[timem:s3], [sflag:s2] =	dma.local @!p0 [hbm:s0], s1  }
0x62: {  	s0 =	simm.s32 @!p0 $0x4  }
0x63: {  	_ =	swait.ge @!p0 [sflag:s0], s1  }
0x64: {  	s1 =	ssub.s32 @!p0 $0x0, s1;
	[sflag:s0] =	ssyncset.done @!p0 $0x0  }
0x65: {  	[sflag:s0] =	ssyncadd.s32 @!p0 s1  }
0x66: {  	[bflag:$0x3] =	sbarrier.arrive $0xFFFF  }
0x67: {  	_ =	shalt  }

</sc_bundles>
